<compile_context>
chip_gen: v7x
topology: tpu7x:2x2x1
jax: 0.10.2.dev20260603
libtpu: 0.0.44.dev20260713+nightly
codegen_flags: <defaults>
</compile_context>

<pallas_src>
import functools

import jax
import jax.numpy as jnp
from jax import lax
from jax.experimental import pallas as pl
from jax.experimental.pallas import tpu as pltpu
from jax.experimental.pallas import tpu_sc as plsc

N = 10000
NP = 10112
D = 128
G = 64
OUT = 2
E = 320000
NC = 2
NS = 16
NW = NC * NS
CH = 128
CPT = 80
EP = NW * CPT * CH
STRIPE = NP // NS


NBUF = 2
HALVES = 2
CPH = CPT // HALVES
GROUPS = CPH // NBUF


def _deg_body(dstF, out, dst_v, hist_v):
    c = lax.axis_index("c")
    s = lax.axis_index("s")
    wid = s * NC + c
    pltpu.sync_copy(dstF.at[wid], dst_v)
    zero = jnp.zeros((16,), jnp.float32)
    one = jnp.ones((16,), jnp.float32)

    def zbody(i, carry):
        hist_v[pl.ds(i * 16, 16)] = zero
        return carry

    lax.fori_loop(0, NP // 16, zbody, 0)

    def hbody(i, carry):
        idx = dst_v[pl.ds(i * 16, 16)]
        plsc.addupdate_scatter(hist_v, [idx], one)
        return carry

    lax.fori_loop(0, (CPT * CH) // 16, hbody, 0)
    pltpu.sync_copy(hist_v, out.at[wid])


@functools.cache
def _sc_deg():
    mesh = plsc.VectorSubcoreMesh(core_axis_name="c", subcore_axis_name="s")
    return pl.kernel(
        _deg_body,
        out_type=jax.ShapeDtypeStruct((NW, NP), jnp.float32),
        mesh=mesh,
        scratch_types=[
            pltpu.VMEM((CPT * CH,), jnp.int32),
            pltpu.VMEM((NP,), jnp.float32),
        ],
        compiler_params=pltpu.CompilerParams(needs_layout_passes=False),
    )


def _agg_body(xws_hbm, srcT, dstT, zeros_hbm, out, src_v, dst_v, rows_v, acc,
              gsems, ssems):
    c = lax.axis_index("c")
    s = lax.axis_index("s")
    wid = s * NC + c
    pltpu.sync_copy(zeros_hbm, acc.at[pl.ds(s * STRIPE, STRIPE)])
    plsc.subcore_barrier()

    for h in range(HALVES):
        pltpu.sync_copy(srcT.at[wid, pl.ds(h * CPH, CPH)], src_v)
        pltpu.sync_copy(dstT.at[wid, pl.ds(h * CPH, CPH)], dst_v)

        for b in range(NBUF):
            pltpu.async_copy(xws_hbm.at[src_v.at[b]], rows_v.at[b],
                             gsems.at[b])

        def group(i, carry):
            for b in range(NBUF):
                j = i * NBUF + b
                pltpu.make_async_copy(xws_hbm.at[src_v.at[j]], rows_v.at[b],
                                      gsems.at[b]).wait()
                pltpu.async_copy(rows_v.at[b], acc.at[dst_v.at[j]],
                                 ssems.at[b], add=True)
            for b in range(NBUF):
                j = i * NBUF + b
                pltpu.make_async_copy(rows_v.at[b], acc.at[dst_v.at[j]],
                                      ssems.at[b]).wait()
                jn = j + NBUF

                @pl.when(jn < CPH)
                def _():
                    pltpu.async_copy(xws_hbm.at[src_v.at[jn]], rows_v.at[b],
                                     gsems.at[b])
            return carry

        lax.fori_loop(0, GROUPS, group, 0)

    plsc.subcore_barrier()
    pltpu.sync_copy(acc.at[pl.ds(s * STRIPE, STRIPE)],
                    out.at[c, pl.ds(s * STRIPE, STRIPE)])


@functools.cache
def _sc_agg():
    mesh = plsc.VectorSubcoreMesh(core_axis_name="c", subcore_axis_name="s")
    return pl.kernel(
        _agg_body,
        out_type=jax.ShapeDtypeStruct((NC, NP, D), jnp.float32),
        mesh=mesh,
        scratch_types=[
            pltpu.VMEM((CPH, CH), jnp.int32),
            pltpu.VMEM((CPH, CH), jnp.int32),
            pltpu.VMEM((NBUF, CH, D), jnp.float32),
            pltpu.VMEM_SHARED((NP, D), jnp.float32),
            pltpu.SemaphoreType.DMA((NBUF,)),
            pltpu.SemaphoreType.DMA((NBUF,)),
        ],
    )



def _row_mask():
    return (lax.broadcasted_iota(jnp.int32, (NP, 1), 0) < N).astype(jnp.float32)


def _prep_body(x_ref, W1_ref, degT_ref, dinv_ref, xw_ref, xws_ref):
    onesw = jnp.ones((NW, 1), jnp.float32)
    deg = lax.dot_general(degT_ref[...], onesw, (((0,), (0,)), ((), ())),
                          preferred_element_type=jnp.float32) + 1.0
    dinv = _row_mask() / jnp.sqrt(deg)
    xw = jnp.dot(x_ref[...], W1_ref[...], preferred_element_type=jnp.float32)
    dinv_ref[...] = dinv
    xw_ref[...] = xw
    xws_ref[...] = xw * dinv


def _tc_prep(xp, W1, degT):
    return pl.pallas_call(
        _prep_body,
        out_shape=[
            jax.ShapeDtypeStruct((NP, 1), jnp.float32),
            jax.ShapeDtypeStruct((NP, D), jnp.float32),
            jax.ShapeDtypeStruct((NP, D), jnp.float32),
        ],
    )(xp, W1, degT)


def _layer_body(aggP_ref, xw_ref, dinv_ref, b_ref, g_ref, be_ref, Wn_ref,
                xwn_ref, xwsn_ref):
    dinv = dinv_ref[...]
    h = (dinv * (aggP_ref[0] + aggP_ref[1])
         + (dinv * dinv) * xw_ref[...] + b_ref[...])
    mask = _row_mask()
    mean = jnp.sum(h * mask, axis=0, keepdims=True) / N
    cent = h - mean
    var = jnp.sum(cent * cent * mask, axis=0, keepdims=True) / N
    hbn = cent / jnp.sqrt(var + 1e-5) * g_ref[...] + be_ref[...]
    hr = jnp.maximum(hbn, 0.0)
    xwn = jnp.dot(hr, Wn_ref[...], preferred_element_type=jnp.float32)
    xwn_ref[...] = xwn
    xwsn_ref[...] = xwn * dinv


def _tc_layer(aggP, xw, dinv, b, g, be, Wn):
    return pl.pallas_call(
        _layer_body,
        out_shape=[
            jax.ShapeDtypeStruct((NP, D), jnp.float32),
            jax.ShapeDtypeStruct((NP, D), jnp.float32),
        ],
    )(aggP, xw, dinv, b, g, be, Wn)


def _final_body(aggP_ref, xw_ref, dinv_ref, b3_ref, batch_ref, Wlin_ref,
                blin_ref, logits_ref, prob_ref, yhat_ref):
    dinv = dinv_ref[...]
    h = (dinv * (aggP_ref[0] + aggP_ref[1])
         + (dinv * dinv) * xw_ref[...] + b3_ref[...])
    gids = lax.broadcasted_iota(jnp.int32, (1, G), 1)
    onehot = (batch_ref[...] == gids).astype(jnp.float32)
    pooled_sum = lax.dot_general(
        onehot, h, (((0,), (0,)), ((), ())),
        preferred_element_type=jnp.float32)
    counts = jnp.sum(onehot, axis=0).reshape(G, 1)
    pooled = pooled_sum / jnp.maximum(counts, 1.0)
    logits = jnp.dot(pooled, Wlin_ref[...],
                     preferred_element_type=jnp.float32) + blin_ref[...]
    m = jnp.max(logits, axis=1, keepdims=True)
    ex = jnp.exp(logits - m)
    prob = ex / jnp.sum(ex, axis=1, keepdims=True)
    logits_ref[...] = logits
    prob_ref[...] = prob
    yhat_ref[...] = (logits[:, 1:2] > logits[:, 0:1]).astype(jnp.int32)


def _tc_final(aggP, xw, dinv, b3, batch_p, Wlin, blin):
    return pl.pallas_call(
        _final_body,
        out_shape=[
            jax.ShapeDtypeStruct((G, OUT), jnp.float32),
            jax.ShapeDtypeStruct((G, OUT), jnp.float32),
            jax.ShapeDtypeStruct((G, 1), jnp.int32),
        ],
    )(aggP, xw, dinv, b3, batch_p, Wlin, blin)



def kernel(x, edge_index, batch, W1, b1, g1, be1, W2, b2, g2, be2, W3, b3,
           Wlin, blin):
    pad = EP - E
    srcT = jnp.pad(edge_index[0], (0, pad), constant_values=N).reshape(NW, CPT, CH)
    dstT = jnp.pad(edge_index[1], (0, pad), constant_values=N).reshape(NW, CPT, CH)
    xp = jnp.pad(x, ((0, NP - N), (0, 0)))
    batch_p = jnp.pad(batch, (0, NP - N), constant_values=G).reshape(NP, 1)
    zeros_agg = jnp.zeros((STRIPE, D), jnp.float32)

    degT = _sc_deg()(dstT.reshape(NW, CPT * CH))
    dinv, xw1, xws1 = _tc_prep(xp, W1, degT)
    agg1 = _sc_agg()(xws1, srcT, dstT, zeros_agg)
    xw2, xws2 = _tc_layer(agg1, xw1, dinv, b1.reshape(1, D), g1.reshape(1, D),
                          be1.reshape(1, D), W2)
    agg2 = _sc_agg()(xws2, srcT, dstT, zeros_agg)
    xw3, xws3 = _tc_layer(agg2, xw2, dinv, b2.reshape(1, D), g2.reshape(1, D),
                          be2.reshape(1, D), W3)
    agg3 = _sc_agg()(xws3, srcT, dstT, zeros_agg)
    logits, prob, yhat = _tc_final(agg3, xw3, dinv, b3.reshape(1, D), batch_p,
                                   Wlin, blin.reshape(1, OUT))
    return logits, prob, yhat

# --- scband reference (transcript-rebuilt; emitter-appended) ---
"""Pipeline reference for scband-gcn-graph-7078106104032 (READ-ONLY COPY).

The authoritative reference and input builder live on the scoring server;
editing this copy changes nothing except your own understanding.
"""

import jax, jax.numpy as jnp
import numpy as np

N = 10000
E = 320000
D = 128
H = 128
OUT = 2
G = 64


def setup_inputs(seed: int = 0) -> dict:
    key = jax.random.key(seed)
    ks = jax.random.split(key, 16)
    x = jax.random.normal(ks[0], (N, D), dtype=jnp.float32)
    edge_index = jax.random.randint(ks[1], (2, E), 0, N, dtype=jnp.int32)
    batch = jnp.sort(jax.random.randint(ks[2], (N,), 0, G, dtype=jnp.int32))
    s = 0.05
    W1 = jax.random.normal(ks[3], (D, H), dtype=jnp.float32) * s
    b1 = jnp.zeros((H,), dtype=jnp.float32)
    g1 = jnp.ones((H,), dtype=jnp.float32)
    be1 = jnp.zeros((H,), dtype=jnp.float32)
    W2 = jax.random.normal(ks[4], (H, H), dtype=jnp.float32) * s
    b2 = jnp.zeros((H,), dtype=jnp.float32)
    g2 = jnp.ones((H,), dtype=jnp.float32)
    be2 = jnp.zeros((H,), dtype=jnp.float32)
    W3 = jax.random.normal(ks[5], (H, H), dtype=jnp.float32) * s
    b3 = jnp.zeros((H,), dtype=jnp.float32)
    Wlin = jax.random.normal(ks[6], (H, OUT), dtype=jnp.float32) * s
    blin = jnp.zeros((OUT,), dtype=jnp.float32)
    return {"x": x, "edge_index": edge_index, "batch": batch,
            "W1": W1, "b1": b1, "g1": g1, "be1": be1,
            "W2": W2, "b2": b2, "g2": g2, "be2": be2,
            "W3": W3, "b3": b3, "Wlin": Wlin, "blin": blin}


def _gcn_conv(x, src, dst, norm, W, b):
    # PyG GCNConv: x' = D^-1/2 (A+I) D^-1/2 (x W) + b
    xw = x @ W
    msg = xw[src] * norm[:, None]
    out = jnp.zeros_like(xw).at[dst].add(msg)
    return out + b


def _bn(x, g, be):
    mean = jnp.mean(x, axis=0)
    var = jnp.var(x, axis=0)
    return (x - mean) / jnp.sqrt(var + 1e-5) * g + be


def reference(x, edge_index, batch, W1, b1, g1, be1, W2, b2, g2, be2, W3, b3, Wlin, blin):
    n = x.shape[0]
    loop = jnp.arange(n, dtype=edge_index.dtype)
    src = jnp.concatenate([edge_index[0], loop])
    dst = jnp.concatenate([edge_index[1], loop])
    deg = jnp.zeros((n,), dtype=x.dtype).at[dst].add(1.0)
    dinv = jnp.where(deg > 0, deg ** -0.5, 0.0)
    norm = dinv[src] * dinv[dst]

    h = _gcn_conv(x, src, dst, norm, W1, b1)
    h = _bn(h, g1, be1)
    h = jax.nn.relu(h)
    h = _gcn_conv(h, src, dst, norm, W2, b2)
    h = _bn(h, g2, be2)
    h = jax.nn.relu(h)
    h = _gcn_conv(h, src, dst, norm, W3, b3)  # return_embeds=True -> no softmax

    # global mean pool over graphs
    counts = jnp.zeros((G,), dtype=x.dtype).at[batch].add(1.0)
    pooled = jnp.zeros((G, h.shape[1]), dtype=x.dtype).at[batch].add(h)
    pooled = pooled / jnp.maximum(counts, 1.0)[:, None]

    logits = pooled @ Wlin + blin
    Y_prob = jax.nn.softmax(logits, axis=1)
    Y_hat = jax.lax.top_k(logits, 1)[1]
    return (logits, Y_prob, Y_hat)

if __name__ == "__main__":
    import jax
    _d = setup_inputs()
    print(jax.jit(kernel)(*tuple(_d.values())))

</pallas_src>

<mosaic_0001>
#map = affine_map<(d0, d1) -> (0, 0)>
#map1 = affine_map<(d0, d1) -> (0, 0, 0)>
module attributes {stable_mosaic.version = 14 : i64} {
  func.func @_agg_body(%arg0: i32, %arg1: i32, %arg2: memref<10112x128xf32, #tpu.memory_space<hbm>>, %arg3: memref<32x80x128xi32, #tpu.memory_space<hbm>>, %arg4: memref<32x80x128xi32, #tpu.memory_space<hbm>>, %arg5: memref<632x128xf32, #tpu.memory_space<hbm>>, %arg6: memref<2x10112x128xf32, #tpu.memory_space<hbm>>, %arg7: memref<40x128xi32, #tpu.memory_space<vmem>>, %arg8: memref<40x128xi32, #tpu.memory_space<vmem>>, %arg9: memref<2x128x128xf32, #tpu.memory_space<vmem>>, %arg10: memref<10112x128xf32, #tpu.memory_space<vmem_shared>>, %arg11: memref<2x!tpu.dma_semaphore, #tpu.memory_space<semaphore_mem>>, %arg12: memref<2x!tpu.dma_semaphore, #tpu.memory_space<semaphore_mem>>) attributes {dimension_semantics = [#tpu.dimension_semantics<core_parallel>, #tpu.dimension_semantics<subcore_parallel>], iteration_bounds = array<i64: 2, 16>, scalar_prefetch = 0 : i64, scratch_operands = 6 : i64, tpu.core_type = #tpu.core_type<sc_vector_subcore>, window_params = [{transform_indices = #map}, {transform_indices = #map1}, {transform_indices = #map1}, {transform_indices = #map}, {transform_indices = #map1}]} {
    %mul3A = arith.constant 2 : i32
    %mul3A_0 = arith.muli %arg1, %mul3A : i32
    %add3A = arith.addi %mul3A_0, %arg0 : i32
    %mul3A_1 = arith.constant 632 : i32
    %mul3A_2 = arith.muli %arg1, %mul3A_1 : i32
    "tpu.region"() ({
      %run_scoped3A = tpu.sem_alloc : memref<!tpu.dma_semaphore, #tpu.memory_space<semaphore_mem>>
      %dma_start3A_78 = arith.constant 0 : i32
      %dma_start3A_79 = tpu.memref_slice %arg10[%mul3A_2, %dma_start3A_78] : memref<10112x128xf32, #tpu.memory_space<vmem_shared>> -> memref<632x128xf32, #tpu.memory_space<vmem_shared>>
      tpu.enqueue_dma source(%arg5 : memref<632x128xf32, #tpu.memory_space<hbm>>) target(%dma_start3A_79 : memref<632x128xf32, #tpu.memory_space<vmem_shared>>) target_semaphore(%run_scoped3A : memref<!tpu.dma_semaphore, #tpu.memory_space<semaphore_mem>>)
      %dma_wait3A = arith.constant 0 : i32
      %dma_wait3A_80 = tpu.memref_slice %arg10[%mul3A_2, %dma_wait3A] : memref<10112x128xf32, #tpu.memory_space<vmem_shared>> -> memref<632x128xf32, #tpu.memory_space<vmem_shared>>
      tpu.wait_dma2 semaphore(%run_scoped3A : memref<!tpu.dma_semaphore, #tpu.memory_space<semaphore_mem>>) src(%arg5 : memref<632x128xf32, #tpu.memory_space<hbm>>) dst(%dma_wait3A_80 : memref<632x128xf32, #tpu.memory_space<vmem_shared>>)
      tpu.yield
    }) : () -> ()
    %barrier3A = arith.constant 0 : index
    tpu.barrier barrier_id(%barrier3A)
    "tpu.region"() ({
      %run_scoped3A = tpu.sem_alloc : memref<!tpu.dma_semaphore, #tpu.memory_space<semaphore_mem>>
      %dma_start3A_78 = arith.constant 0 : i32
      %dma_start3A_79 = arith.constant 0 : i32
      %dma_start3A_80 = tpu.memref_slice %arg3[%add3A, %dma_start3A_78, %dma_start3A_79] : memref<32x80x128xi32, #tpu.memory_space<hbm>> -> memref<1x40x128xi32, #tpu.memory_space<hbm>>
      %dma_start3A_81 = tpu.memref_squeeze %dma_start3A_80 : memref<1x40x128xi32, #tpu.memory_space<hbm>> -> memref<40x128xi32, #tpu.memory_space<hbm>>
      %dma_start3A_82 = arith.constant 0 : i32
      %dma_start3A_83 = arith.constant 0 : i32
      %dma_start3A_84 = tpu.memref_slice %arg3[%add3A, %dma_start3A_82, %dma_start3A_83] : memref<32x80x128xi32, #tpu.memory_space<hbm>> -> memref<1x40x128xi32, #tpu.memory_space<hbm>>
      %dma_start3A_85 = tpu.memref_squeeze %dma_start3A_84 : memref<1x40x128xi32, #tpu.memory_space<hbm>> -> memref<40x128xi32, #tpu.memory_space<hbm>>
      tpu.enqueue_dma source(%dma_start3A_85 : memref<40x128xi32, #tpu.memory_space<hbm>>) target(%arg7 : memref<40x128xi32, #tpu.memory_space<vmem>>) target_semaphore(%run_scoped3A : memref<!tpu.dma_semaphore, #tpu.memory_space<semaphore_mem>>)
      %dma_wait3A = arith.constant 0 : i32
      %dma_wait3A_86 = arith.constant 0 : i32
      %dma_wait3A_87 = tpu.memref_slice %arg3[%add3A, %dma_wait3A, %dma_wait3A_86] : memref<32x80x128xi32, #tpu.memory_space<hbm>> -> memref<1x40x128xi32, #tpu.memory_space<hbm>>
      %dma_wait3A_88 = tpu.memref_squeeze %dma_wait3A_87 : memref<1x40x128xi32, #tpu.memory_space<hbm>> -> memref<40x128xi32, #tpu.memory_space<hbm>>
      %dma_wait3A_89 = arith.constant 0 : i32
      %dma_wait3A_90 = arith.constant 0 : i32
      %dma_wait3A_91 = tpu.memref_slice %arg3[%add3A, %dma_wait3A_89, %dma_wait3A_90] : memref<32x80x128xi32, #tpu.memory_space<hbm>> -> memref<1x40x128xi32, #tpu.memory_space<hbm>>
      %dma_wait3A_92 = tpu.memref_squeeze %dma_wait3A_91 : memref<1x40x128xi32, #tpu.memory_space<hbm>> -> memref<40x128xi32, #tpu.memory_space<hbm>>
      tpu.wait_dma2 semaphore(%run_scoped3A : memref<!tpu.dma_semaphore, #tpu.memory_space<semaphore_mem>>) src(%dma_wait3A_92 : memref<40x128xi32, #tpu.memory_space<hbm>>) dst(%arg7 : memref<40x128xi32, #tpu.memory_space<vmem>>)
      tpu.yield
    }) : () -> ()
    "tpu.region"() ({
      %run_scoped3A = tpu.sem_alloc : memref<!tpu.dma_semaphore, #tpu.memory_space<semaphore_mem>>
      %dma_start3A_78 = arith.constant 0 : i32
      %dma_start3A_79 = arith.constant 0 : i32
      %dma_start3A_80 = tpu.memref_slice %arg4[%add3A, %dma_start3A_78, %dma_start3A_79] : memref<32x80x128xi32, #tpu.memory_space<hbm>> -> memref<1x40x128xi32, #tpu.memory_space<hbm>>
      %dma_start3A_81 = tpu.memref_squeeze %dma_start3A_80 : memref<1x40x128xi32, #tpu.memory_space<hbm>> -> memref<40x128xi32, #tpu.memory_space<hbm>>
      %dma_start3A_82 = arith.constant 0 : i32
      %dma_start3A_83 = arith.constant 0 : i32
      %dma_start3A_84 = tpu.memref_slice %arg4[%add3A, %dma_start3A_82, %dma_start3A_83] : memref<32x80x128xi32, #tpu.memory_space<hbm>> -> memref<1x40x128xi32, #tpu.memory_space<hbm>>
      %dma_start3A_85 = tpu.memref_squeeze %dma_start3A_84 : memref<1x40x128xi32, #tpu.memory_space<hbm>> -> memref<40x128xi32, #tpu.memory_space<hbm>>
      tpu.enqueue_dma source(%dma_start3A_85 : memref<40x128xi32, #tpu.memory_space<hbm>>) target(%arg8 : memref<40x128xi32, #tpu.memory_space<vmem>>) target_semaphore(%run_scoped3A : memref<!tpu.dma_semaphore, #tpu.memory_space<semaphore_mem>>)
      %dma_wait3A = arith.constant 0 : i32
      %dma_wait3A_86 = arith.constant 0 : i32
      %dma_wait3A_87 = tpu.memref_slice %arg4[%add3A, %dma_wait3A, %dma_wait3A_86] : memref<32x80x128xi32, #tpu.memory_space<hbm>> -> memref<1x40x128xi32, #tpu.memory_space<hbm>>
      %dma_wait3A_88 = tpu.memref_squeeze %dma_wait3A_87 : memref<1x40x128xi32, #tpu.memory_space<hbm>> -> memref<40x128xi32, #tpu.memory_space<hbm>>
      %dma_wait3A_89 = arith.constant 0 : i32
      %dma_wait3A_90 = arith.constant 0 : i32
      %dma_wait3A_91 = tpu.memref_slice %arg4[%add3A, %dma_wait3A_89, %dma_wait3A_90] : memref<32x80x128xi32, #tpu.memory_space<hbm>> -> memref<1x40x128xi32, #tpu.memory_space<hbm>>
      %dma_wait3A_92 = tpu.memref_squeeze %dma_wait3A_91 : memref<1x40x128xi32, #tpu.memory_space<hbm>> -> memref<40x128xi32, #tpu.memory_space<hbm>>
      tpu.wait_dma2 semaphore(%run_scoped3A : memref<!tpu.dma_semaphore, #tpu.memory_space<semaphore_mem>>) src(%dma_wait3A_92 : memref<40x128xi32, #tpu.memory_space<hbm>>) dst(%arg8 : memref<40x128xi32, #tpu.memory_space<vmem>>)
      tpu.yield
    }) : () -> ()
    %dma_start3A = arith.constant 0 : i32
    %dma_start3A_3 = arith.constant 0 : i32
    %dma_start3A_4 = arith.constant 0 : i32
    %dma_start3A_5 = arith.constant 0 : i32
    %dma_start3A_6 = arith.constant 0 : i32
    %dma_start3A_7 = tpu.memref_slice %arg9[%dma_start3A_3, %dma_start3A_5, %dma_start3A_6] : memref<2x128x128xf32, #tpu.memory_space<vmem>> -> memref<1x128x128xf32, #tpu.memory_space<vmem>>
    %dma_start3A_8 = tpu.memref_squeeze %dma_start3A_7 : memref<1x128x128xf32, #tpu.memory_space<vmem>> -> memref<128x128xf32, #tpu.memory_space<vmem>>
    %dma_start3A_9 = arith.constant 0 : i32
    %dma_start3A_10 = tpu.memref_slice %arg7[%dma_start3A, %dma_start3A_9] : memref<40x128xi32, #tpu.memory_space<vmem>> -> memref<1x128xi32, #tpu.memory_space<vmem>>
    %dma_start3A_11 = tpu.memref_squeeze %dma_start3A_10 : memref<1x128xi32, #tpu.memory_space<vmem>> -> memref<128xi32, #tpu.memory_space<vmem>>
    %dma_start3A_12 = arith.constant 0 : i32
    %dma_start3A_13 = arith.constant 0 : i32
    %dma_start3A_14 = tpu.memref_slice %arg2[%dma_start3A_12, %dma_start3A_13] : memref<10112x128xf32, #tpu.memory_space<hbm>> -> memref<10112x128xf32, #tpu.memory_space<hbm>>
    %dma_start3A_15 = tpu.memref_slice %arg11[%dma_start3A_4] : memref<2x!tpu.dma_semaphore, #tpu.memory_space<semaphore_mem>> -> memref<1x!tpu.dma_semaphore, #tpu.memory_space<semaphore_mem>>
    %dma_start3A_16 = tpu.memref_squeeze %dma_start3A_15 : memref<1x!tpu.dma_semaphore, #tpu.memory_space<semaphore_mem>> -> memref<!tpu.dma_semaphore, #tpu.memory_space<semaphore_mem>>
    tpu.enqueue_indirect_dma source(%dma_start3A_14 : memref<10112x128xf32, #tpu.memory_space<hbm>>) target(%dma_start3A_8 : memref<128x128xf32, #tpu.memory_space<vmem>>) offsets(%dma_start3A_11 : memref<128xi32, #tpu.memory_space<vmem>>) semaphore(%dma_start3A_16 : memref<!tpu.dma_semaphore, #tpu.memory_space<semaphore_mem>>)
    %dma_start3A_17 = arith.constant 1 : i32
    %dma_start3A_18 = arith.constant 1 : i32
    %dma_start3A_19 = arith.constant 1 : i32
    %dma_start3A_20 = arith.constant 0 : i32
    %dma_start3A_21 = arith.constant 0 : i32
    %dma_start3A_22 = tpu.memref_slice %arg9[%dma_start3A_18, %dma_start3A_20, %dma_start3A_21] : memref<2x128x128xf32, #tpu.memory_space<vmem>> -> memref<1x128x128xf32, #tpu.memory_space<vmem>>
    %dma_start3A_23 = tpu.memref_squeeze %dma_start3A_22 : memref<1x128x128xf32, #tpu.memory_space<vmem>> -> memref<128x128xf32, #tpu.memory_space<vmem>>
    %dma_start3A_24 = arith.constant 0 : i32
    %dma_start3A_25 = tpu.memref_slice %arg7[%dma_start3A_17, %dma_start3A_24] : memref<40x128xi32, #tpu.memory_space<vmem>> -> memref<1x128xi32, #tpu.memory_space<vmem>>
    %dma_start3A_26 = tpu.memref_squeeze %dma_start3A_25 : memref<1x128xi32, #tpu.memory_space<vmem>> -> memref<128xi32, #tpu.memory_space<vmem>>
    %dma_start3A_27 = arith.constant 0 : i32
    %dma_start3A_28 = arith.constant 0 : i32
    %dma_start3A_29 = tpu.memref_slice %arg2[%dma_start3A_27, %dma_start3A_28] : memref<10112x128xf32, #tpu.memory_space<hbm>> -> memref<10112x128xf32, #tpu.memory_space<hbm>>
    %dma_start3A_30 = tpu.memref_slice %arg11[%dma_start3A_19] : memref<2x!tpu.dma_semaphore, #tpu.memory_space<semaphore_mem>> -> memref<1x!tpu.dma_semaphore, #tpu.memory_space<semaphore_mem>>
    %dma_start3A_31 = tpu.memref_squeeze %dma_start3A_30 : memref<1x!tpu.dma_semaphore, #tpu.memory_space<semaphore_mem>> -> memref<!tpu.dma_semaphore, #tpu.memory_space<semaphore_mem>>
    tpu.enqueue_indirect_dma source(%dma_start3A_29 : memref<10112x128xf32, #tpu.memory_space<hbm>>) target(%dma_start3A_23 : memref<128x128xf32, #tpu.memory_space<vmem>>) offsets(%dma_start3A_26 : memref<128xi32, #tpu.memory_space<vmem>>) semaphore(%dma_start3A_31 : memref<!tpu.dma_semaphore, #tpu.memory_space<semaphore_mem>>)
    %scan3A = arith.constant 0 : i32
    %scan3A_32 = arith.constant 0 : i32
    %scan3A_33 = arith.constant 20 : i32
    %scan3A_34 = arith.addi %scan3A_32, %scan3A_33 : i32
    %scan3A_35 = arith.constant 1 : i32
    scf.for %scan3A_78 = %scan3A_32 to %scan3A_34 step %scan3A_35  : i32 {
      %mul3A_79 = arith.constant 2 : i32
      %mul3A_80 = arith.muli %scan3A_78, %mul3A_79 : i32
      %add3A_81 = arith.constant 0 : i32
      %add3A_82 = arith.addi %mul3A_80, %add3A_81 : i32
      %dma_wait3A = arith.constant 0 : i32
      %dma_wait3A_83 = arith.constant 0 : i32
      %dma_wait3A_84 = arith.constant 0 : i32
      %dma_wait3A_85 = arith.constant 0 : i32
      %dma_wait3A_86 = tpu.memref_slice %arg9[%dma_wait3A, %dma_wait3A_84, %dma_wait3A_85] : memref<2x128x128xf32, #tpu.memory_space<vmem>> -> memref<1x128x128xf32, #tpu.memory_space<vmem>>
      %dma_wait3A_87 = tpu.memref_squeeze %dma_wait3A_86 : memref<1x128x128xf32, #tpu.memory_space<vmem>> -> memref<128x128xf32, #tpu.memory_space<vmem>>
      %dma_wait3A_88 = arith.constant 0 : i32
      %dma_wait3A_89 = tpu.memref_slice %arg7[%add3A_82, %dma_wait3A_88] : memref<40x128xi32, #tpu.memory_space<vmem>> -> memref<1x128xi32, #tpu.memory_space<vmem>>
      %dma_wait3A_90 = tpu.memref_squeeze %dma_wait3A_89 : memref<1x128xi32, #tpu.memory_space<vmem>> -> memref<128xi32, #tpu.memory_space<vmem>>
      %dma_wait3A_91 = arith.constant 0 : i32
      %dma_wait3A_92 = arith.constant 0 : i32
      %dma_wait3A_93 = tpu.memref_slice %arg2[%dma_wait3A_91, %dma_wait3A_92] : memref<10112x128xf32, #tpu.memory_space<hbm>> -> memref<10112x128xf32, #tpu.memory_space<hbm>>
      %dma_wait3A_94 = tpu.memref_slice %arg11[%dma_wait3A_83] : memref<2x!tpu.dma_semaphore, #tpu.memory_space<semaphore_mem>> -> memref<1x!tpu.dma_semaphore, #tpu.memory_space<semaphore_mem>>
      %dma_wait3A_95 = tpu.memref_squeeze %dma_wait3A_94 : memref<1x!tpu.dma_semaphore, #tpu.memory_space<semaphore_mem>> -> memref<!tpu.dma_semaphore, #tpu.memory_space<semaphore_mem>>
      tpu.wait_indirect_dma semaphore(%dma_wait3A_95 : memref<!tpu.dma_semaphore, #tpu.memory_space<semaphore_mem>>) src(%dma_wait3A_93 : memref<10112x128xf32, #tpu.memory_space<hbm>>) dst(%dma_wait3A_87 : memref<128x128xf32, #tpu.memory_space<vmem>>)
      %dma_start3A_96 = arith.constant 0 : i32
      %dma_start3A_97 = arith.constant 0 : i32
      %dma_start3A_98 = arith.constant 0 : i32
      %dma_start3A_99 = arith.constant 0 : i32
      %dma_start3A_100 = tpu.memref_slice %arg9[%dma_start3A_96, %dma_start3A_98, %dma_start3A_99] : memref<2x128x128xf32, #tpu.memory_space<vmem>> -> memref<1x128x128xf32, #tpu.memory_space<vmem>>
      %dma_start3A_101 = tpu.memref_squeeze %dma_start3A_100 : memref<1x128x128xf32, #tpu.memory_space<vmem>> -> memref<128x128xf32, #tpu.memory_space<vmem>>
      %dma_start3A_102 = arith.constant 0 : i32
      %dma_start3A_103 = tpu.memref_slice %arg8[%add3A_82, %dma_start3A_102] : memref<40x128xi32, #tpu.memory_space<vmem>> -> memref<1x128xi32, #tpu.memory_space<vmem>>
      %dma_start3A_104 = tpu.memref_squeeze %dma_start3A_103 : memref<1x128xi32, #tpu.memory_space<vmem>> -> memref<128xi32, #tpu.memory_space<vmem>>
      %dma_start3A_105 = arith.constant 0 : i32
      %dma_start3A_106 = arith.constant 0 : i32
      %dma_start3A_107 = tpu.memref_slice %arg10[%dma_start3A_105, %dma_start3A_106] : memref<10112x128xf32, #tpu.memory_space<vmem_shared>> -> memref<10112x128xf32, #tpu.memory_space<vmem_shared>>
      %dma_start3A_108 = tpu.memref_slice %arg12[%dma_start3A_97] : memref<2x!tpu.dma_semaphore, #tpu.memory_space<semaphore_mem>> -> memref<1x!tpu.dma_semaphore, #tpu.memory_space<semaphore_mem>>
      %dma_start3A_109 = tpu.memref_squeeze %dma_start3A_108 : memref<1x!tpu.dma_semaphore, #tpu.memory_space<semaphore_mem>> -> memref<!tpu.dma_semaphore, #tpu.memory_space<semaphore_mem>>
      tpu.enqueue_indirect_dma source(%dma_start3A_101 : memref<128x128xf32, #tpu.memory_space<vmem>>) target(%dma_start3A_107 : memref<10112x128xf32, #tpu.memory_space<vmem_shared>>) offsets(%dma_start3A_104 : memref<128xi32, #tpu.memory_space<vmem>>) semaphore(%dma_start3A_109 : memref<!tpu.dma_semaphore, #tpu.memory_space<semaphore_mem>>) {add = true}
      %mul3A_110 = arith.constant 2 : i32
      %mul3A_111 = arith.muli %scan3A_78, %mul3A_110 : i32
      %add3A_112 = arith.constant 1 : i32
      %add3A_113 = arith.addi %mul3A_111, %add3A_112 : i32
      %dma_wait3A_114 = arith.constant 1 : i32
      %dma_wait3A_115 = arith.constant 1 : i32
      %dma_wait3A_116 = arith.constant 0 : i32
      %dma_wait3A_117 = arith.constant 0 : i32
      %dma_wait3A_118 = tpu.memref_slice %arg9[%dma_wait3A_114, %dma_wait3A_116, %dma_wait3A_117] : memref<2x128x128xf32, #tpu.memory_space<vmem>> -> memref<1x128x128xf32, #tpu.memory_space<vmem>>
      %dma_wait3A_119 = tpu.memref_squeeze %dma_wait3A_118 : memref<1x128x128xf32, #tpu.memory_space<vmem>> -> memref<128x128xf32, #tpu.memory_space<vmem>>
      %dma_wait3A_120 = arith.constant 0 : i32
      %dma_wait3A_121 = tpu.memref_slice %arg7[%add3A_113, %dma_wait3A_120] : memref<40x128xi32, #tpu.memory_space<vmem>> -> memref<1x128xi32, #tpu.memory_space<vmem>>
      %dma_wait3A_122 = tpu.memref_squeeze %dma_wait3A_121 : memref<1x128xi32, #tpu.memory_space<vmem>> -> memref<128xi32, #tpu.memory_space<vmem>>
      %dma_wait3A_123 = arith.constant 0 : i32
      %dma_wait3A_124 = arith.constant 0 : i32
      %dma_wait3A_125 = tpu.memref_slice %arg2[%dma_wait3A_123, %dma_wait3A_124] : memref<10112x128xf32, #tpu.memory_space<hbm>> -> memref<10112x128xf32, #tpu.memory_space<hbm>>
      %dma_wait3A_126 = tpu.memref_slice %arg11[%dma_wait3A_115] : memref<2x!tpu.dma_semaphore, #tpu.memory_space<semaphore_mem>> -> memref<1x!tpu.dma_semaphore, #tpu.memory_space<semaphore_mem>>
      %dma_wait3A_127 = tpu.memref_squeeze %dma_wait3A_126 : memref<1x!tpu.dma_semaphore, #tpu.memory_space<semaphore_mem>> -> memref<!tpu.dma_semaphore, #tpu.memory_space<semaphore_mem>>
      tpu.wait_indirect_dma semaphore(%dma_wait3A_127 : memref<!tpu.dma_semaphore, #tpu.memory_space<semaphore_mem>>) src(%dma_wait3A_125 : memref<10112x128xf32, #tpu.memory_space<hbm>>) dst(%dma_wait3A_119 : memref<128x128xf32, #tpu.memory_space<vmem>>)
      %dma_start3A_128 = arith.constant 1 : i32
      %dma_start3A_129 = arith.constant 1 : i32
      %dma_start3A_130 = arith.constant 0 : i32
      %dma_start3A_131 = arith.constant 0 : i32
      %dma_start3A_132 = tpu.memref_slice %arg9[%dma_start3A_128, %dma_start3A_130, %dma_start3A_131] : memref<2x128x128xf32, #tpu.memory_space<vmem>> -> memref<1x128x128xf32, #tpu.memory_space<vmem>>
      %dma_start3A_133 = tpu.memref_squeeze %dma_start3A_132 : memref<1x128x128xf32, #tpu.memory_space<vmem>> -> memref<128x128xf32, #tpu.memory_space<vmem>>
      %dma_start3A_134 = arith.constant 0 : i32
      %dma_start3A_135 = tpu.memref_slice %arg8[%add3A_113, %dma_start3A_134] : memref<40x128xi32, #tpu.memory_space<vmem>> -> memref<1x128xi32, #tpu.memory_space<vmem>>
      %dma_start3A_136 = tpu.memref_squeeze %dma_start3A_135 : memref<1x128xi32, #tpu.memory_space<vmem>> -> memref<128xi32, #tpu.memory_space<vmem>>
      %dma_start3A_137 = arith.constant 0 : i32
      %dma_start3A_138 = arith.constant 0 : i32
      %dma_start3A_139 = tpu.memref_slice %arg10[%dma_start3A_137, %dma_start3A_138] : memref<10112x128xf32, #tpu.memory_space<vmem_shared>> -> memref<10112x128xf32, #tpu.memory_space<vmem_shared>>
      %dma_start3A_140 = tpu.memref_slice %arg12[%dma_start3A_129] : memref<2x!tpu.dma_semaphore, #tpu.memory_space<semaphore_mem>> -> memref<1x!tpu.dma_semaphore, #tpu.memory_space<semaphore_mem>>
      %dma_start3A_141 = tpu.memref_squeeze %dma_start3A_140 : memref<1x!tpu.dma_semaphore, #tpu.memory_space<semaphore_mem>> -> memref<!tpu.dma_semaphore, #tpu.memory_space<semaphore_mem>>
      tpu.enqueue_indirect_dma source(%dma_start3A_133 : memref<128x128xf32, #tpu.memory_space<vmem>>) target(%dma_start3A_139 : memref<10112x128xf32, #tpu.memory_space<vmem_shared>>) offsets(%dma_start3A_136 : memref<128xi32, #tpu.memory_space<vmem>>) semaphore(%dma_start3A_141 : memref<!tpu.dma_semaphore, #tpu.memory_space<semaphore_mem>>) {add = true}
      %mul3A_142 = arith.constant 2 : i32
      %mul3A_143 = arith.muli %scan3A_78, %mul3A_142 : i32
      %add3A_144 = arith.constant 0 : i32
      %add3A_145 = arith.addi %mul3A_143, %add3A_144 : i32
      %dma_wait3A_146 = arith.constant 0 : i32
      %dma_wait3A_147 = arith.constant 0 : i32
      %dma_wait3A_148 = arith.constant 0 : i32
      %dma_wait3A_149 = arith.constant 0 : i32
      %dma_wait3A_150 = tpu.memref_slice %arg9[%dma_wait3A_146, %dma_wait3A_148, %dma_wait3A_149] : memref<2x128x128xf32, #tpu.memory_space<vmem>> -> memref<1x128x128xf32, #tpu.memory_space<vmem>>
      %dma_wait3A_151 = tpu.memref_squeeze %dma_wait3A_150 : memref<1x128x128xf32, #tpu.memory_space<vmem>> -> memref<128x128xf32, #tpu.memory_space<vmem>>
      %dma_wait3A_152 = arith.constant 0 : i32
      %dma_wait3A_153 = tpu.memref_slice %arg8[%add3A_145, %dma_wait3A_152] : memref<40x128xi32, #tpu.memory_space<vmem>> -> memref<1x128xi32, #tpu.memory_space<vmem>>
      %dma_wait3A_154 = tpu.memref_squeeze %dma_wait3A_153 : memref<1x128xi32, #tpu.memory_space<vmem>> -> memref<128xi32, #tpu.memory_space<vmem>>
      %dma_wait3A_155 = arith.constant 0 : i32
      %dma_wait3A_156 = arith.constant 0 : i32
      %dma_wait3A_157 = tpu.memref_slice %arg10[%dma_wait3A_155, %dma_wait3A_156] : memref<10112x128xf32, #tpu.memory_space<vmem_shared>> -> memref<10112x128xf32, #tpu.memory_space<vmem_shared>>
      %dma_wait3A_158 = tpu.memref_slice %arg12[%dma_wait3A_147] : memref<2x!tpu.dma_semaphore, #tpu.memory_space<semaphore_mem>> -> memref<1x!tpu.dma_semaphore, #tpu.memory_space<semaphore_mem>>
      %dma_wait3A_159 = tpu.memref_squeeze %dma_wait3A_158 : memref<1x!tpu.dma_semaphore, #tpu.memory_space<semaphore_mem>> -> memref<!tpu.dma_semaphore, #tpu.memory_space<semaphore_mem>>
      tpu.wait_indirect_dma semaphore(%dma_wait3A_159 : memref<!tpu.dma_semaphore, #tpu.memory_space<semaphore_mem>>) src(%dma_wait3A_151 : memref<128x128xf32, #tpu.memory_space<vmem>>) dst(%dma_wait3A_157 : memref<10112x128xf32, #tpu.memory_space<vmem_shared>>)
      %add3A_160 = arith.constant 2 : i32
      %add3A_161 = arith.addi %add3A_145, %add3A_160 : i32
      %lt3A = arith.constant 40 : i32
      %lt3A_162 = arith.cmpi slt, %add3A_161, %lt3A : i32
      %convert_element_type3A = arith.extui %lt3A_162 : i1 to i32
      %cond3A = arith.constant 0 : i32
      %cond3A_163 = arith.cmpi ne, %convert_element_type3A, %cond3A : i32
      scf.if %cond3A_163 {
        %dma_start3A_189 = arith.constant 0 : i32
        %dma_start3A_190 = arith.constant 0 : i32
        %dma_start3A_191 = arith.constant 0 : i32
        %dma_start3A_192 = arith.constant 0 : i32
        %dma_start3A_193 = tpu.memref_slice %arg9[%dma_start3A_189, %dma_start3A_191, %dma_start3A_192] : memref<2x128x128xf32, #tpu.memory_space<vmem>> -> memref<1x128x128xf32, #tpu.memory_space<vmem>>
        %dma_start3A_194 = tpu.memref_squeeze %dma_start3A_193 : memref<1x128x128xf32, #tpu.memory_space<vmem>> -> memref<128x128xf32, #tpu.memory_space<vmem>>
        %dma_start3A_195 = arith.constant 0 : i32
        %dma_start3A_196 = tpu.memref_slice %arg7[%add3A_161, %dma_start3A_195] : memref<40x128xi32, #tpu.memory_space<vmem>> -> memref<1x128xi32, #tpu.memory_space<vmem>>
        %dma_start3A_197 = tpu.memref_squeeze %dma_start3A_196 : memref<1x128xi32, #tpu.memory_space<vmem>> -> memref<128xi32, #tpu.memory_space<vmem>>
        %dma_start3A_198 = arith.constant 0 : i32
        %dma_start3A_199 = arith.constant 0 : i32
        %dma_start3A_200 = tpu.memref_slice %arg2[%dma_start3A_198, %dma_start3A_199] : memref<10112x128xf32, #tpu.memory_space<hbm>> -> memref<10112x128xf32, #tpu.memory_space<hbm>>
        %dma_start3A_201 = tpu.memref_slice %arg11[%dma_start3A_190] : memref<2x!tpu.dma_semaphore, #tpu.memory_space<semaphore_mem>> -> memref<1x!tpu.dma_semaphore, #tpu.memory_space<semaphore_mem>>
        %dma_start3A_202 = tpu.memref_squeeze %dma_start3A_201 : memref<1x!tpu.dma_semaphore, #tpu.memory_space<semaphore_mem>> -> memref<!tpu.dma_semaphore, #tpu.memory_space<semaphore_mem>>
        tpu.enqueue_indirect_dma source(%dma_start3A_200 : memref<10112x128xf32, #tpu.memory_space<hbm>>) target(%dma_start3A_194 : memref<128x128xf32, #tpu.memory_space<vmem>>) offsets(%dma_start3A_197 : memref<128xi32, #tpu.memory_space<vmem>>) semaphore(%dma_start3A_202 : memref<!tpu.dma_semaphore, #tpu.memory_space<semaphore_mem>>)
      } else {
      }
      %mul3A_164 = arith.constant 2 : i32
      %mul3A_165 = arith.muli %scan3A_78, %mul3A_164 : i32
      %add3A_166 = arith.constant 1 : i32
      %add3A_167 = arith.addi %mul3A_165, %add3A_166 : i32
      %dma_wait3A_168 = arith.constant 1 : i32
      %dma_wait3A_169 = arith.constant 1 : i32
      %dma_wait3A_170 = arith.constant 0 : i32
      %dma_wait3A_171 = arith.constant 0 : i32
      %dma_wait3A_172 = tpu.memref_slice %arg9[%dma_wait3A_168, %dma_wait3A_170, %dma_wait3A_171] : memref<2x128x128xf32, #tpu.memory_space<vmem>> -> memref<1x128x128xf32, #tpu.memory_space<vmem>>
      %dma_wait3A_173 = tpu.memref_squeeze %dma_wait3A_172 : memref<1x128x128xf32, #tpu.memory_space<vmem>> -> memref<128x128xf32, #tpu.memory_space<vmem>>
      %dma_wait3A_174 = arith.constant 0 : i32
      %dma_wait3A_175 = tpu.memref_slice %arg8[%add3A_167, %dma_wait3A_174] : memref<40x128xi32, #tpu.memory_space<vmem>> -> memref<1x128xi32, #tpu.memory_space<vmem>>
      %dma_wait3A_176 = tpu.memref_squeeze %dma_wait3A_175 : memref<1x128xi32, #tpu.memory_space<vmem>> -> memref<128xi32, #tpu.memory_space<vmem>>
      %dma_wait3A_177 = arith.constant 0 : i32
      %dma_wait3A_178 = arith.constant 0 : i32
      %dma_wait3A_179 = tpu.memref_slice %arg10[%dma_wait3A_177, %dma_wait3A_178] : memref<10112x128xf32, #tpu.memory_space<vmem_shared>> -> memref<10112x128xf32, #tpu.memory_space<vmem_shared>>
      %dma_wait3A_180 = tpu.memref_slice %arg12[%dma_wait3A_169] : memref<2x!tpu.dma_semaphore, #tpu.memory_space<semaphore_mem>> -> memref<1x!tpu.dma_semaphore, #tpu.memory_space<semaphore_mem>>
      %dma_wait3A_181 = tpu.memref_squeeze %dma_wait3A_180 : memref<1x!tpu.dma_semaphore, #tpu.memory_space<semaphore_mem>> -> memref<!tpu.dma_semaphore, #tpu.memory_space<semaphore_mem>>
      tpu.wait_indirect_dma semaphore(%dma_wait3A_181 : memref<!tpu.dma_semaphore, #tpu.memory_space<semaphore_mem>>) src(%dma_wait3A_173 : memref<128x128xf32, #tpu.memory_space<vmem>>) dst(%dma_wait3A_179 : memref<10112x128xf32, #tpu.memory_space<vmem_shared>>)
      %add3A_182 = arith.constant 2 : i32
      %add3A_183 = arith.addi %add3A_167, %add3A_182 : i32
      %lt3A_184 = arith.constant 40 : i32
      %lt3A_185 = arith.cmpi slt, %add3A_183, %lt3A_184 : i32
      %convert_element_type3A_186 = arith.extui %lt3A_185 : i1 to i32
      %cond3A_187 = arith.constant 0 : i32
      %cond3A_188 = arith.cmpi ne, %convert_element_type3A_186, %cond3A_187 : i32
      scf.if %cond3A_188 {
        %dma_start3A_189 = arith.constant 1 : i32
        %dma_start3A_190 = arith.constant 1 : i32
        %dma_start3A_191 = arith.constant 0 : i32
        %dma_start3A_192 = arith.constant 0 : i32
        %dma_start3A_193 = tpu.memref_slice %arg9[%dma_start3A_189, %dma_start3A_191, %dma_start3A_192] : memref<2x128x128xf32, #tpu.memory_space<vmem>> -> memref<1x128x128xf32, #tpu.memory_space<vmem>>
        %dma_start3A_194 = tpu.memref_squeeze %dma_start3A_193 : memref<1x128x128xf32, #tpu.memory_space<vmem>> -> memref<128x128xf32, #tpu.memory_space<vmem>>
        %dma_start3A_195 = arith.constant 0 : i32
        %dma_start3A_196 = tpu.memref_slice %arg7[%add3A_183, %dma_start3A_195] : memref<40x128xi32, #tpu.memory_space<vmem>> -> memref<1x128xi32, #tpu.memory_space<vmem>>
        %dma_start3A_197 = tpu.memref_squeeze %dma_start3A_196 : memref<1x128xi32, #tpu.memory_space<vmem>> -> memref<128xi32, #tpu.memory_space<vmem>>
        %dma_start3A_198 = arith.constant 0 : i32
        %dma_start3A_199 = arith.constant 0 : i32
        %dma_start3A_200 = tpu.memref_slice %arg2[%dma_start3A_198, %dma_start3A_199] : memref<10112x128xf32, #tpu.memory_space<hbm>> -> memref<10112x128xf32, #tpu.memory_space<hbm>>
        %dma_start3A_201 = tpu.memref_slice %arg11[%dma_start3A_190] : memref<2x!tpu.dma_semaphore, #tpu.memory_space<semaphore_mem>> -> memref<1x!tpu.dma_semaphore, #tpu.memory_space<semaphore_mem>>
        %dma_start3A_202 = tpu.memref_squeeze %dma_start3A_201 : memref<1x!tpu.dma_semaphore, #tpu.memory_space<semaphore_mem>> -> memref<!tpu.dma_semaphore, #tpu.memory_space<semaphore_mem>>
        tpu.enqueue_indirect_dma source(%dma_start3A_200 : memref<10112x128xf32, #tpu.memory_space<hbm>>) target(%dma_start3A_194 : memref<128x128xf32, #tpu.memory_space<vmem>>) offsets(%dma_start3A_197 : memref<128xi32, #tpu.memory_space<vmem>>) semaphore(%dma_start3A_202 : memref<!tpu.dma_semaphore, #tpu.memory_space<semaphore_mem>>)
      } else {
      }
    }
    %scan3A_36 = arith.constant 20 : i32
    "tpu.region"() ({
      %run_scoped3A = tpu.sem_alloc : memref<!tpu.dma_semaphore, #tpu.memory_space<semaphore_mem>>
      %dma_start3A_78 = arith.constant 40 : i32
      %dma_start3A_79 = arith.constant 0 : i32
      %dma_start3A_80 = tpu.memref_slice %arg3[%add3A, %dma_start3A_78, %dma_start3A_79] : memref<32x80x128xi32, #tpu.memory_space<hbm>> -> memref<1x40x128xi32, #tpu.memory_space<hbm>>
      %dma_start3A_81 = tpu.memref_squeeze %dma_start3A_80 : memref<1x40x128xi32, #tpu.memory_space<hbm>> -> memref<40x128xi32, #tpu.memory_space<hbm>>
      %dma_start3A_82 = arith.constant 40 : i32
      %dma_start3A_83 = arith.constant 0 : i32
      %dma_start3A_84 = tpu.memref_slice %arg3[%add3A, %dma_start3A_82, %dma_start3A_83] : memref<32x80x128xi32, #tpu.memory_space<hbm>> -> memref<1x40x128xi32, #tpu.memory_space<hbm>>
      %dma_start3A_85 = tpu.memref_squeeze %dma_start3A_84 : memref<1x40x128xi32, #tpu.memory_space<hbm>> -> memref<40x128xi32, #tpu.memory_space<hbm>>
      tpu.enqueue_dma source(%dma_start3A_85 : memref<40x128xi32, #tpu.memory_space<hbm>>) target(%arg7 : memref<40x128xi32, #tpu.memory_space<vmem>>) target_semaphore(%run_scoped3A : memref<!tpu.dma_semaphore, #tpu.memory_space<semaphore_mem>>)
      %dma_wait3A = arith.constant 40 : i32
      %dma_wait3A_86 = arith.constant 0 : i32
      %dma_wait3A_87 = tpu.memref_slice %arg3[%add3A, %dma_wait3A, %dma_wait3A_86] : memref<32x80x128xi32, #tpu.memory_space<hbm>> -> memref<1x40x128xi32, #tpu.memory_space<hbm>>
      %dma_wait3A_88 = tpu.memref_squeeze %dma_wait3A_87 : memref<1x40x128xi32, #tpu.memory_space<hbm>> -> memref<40x128xi32, #tpu.memory_space<hbm>>
      %dma_wait3A_89 = arith.constant 40 : i32
      %dma_wait3A_90 = arith.constant 0 : i32
      %dma_wait3A_91 = tpu.memref_slice %arg3[%add3A, %dma_wait3A_89, %dma_wait3A_90] : memref<32x80x128xi32, #tpu.memory_space<hbm>> -> memref<1x40x128xi32, #tpu.memory_space<hbm>>
      %dma_wait3A_92 = tpu.memref_squeeze %dma_wait3A_91 : memref<1x40x128xi32, #tpu.memory_space<hbm>> -> memref<40x128xi32, #tpu.memory_space<hbm>>
      tpu.wait_dma2 semaphore(%run_scoped3A : memref<!tpu.dma_semaphore, #tpu.memory_space<semaphore_mem>>) src(%dma_wait3A_92 : memref<40x128xi32, #tpu.memory_space<hbm>>) dst(%arg7 : memref<40x128xi32, #tpu.memory_space<vmem>>)
      tpu.yield
    }) : () -> ()
    "tpu.region"() ({
      %run_scoped3A = tpu.sem_alloc : memref<!tpu.dma_semaphore, #tpu.memory_space<semaphore_mem>>
      %dma_start3A_78 = arith.constant 40 : i32
      %dma_start3A_79 = arith.constant 0 : i32
      %dma_start3A_80 = tpu.memref_slice %arg4[%add3A, %dma_start3A_78, %dma_start3A_79] : memref<32x80x128xi32, #tpu.memory_space<hbm>> -> memref<1x40x128xi32, #tpu.memory_space<hbm>>
      %dma_start3A_81 = tpu.memref_squeeze %dma_start3A_80 : memref<1x40x128xi32, #tpu.memory_space<hbm>> -> memref<40x128xi32, #tpu.memory_space<hbm>>
      %dma_start3A_82 = arith.constant 40 : i32
      %dma_start3A_83 = arith.constant 0 : i32
      %dma_start3A_84 = tpu.memref_slice %arg4[%add3A, %dma_start3A_82, %dma_start3A_83] : memref<32x80x128xi32, #tpu.memory_space<hbm>> -> memref<1x40x128xi32, #tpu.memory_space<hbm>>
      %dma_start3A_85 = tpu.memref_squeeze %dma_start3A_84 : memref<1x40x128xi32, #tpu.memory_space<hbm>> -> memref<40x128xi32, #tpu.memory_space<hbm>>
      tpu.enqueue_dma source(%dma_start3A_85 : memref<40x128xi32, #tpu.memory_space<hbm>>) target(%arg8 : memref<40x128xi32, #tpu.memory_space<vmem>>) target_semaphore(%run_scoped3A : memref<!tpu.dma_semaphore, #tpu.memory_space<semaphore_mem>>)
      %dma_wait3A = arith.constant 40 : i32
      %dma_wait3A_86 = arith.constant 0 : i32
      %dma_wait3A_87 = tpu.memref_slice %arg4[%add3A, %dma_wait3A, %dma_wait3A_86] : memref<32x80x128xi32, #tpu.memory_space<hbm>> -> memref<1x40x128xi32, #tpu.memory_space<hbm>>
      %dma_wait3A_88 = tpu.memref_squeeze %dma_wait3A_87 : memref<1x40x128xi32, #tpu.memory_space<hbm>> -> memref<40x128xi32, #tpu.memory_space<hbm>>
      %dma_wait3A_89 = arith.constant 40 : i32
      %dma_wait3A_90 = arith.constant 0 : i32
      %dma_wait3A_91 = tpu.memref_slice %arg4[%add3A, %dma_wait3A_89, %dma_wait3A_90] : memref<32x80x128xi32, #tpu.memory_space<hbm>> -> memref<1x40x128xi32, #tpu.memory_space<hbm>>
      %dma_wait3A_92 = tpu.memref_squeeze %dma_wait3A_91 : memref<1x40x128xi32, #tpu.memory_space<hbm>> -> memref<40x128xi32, #tpu.memory_space<hbm>>
      tpu.wait_dma2 semaphore(%run_scoped3A : memref<!tpu.dma_semaphore, #tpu.memory_space<semaphore_mem>>) src(%dma_wait3A_92 : memref<40x128xi32, #tpu.memory_space<hbm>>) dst(%arg8 : memref<40x128xi32, #tpu.memory_space<vmem>>)
      tpu.yield
    }) : () -> ()
    %dma_start3A_37 = arith.constant 0 : i32
    %dma_start3A_38 = arith.constant 0 : i32
    %dma_start3A_39 = arith.constant 0 : i32
    %dma_start3A_40 = arith.constant 0 : i32
    %dma_start3A_41 = arith.constant 0 : i32
    %dma_start3A_42 = tpu.memref_slice %arg9[%dma_start3A_38, %dma_start3A_40, %dma_start3A_41] : memref<2x128x128xf32, #tpu.memory_space<vmem>> -> memref<1x128x128xf32, #tpu.memory_space<vmem>>
    %dma_start3A_43 = tpu.memref_squeeze %dma_start3A_42 : memref<1x128x128xf32, #tpu.memory_space<vmem>> -> memref<128x128xf32, #tpu.memory_space<vmem>>
    %dma_start3A_44 = arith.constant 0 : i32
    %dma_start3A_45 = tpu.memref_slice %arg7[%dma_start3A_37, %dma_start3A_44] : memref<40x128xi32, #tpu.memory_space<vmem>> -> memref<1x128xi32, #tpu.memory_space<vmem>>
    %dma_start3A_46 = tpu.memref_squeeze %dma_start3A_45 : memref<1x128xi32, #tpu.memory_space<vmem>> -> memref<128xi32, #tpu.memory_space<vmem>>
    %dma_start3A_47 = arith.constant 0 : i32
    %dma_start3A_48 = arith.constant 0 : i32
    %dma_start3A_49 = tpu.memref_slice %arg2[%dma_start3A_47, %dma_start3A_48] : memref<10112x128xf32, #tpu.memory_space<hbm>> -> memref<10112x128xf32, #tpu.memory_space<hbm>>
    %dma_start3A_50 = tpu.memref_slice %arg11[%dma_start3A_39] : memref<2x!tpu.dma_semaphore, #tpu.memory_space<semaphore_mem>> -> memref<1x!tpu.dma_semaphore, #tpu.memory_space<semaphore_mem>>
    %dma_start3A_51 = tpu.memref_squeeze %dma_start3A_50 : memref<1x!tpu.dma_semaphore, #tpu.memory_space<semaphore_mem>> -> memref<!tpu.dma_semaphore, #tpu.memory_space<semaphore_mem>>
    tpu.enqueue_indirect_dma source(%dma_start3A_49 : memref<10112x128xf32, #tpu.memory_space<hbm>>) target(%dma_start3A_43 : memref<128x128xf32, #tpu.memory_space<vmem>>) offsets(%dma_start3A_46 : memref<128xi32, #tpu.memory_space<vmem>>) semaphore(%dma_start3A_51 : memref<!tpu.dma_semaphore, #tpu.memory_space<semaphore_mem>>)
    %dma_start3A_52 = arith.constant 1 : i32
    %dma_start3A_53 = arith.constant 1 : i32
    %dma_start3A_54 = arith.constant 1 : i32
    %dma_start3A_55 = arith.constant 0 : i32
    %dma_start3A_56 = arith.constant 0 : i32
    %dma_start3A_57 = tpu.memref_slice %arg9[%dma_start3A_53, %dma_start3A_55, %dma_start3A_56] : memref<2x128x128xf32, #tpu.memory_space<vmem>> -> memref<1x128x128xf32, #tpu.memory_space<vmem>>
    %dma_start3A_58 = tpu.memref_squeeze %dma_start3A_57 : memref<1x128x128xf32, #tpu.memory_space<vmem>> -> memref<128x128xf32, #tpu.memory_space<vmem>>
    %dma_start3A_59 = arith.constant 0 : i32
    %dma_start3A_60 = tpu.memref_slice %arg7[%dma_start3A_52, %dma_start3A_59] : memref<40x128xi32, #tpu.memory_space<vmem>> -> memref<1x128xi32, #tpu.memory_space<vmem>>
    %dma_start3A_61 = tpu.memref_squeeze %dma_start3A_60 : memref<1x128xi32, #tpu.memory_space<vmem>> -> memref<128xi32, #tpu.memory_space<vmem>>
    %dma_start3A_62 = arith.constant 0 : i32
    %dma_start3A_63 = arith.constant 0 : i32
    %dma_start3A_64 = tpu.memref_slice %arg2[%dma_start3A_62, %dma_start3A_63] : memref<10112x128xf32, #tpu.memory_space<hbm>> -> memref<10112x128xf32, #tpu.memory_space<hbm>>
    %dma_start3A_65 = tpu.memref_slice %arg11[%dma_start3A_54] : memref<2x!tpu.dma_semaphore, #tpu.memory_space<semaphore_mem>> -> memref<1x!tpu.dma_semaphore, #tpu.memory_space<semaphore_mem>>
    %dma_start3A_66 = tpu.memref_squeeze %dma_start3A_65 : memref<1x!tpu.dma_semaphore, #tpu.memory_space<semaphore_mem>> -> memref<!tpu.dma_semaphore, #tpu.memory_space<semaphore_mem>>
    tpu.enqueue_indirect_dma source(%dma_start3A_64 : memref<10112x128xf32, #tpu.memory_space<hbm>>) target(%dma_start3A_58 : memref<128x128xf32, #tpu.memory_space<vmem>>) offsets(%dma_start3A_61 : memref<128xi32, #tpu.memory_space<vmem>>) semaphore(%dma_start3A_66 : memref<!tpu.dma_semaphore, #tpu.memory_space<semaphore_mem>>)
    %scan3A_67 = arith.constant 0 : i32
    %scan3A_68 = arith.constant 0 : i32
    %scan3A_69 = arith.constant 20 : i32
    %scan3A_70 = arith.addi %scan3A_68, %scan3A_69 : i32
    %scan3A_71 = arith.constant 1 : i32
    scf.for %scan3A_78 = %scan3A_68 to %scan3A_70 step %scan3A_71  : i32 {
      %mul3A_79 = arith.constant 2 : i32
      %mul3A_80 = arith.muli %scan3A_78, %mul3A_79 : i32
      %add3A_81 = arith.constant 0 : i32
      %add3A_82 = arith.addi %mul3A_80, %add3A_81 : i32
      %dma_wait3A = arith.constant 0 : i32
      %dma_wait3A_83 = arith.constant 0 : i32
      %dma_wait3A_84 = arith.constant 0 : i32
      %dma_wait3A_85 = arith.constant 0 : i32
      %dma_wait3A_86 = tpu.memref_slice %arg9[%dma_wait3A, %dma_wait3A_84, %dma_wait3A_85] : memref<2x128x128xf32, #tpu.memory_space<vmem>> -> memref<1x128x128xf32, #tpu.memory_space<vmem>>
      %dma_wait3A_87 = tpu.memref_squeeze %dma_wait3A_86 : memref<1x128x128xf32, #tpu.memory_space<vmem>> -> memref<128x128xf32, #tpu.memory_space<vmem>>
      %dma_wait3A_88 = arith.constant 0 : i32
      %dma_wait3A_89 = tpu.memref_slice %arg7[%add3A_82, %dma_wait3A_88] : memref<40x128xi32, #tpu.memory_space<vmem>> -> memref<1x128xi32, #tpu.memory_space<vmem>>
      %dma_wait3A_90 = tpu.memref_squeeze %dma_wait3A_89 : memref<1x128xi32, #tpu.memory_space<vmem>> -> memref<128xi32, #tpu.memory_space<vmem>>
      %dma_wait3A_91 = arith.constant 0 : i32
      %dma_wait3A_92 = arith.constant 0 : i32
      %dma_wait3A_93 = tpu.memref_slice %arg2[%dma_wait3A_91, %dma_wait3A_92] : memref<10112x128xf32, #tpu.memory_space<hbm>> -> memref<10112x128xf32, #tpu.memory_space<hbm>>
      %dma_wait3A_94 = tpu.memref_slice %arg11[%dma_wait3A_83] : memref<2x!tpu.dma_semaphore, #tpu.memory_space<semaphore_mem>> -> memref<1x!tpu.dma_semaphore, #tpu.memory_space<semaphore_mem>>
      %dma_wait3A_95 = tpu.memref_squeeze %dma_wait3A_94 : memref<1x!tpu.dma_semaphore, #tpu.memory_space<semaphore_mem>> -> memref<!tpu.dma_semaphore, #tpu.memory_space<semaphore_mem>>
      tpu.wait_indirect_dma semaphore(%dma_wait3A_95 : memref<!tpu.dma_semaphore, #tpu.memory_space<semaphore_mem>>) src(%dma_wait3A_93 : memref<10112x128xf32, #tpu.memory_space<hbm>>) dst(%dma_wait3A_87 : memref<128x128xf32, #tpu.memory_space<vmem>>)
      %dma_start3A_96 = arith.constant 0 : i32
      %dma_start3A_97 = arith.constant 0 : i32
      %dma_start3A_98 = arith.constant 0 : i32
      %dma_start3A_99 = arith.constant 0 : i32
      %dma_start3A_100 = tpu.memref_slice %arg9[%dma_start3A_96, %dma_start3A_98, %dma_start3A_99] : memref<2x128x128xf32, #tpu.memory_space<vmem>> -> memref<1x128x128xf32, #tpu.memory_space<vmem>>
      %dma_start3A_101 = tpu.memref_squeeze %dma_start3A_100 : memref<1x128x128xf32, #tpu.memory_space<vmem>> -> memref<128x128xf32, #tpu.memory_space<vmem>>
      %dma_start3A_102 = arith.constant 0 : i32
      %dma_start3A_103 = tpu.memref_slice %arg8[%add3A_82, %dma_start3A_102] : memref<40x128xi32, #tpu.memory_space<vmem>> -> memref<1x128xi32, #tpu.memory_space<vmem>>
      %dma_start3A_104 = tpu.memref_squeeze %dma_start3A_103 : memref<1x128xi32, #tpu.memory_space<vmem>> -> memref<128xi32, #tpu.memory_space<vmem>>
      %dma_start3A_105 = arith.constant 0 : i32
      %dma_start3A_106 = arith.constant 0 : i32
      %dma_start3A_107 = tpu.memref_slice %arg10[%dma_start3A_105, %dma_start3A_106] : memref<10112x128xf32, #tpu.memory_space<vmem_shared>> -> memref<10112x128xf32, #tpu.memory_space<vmem_shared>>
      %dma_start3A_108 = tpu.memref_slice %arg12[%dma_start3A_97] : memref<2x!tpu.dma_semaphore, #tpu.memory_space<semaphore_mem>> -> memref<1x!tpu.dma_semaphore, #tpu.memory_space<semaphore_mem>>
      %dma_start3A_109 = tpu.memref_squeeze %dma_start3A_108 : memref<1x!tpu.dma_semaphore, #tpu.memory_space<semaphore_mem>> -> memref<!tpu.dma_semaphore, #tpu.memory_space<semaphore_mem>>
      tpu.enqueue_indirect_dma source(%dma_start3A_101 : memref<128x128xf32, #tpu.memory_space<vmem>>) target(%dma_start3A_107 : memref<10112x128xf32, #tpu.memory_space<vmem_shared>>) offsets(%dma_start3A_104 : memref<128xi32, #tpu.memory_space<vmem>>) semaphore(%dma_start3A_109 : memref<!tpu.dma_semaphore, #tpu.memory_space<semaphore_mem>>) {add = true}
      %mul3A_110 = arith.constant 2 : i32
      %mul3A_111 = arith.muli %scan3A_78, %mul3A_110 : i32
      %add3A_112 = arith.constant 1 : i32
      %add3A_113 = arith.addi %mul3A_111, %add3A_112 : i32
      %dma_wait3A_114 = arith.constant 1 : i32
      %dma_wait3A_115 = arith.constant 1 : i32
      %dma_wait3A_116 = arith.constant 0 : i32
      %dma_wait3A_117 = arith.constant 0 : i32
      %dma_wait3A_118 = tpu.memref_slice %arg9[%dma_wait3A_114, %dma_wait3A_116, %dma_wait3A_117] : memref<2x128x128xf32, #tpu.memory_space<vmem>> -> memref<1x128x128xf32, #tpu.memory_space<vmem>>
      %dma_wait3A_119 = tpu.memref_squeeze %dma_wait3A_118 : memref<1x128x128xf32, #tpu.memory_space<vmem>> -> memref<128x128xf32, #tpu.memory_space<vmem>>
      %dma_wait3A_120 = arith.constant 0 : i32
      %dma_wait3A_121 = tpu.memref_slice %arg7[%add3A_113, %dma_wait3A_120] : memref<40x128xi32, #tpu.memory_space<vmem>> -> memref<1x128xi32, #tpu.memory_space<vmem>>
      %dma_wait3A_122 = tpu.memref_squeeze %dma_wait3A_121 : memref<1x128xi32, #tpu.memory_space<vmem>> -> memref<128xi32, #tpu.memory_space<vmem>>
      %dma_wait3A_123 = arith.constant 0 : i32
      %dma_wait3A_124 = arith.constant 0 : i32
      %dma_wait3A_125 = tpu.memref_slice %arg2[%dma_wait3A_123, %dma_wait3A_124] : memref<10112x128xf32, #tpu.memory_space<hbm>> -> memref<10112x128xf32, #tpu.memory_space<hbm>>
      %dma_wait3A_126 = tpu.memref_slice %arg11[%dma_wait3A_115] : memref<2x!tpu.dma_semaphore, #tpu.memory_space<semaphore_mem>> -> memref<1x!tpu.dma_semaphore, #tpu.memory_space<semaphore_mem>>
      %dma_wait3A_127 = tpu.memref_squeeze %dma_wait3A_126 : memref<1x!tpu.dma_semaphore, #tpu.memory_space<semaphore_mem>> -> memref<!tpu.dma_semaphore, #tpu.memory_space<semaphore_mem>>
      tpu.wait_indirect_dma semaphore(%dma_wait3A_127 : memref<!tpu.dma_semaphore, #tpu.memory_space<semaphore_mem>>) src(%dma_wait3A_125 : memref<10112x128xf32, #tpu.memory_space<hbm>>) dst(%dma_wait3A_119 : memref<128x128xf32, #tpu.memory_space<vmem>>)
      %dma_start3A_128 = arith.constant 1 : i32
      %dma_start3A_129 = arith.constant 1 : i32
      %dma_start3A_130 = arith.constant 0 : i32
      %dma_start3A_131 = arith.constant 0 : i32
      %dma_start3A_132 = tpu.memref_slice %arg9[%dma_start3A_128, %dma_start3A_130, %dma_start3A_131] : memref<2x128x128xf32, #tpu.memory_space<vmem>> -> memref<1x128x128xf32, #tpu.memory_space<vmem>>
      %dma_start3A_133 = tpu.memref_squeeze %dma_start3A_132 : memref<1x128x128xf32, #tpu.memory_space<vmem>> -> memref<128x128xf32, #tpu.memory_space<vmem>>
      %dma_start3A_134 = arith.constant 0 : i32
      %dma_start3A_135 = tpu.memref_slice %arg8[%add3A_113, %dma_start3A_134] : memref<40x128xi32, #tpu.memory_space<vmem>> -> memref<1x128xi32, #tpu.memory_space<vmem>>
      %dma_start3A_136 = tpu.memref_squeeze %dma_start3A_135 : memref<1x128xi32, #tpu.memory_space<vmem>> -> memref<128xi32, #tpu.memory_space<vmem>>
      %dma_start3A_137 = arith.constant 0 : i32
      %dma_start3A_138 = arith.constant 0 : i32
      %dma_start3A_139 = tpu.memref_slice %arg10[%dma_start3A_137, %dma_start3A_138] : memref<10112x128xf32, #tpu.memory_space<vmem_shared>> -> memref<10112x128xf32, #tpu.memory_space<vmem_shared>>
      %dma_start3A_140 = tpu.memref_slice %arg12[%dma_start3A_129] : memref<2x!tpu.dma_semaphore, #tpu.memory_space<semaphore_mem>> -> memref<1x!tpu.dma_semaphore, #tpu.memory_space<semaphore_mem>>
      %dma_start3A_141 = tpu.memref_squeeze %dma_start3A_140 : memref<1x!tpu.dma_semaphore, #tpu.memory_space<semaphore_mem>> -> memref<!tpu.dma_semaphore, #tpu.memory_space<semaphore_mem>>
      tpu.enqueue_indirect_dma source(%dma_start3A_133 : memref<128x128xf32, #tpu.memory_space<vmem>>) target(%dma_start3A_139 : memref<10112x128xf32, #tpu.memory_space<vmem_shared>>) offsets(%dma_start3A_136 : memref<128xi32, #tpu.memory_space<vmem>>) semaphore(%dma_start3A_141 : memref<!tpu.dma_semaphore, #tpu.memory_space<semaphore_mem>>) {add = true}
      %mul3A_142 = arith.constant 2 : i32
      %mul3A_143 = arith.muli %scan3A_78, %mul3A_142 : i32
      %add3A_144 = arith.constant 0 : i32
      %add3A_145 = arith.addi %mul3A_143, %add3A_144 : i32
      %dma_wait3A_146 = arith.constant 0 : i32
      %dma_wait3A_147 = arith.constant 0 : i32
      %dma_wait3A_148 = arith.constant 0 : i32
      %dma_wait3A_149 = arith.constant 0 : i32
      %dma_wait3A_150 = tpu.memref_slice %arg9[%dma_wait3A_146, %dma_wait3A_148, %dma_wait3A_149] : memref<2x128x128xf32, #tpu.memory_space<vmem>> -> memref<1x128x128xf32, #tpu.memory_space<vmem>>
      %dma_wait3A_151 = tpu.memref_squeeze %dma_wait3A_150 : memref<1x128x128xf32, #tpu.memory_space<vmem>> -> memref<128x128xf32, #tpu.memory_space<vmem>>
      %dma_wait3A_152 = arith.constant 0 : i32
      %dma_wait3A_153 = tpu.memref_slice %arg8[%add3A_145, %dma_wait3A_152] : memref<40x128xi32, #tpu.memory_space<vmem>> -> memref<1x128xi32, #tpu.memory_space<vmem>>
      %dma_wait3A_154 = tpu.memref_squeeze %dma_wait3A_153 : memref<1x128xi32, #tpu.memory_space<vmem>> -> memref<128xi32, #tpu.memory_space<vmem>>
      %dma_wait3A_155 = arith.constant 0 : i32
      %dma_wait3A_156 = arith.constant 0 : i32
      %dma_wait3A_157 = tpu.memref_slice %arg10[%dma_wait3A_155, %dma_wait3A_156] : memref<10112x128xf32, #tpu.memory_space<vmem_shared>> -> memref<10112x128xf32, #tpu.memory_space<vmem_shared>>
      %dma_wait3A_158 = tpu.memref_slice %arg12[%dma_wait3A_147] : memref<2x!tpu.dma_semaphore, #tpu.memory_space<semaphore_mem>> -> memref<1x!tpu.dma_semaphore, #tpu.memory_space<semaphore_mem>>
      %dma_wait3A_159 = tpu.memref_squeeze %dma_wait3A_158 : memref<1x!tpu.dma_semaphore, #tpu.memory_space<semaphore_mem>> -> memref<!tpu.dma_semaphore, #tpu.memory_space<semaphore_mem>>
      tpu.wait_indirect_dma semaphore(%dma_wait3A_159 : memref<!tpu.dma_semaphore, #tpu.memory_space<semaphore_mem>>) src(%dma_wait3A_151 : memref<128x128xf32, #tpu.memory_space<vmem>>) dst(%dma_wait3A_157 : memref<10112x128xf32, #tpu.memory_space<vmem_shared>>)
      %add3A_160 = arith.constant 2 : i32
      %add3A_161 = arith.addi %add3A_145, %add3A_160 : i32
      %lt3A = arith.constant 40 : i32
      %lt3A_162 = arith.cmpi slt, %add3A_161, %lt3A : i32
      %convert_element_type3A = arith.extui %lt3A_162 : i1 to i32
      %cond3A = arith.constant 0 : i32
      %cond3A_163 = arith.cmpi ne, %convert_element_type3A, %cond3A : i32
      scf.if %cond3A_163 {
        %dma_start3A_189 = arith.constant 0 : i32
        %dma_start3A_190 = arith.constant 0 : i32
        %dma_start3A_191 = arith.constant 0 : i32
        %dma_start3A_192 = arith.constant 0 : i32
        %dma_start3A_193 = tpu.memref_slice %arg9[%dma_start3A_189, %dma_start3A_191, %dma_start3A_192] : memref<2x128x128xf32, #tpu.memory_space<vmem>> -> memref<1x128x128xf32, #tpu.memory_space<vmem>>
        %dma_start3A_194 = tpu.memref_squeeze %dma_start3A_193 : memref<1x128x128xf32, #tpu.memory_space<vmem>> -> memref<128x128xf32, #tpu.memory_space<vmem>>
        %dma_start3A_195 = arith.constant 0 : i32
        %dma_start3A_196 = tpu.memref_slice %arg7[%add3A_161, %dma_start3A_195] : memref<40x128xi32, #tpu.memory_space<vmem>> -> memref<1x128xi32, #tpu.memory_space<vmem>>
        %dma_start3A_197 = tpu.memref_squeeze %dma_start3A_196 : memref<1x128xi32, #tpu.memory_space<vmem>> -> memref<128xi32, #tpu.memory_space<vmem>>
        %dma_start3A_198 = arith.constant 0 : i32
        %dma_start3A_199 = arith.constant 0 : i32
        %dma_start3A_200 = tpu.memref_slice %arg2[%dma_start3A_198, %dma_start3A_199] : memref<10112x128xf32, #tpu.memory_space<hbm>> -> memref<10112x128xf32, #tpu.memory_space<hbm>>
        %dma_start3A_201 = tpu.memref_slice %arg11[%dma_start3A_190] : memref<2x!tpu.dma_semaphore, #tpu.memory_space<semaphore_mem>> -> memref<1x!tpu.dma_semaphore, #tpu.memory_space<semaphore_mem>>
        %dma_start3A_202 = tpu.memref_squeeze %dma_start3A_201 : memref<1x!tpu.dma_semaphore, #tpu.memory_space<semaphore_mem>> -> memref<!tpu.dma_semaphore, #tpu.memory_space<semaphore_mem>>
        tpu.enqueue_indirect_dma source(%dma_start3A_200 : memref<10112x128xf32, #tpu.memory_space<hbm>>) target(%dma_start3A_194 : memref<128x128xf32, #tpu.memory_space<vmem>>) offsets(%dma_start3A_197 : memref<128xi32, #tpu.memory_space<vmem>>) semaphore(%dma_start3A_202 : memref<!tpu.dma_semaphore, #tpu.memory_space<semaphore_mem>>)
      } else {
      }
      %mul3A_164 = arith.constant 2 : i32
      %mul3A_165 = arith.muli %scan3A_78, %mul3A_164 : i32
      %add3A_166 = arith.constant 1 : i32
      %add3A_167 = arith.addi %mul3A_165, %add3A_166 : i32
      %dma_wait3A_168 = arith.constant 1 : i32
      %dma_wait3A_169 = arith.constant 1 : i32
      %dma_wait3A_170 = arith.constant 0 : i32
      %dma_wait3A_171 = arith.constant 0 : i32
      %dma_wait3A_172 = tpu.memref_slice %arg9[%dma_wait3A_168, %dma_wait3A_170, %dma_wait3A_171] : memref<2x128x128xf32, #tpu.memory_space<vmem>> -> memref<1x128x128xf32, #tpu.memory_space<vmem>>
      %dma_wait3A_173 = tpu.memref_squeeze %dma_wait3A_172 : memref<1x128x128xf32, #tpu.memory_space<vmem>> -> memref<128x128xf32, #tpu.memory_space<vmem>>
      %dma_wait3A_174 = arith.constant 0 : i32
      %dma_wait3A_175 = tpu.memref_slice %arg8[%add3A_167, %dma_wait3A_174] : memref<40x128xi32, #tpu.memory_space<vmem>> -> memref<1x128xi32, #tpu.memory_space<vmem>>
      %dma_wait3A_176 = tpu.memref_squeeze %dma_wait3A_175 : memref<1x128xi32, #tpu.memory_space<vmem>> -> memref<128xi32, #tpu.memory_space<vmem>>
      %dma_wait3A_177 = arith.constant 0 : i32
      %dma_wait3A_178 = arith.constant 0 : i32
      %dma_wait3A_179 = tpu.memref_slice %arg10[%dma_wait3A_177, %dma_wait3A_178] : memref<10112x128xf32, #tpu.memory_space<vmem_shared>> -> memref<10112x128xf32, #tpu.memory_space<vmem_shared>>
      %dma_wait3A_180 = tpu.memref_slice %arg12[%dma_wait3A_169] : memref<2x!tpu.dma_semaphore, #tpu.memory_space<semaphore_mem>> -> memref<1x!tpu.dma_semaphore, #tpu.memory_space<semaphore_mem>>
      %dma_wait3A_181 = tpu.memref_squeeze %dma_wait3A_180 : memref<1x!tpu.dma_semaphore, #tpu.memory_space<semaphore_mem>> -> memref<!tpu.dma_semaphore, #tpu.memory_space<semaphore_mem>>
      tpu.wait_indirect_dma semaphore(%dma_wait3A_181 : memref<!tpu.dma_semaphore, #tpu.memory_space<semaphore_mem>>) src(%dma_wait3A_173 : memref<128x128xf32, #tpu.memory_space<vmem>>) dst(%dma_wait3A_179 : memref<10112x128xf32, #tpu.memory_space<vmem_shared>>)
      %add3A_182 = arith.constant 2 : i32
      %add3A_183 = arith.addi %add3A_167, %add3A_182 : i32
      %lt3A_184 = arith.constant 40 : i32
      %lt3A_185 = arith.cmpi slt, %add3A_183, %lt3A_184 : i32
      %convert_element_type3A_186 = arith.extui %lt3A_185 : i1 to i32
      %cond3A_187 = arith.constant 0 : i32
      %cond3A_188 = arith.cmpi ne, %convert_element_type3A_186, %cond3A_187 : i32
      scf.if %cond3A_188 {
        %dma_start3A_189 = arith.constant 1 : i32
        %dma_start3A_190 = arith.constant 1 : i32
        %dma_start3A_191 = arith.constant 0 : i32
        %dma_start3A_192 = arith.constant 0 : i32
        %dma_start3A_193 = tpu.memref_slice %arg9[%dma_start3A_189, %dma_start3A_191, %dma_start3A_192] : memref<2x128x128xf32, #tpu.memory_space<vmem>> -> memref<1x128x128xf32, #tpu.memory_space<vmem>>
        %dma_start3A_194 = tpu.memref_squeeze %dma_start3A_193 : memref<1x128x128xf32, #tpu.memory_space<vmem>> -> memref<128x128xf32, #tpu.memory_space<vmem>>
        %dma_start3A_195 = arith.constant 0 : i32
        %dma_start3A_196 = tpu.memref_slice %arg7[%add3A_183, %dma_start3A_195] : memref<40x128xi32, #tpu.memory_space<vmem>> -> memref<1x128xi32, #tpu.memory_space<vmem>>
        %dma_start3A_197 = tpu.memref_squeeze %dma_start3A_196 : memref<1x128xi32, #tpu.memory_space<vmem>> -> memref<128xi32, #tpu.memory_space<vmem>>
        %dma_start3A_198 = arith.constant 0 : i32
        %dma_start3A_199 = arith.constant 0 : i32
        %dma_start3A_200 = tpu.memref_slice %arg2[%dma_start3A_198, %dma_start3A_199] : memref<10112x128xf32, #tpu.memory_space<hbm>> -> memref<10112x128xf32, #tpu.memory_space<hbm>>
        %dma_start3A_201 = tpu.memref_slice %arg11[%dma_start3A_190] : memref<2x!tpu.dma_semaphore, #tpu.memory_space<semaphore_mem>> -> memref<1x!tpu.dma_semaphore, #tpu.memory_space<semaphore_mem>>
        %dma_start3A_202 = tpu.memref_squeeze %dma_start3A_201 : memref<1x!tpu.dma_semaphore, #tpu.memory_space<semaphore_mem>> -> memref<!tpu.dma_semaphore, #tpu.memory_space<semaphore_mem>>
        tpu.enqueue_indirect_dma source(%dma_start3A_200 : memref<10112x128xf32, #tpu.memory_space<hbm>>) target(%dma_start3A_194 : memref<128x128xf32, #tpu.memory_space<vmem>>) offsets(%dma_start3A_197 : memref<128xi32, #tpu.memory_space<vmem>>) semaphore(%dma_start3A_202 : memref<!tpu.dma_semaphore, #tpu.memory_space<semaphore_mem>>)
      } else {
      }
    }
    %scan3A_72 = arith.constant 20 : i32
    %barrier3A_73 = arith.constant 0 : index
    tpu.barrier barrier_id(%barrier3A_73)
    %mul3A_74 = arith.constant 632 : i32
    %mul3A_75 = arith.muli %arg1, %mul3A_74 : i32
    %mul3A_76 = arith.constant 632 : i32
    %mul3A_77 = arith.muli %arg1, %mul3A_76 : i32
    "tpu.region"() ({
      %run_scoped3A = tpu.sem_alloc : memref<!tpu.dma_semaphore, #tpu.memory_space<semaphore_mem>>
      %dma_start3A_78 = arith.constant 0 : i32
      %dma_start3A_79 = tpu.memref_slice %arg6[%arg0, %mul3A_77, %dma_start3A_78] : memref<2x10112x128xf32, #tpu.memory_space<hbm>> -> memref<1x632x128xf32, #tpu.memory_space<hbm>>
      %dma_start3A_80 = tpu.memref_squeeze %dma_start3A_79 : memref<1x632x128xf32, #tpu.memory_space<hbm>> -> memref<632x128xf32, #tpu.memory_space<hbm>>
      %dma_start3A_81 = arith.constant 0 : i32
      %dma_start3A_82 = tpu.memref_slice %arg10[%mul3A_75, %dma_start3A_81] : memref<10112x128xf32, #tpu.memory_space<vmem_shared>> -> memref<632x128xf32, #tpu.memory_space<vmem_shared>>
      tpu.enqueue_dma source(%dma_start3A_82 : memref<632x128xf32, #tpu.memory_space<vmem_shared>>) target(%dma_start3A_80 : memref<632x128xf32, #tpu.memory_space<hbm>>) target_semaphore(%run_scoped3A : memref<!tpu.dma_semaphore, #tpu.memory_space<semaphore_mem>>)
      %dma_wait3A = arith.constant 0 : i32
      %dma_wait3A_83 = tpu.memref_slice %arg6[%arg0, %mul3A_77, %dma_wait3A] : memref<2x10112x128xf32, #tpu.memory_space<hbm>> -> memref<1x632x128xf32, #tpu.memory_space<hbm>>
      %dma_wait3A_84 = tpu.memref_squeeze %dma_wait3A_83 : memref<1x632x128xf32, #tpu.memory_space<hbm>> -> memref<632x128xf32, #tpu.memory_space<hbm>>
      %dma_wait3A_85 = arith.constant 0 : i32
      %dma_wait3A_86 = tpu.memref_slice %arg10[%mul3A_75, %dma_wait3A_85] : memref<10112x128xf32, #tpu.memory_space<vmem_shared>> -> memref<632x128xf32, #tpu.memory_space<vmem_shared>>
      tpu.wait_dma2 semaphore(%run_scoped3A : memref<!tpu.dma_semaphore, #tpu.memory_space<semaphore_mem>>) src(%dma_wait3A_86 : memref<632x128xf32, #tpu.memory_space<vmem_shared>>) dst(%dma_wait3A_84 : memref<632x128xf32, #tpu.memory_space<hbm>>)
      tpu.yield
    }) : () -> ()
    return
  }
}

#map = affine_map<(d0, d1) -> (0, 0)>
#map1 = affine_map<(d0, d1) -> (0, 0, 0)>
module attributes {stable_mosaic.version = 14 : i64} {
  func.func @_agg_body(%arg0: i32, %arg1: i32, %arg2: memref<10112x128xf32, #tpu.memory_space<hbm>>, %arg3: memref<32x80x128xi32, #tpu.memory_space<hbm>>, %arg4: memref<32x80x128xi32, #tpu.memory_space<hbm>>, %arg5: memref<632x128xf32, #tpu.memory_space<hbm>>, %arg6: memref<2x10112x128xf32, #tpu.memory_space<hbm>>, %arg7: memref<40x128xi32, #tpu.memory_space<vmem>>, %arg8: memref<40x128xi32, #tpu.memory_space<vmem>>, %arg9: memref<2x128x128xf32, #tpu.memory_space<vmem>>, %arg10: memref<10112x128xf32, #tpu.memory_space<vmem_shared>>, %arg11: memref<2x!tpu.dma_semaphore, #tpu.memory_space<semaphore_mem>>, %arg12: memref<2x!tpu.dma_semaphore, #tpu.memory_space<semaphore_mem>>) attributes {dimension_semantics = [#tpu.dimension_semantics<core_parallel>, #tpu.dimension_semantics<subcore_parallel>], iteration_bounds = array<i64: 2, 16>, scalar_prefetch = 0 : i64, scratch_operands = 6 : i64, tpu.core_type = #tpu.core_type<sc_vector_subcore>, window_params = [{transform_indices = #map}, {transform_indices = #map1}, {transform_indices = #map1}, {transform_indices = #map}, {transform_indices = #map1}]} {
    %mul3A = arith.constant 2 : i32
    %mul3A_0 = arith.muli %arg1, %mul3A : i32
    %add3A = arith.addi %mul3A_0, %arg0 : i32
    %mul3A_1 = arith.constant 632 : i32
    %mul3A_2 = arith.muli %arg1, %mul3A_1 : i32
    "tpu.region"() ({
      %run_scoped3A = tpu.sem_alloc : memref<!tpu.dma_semaphore, #tpu.memory_space<semaphore_mem>>
      %dma_start3A_78 = arith.constant 0 : i32
      %dma_start3A_79 = tpu.memref_slice %arg10[%mul3A_2, %dma_start3A_78] : memref<10112x128xf32, #tpu.memory_space<vmem_shared>> -> memref<632x128xf32, #tpu.memory_space<vmem_shared>>
      tpu.enqueue_dma source(%arg5 : memref<632x128xf32, #tpu.memory_space<hbm>>) target(%dma_start3A_79 : memref<632x128xf32, #tpu.memory_space<vmem_shared>>) target_semaphore(%run_scoped3A : memref<!tpu.dma_semaphore, #tpu.memory_space<semaphore_mem>>)
      %dma_wait3A = arith.constant 0 : i32
      %dma_wait3A_80 = tpu.memref_slice %arg10[%mul3A_2, %dma_wait3A] : memref<10112x128xf32, #tpu.memory_space<vmem_shared>> -> memref<632x128xf32, #tpu.memory_space<vmem_shared>>
      tpu.wait_dma2 semaphore(%run_scoped3A : memref<!tpu.dma_semaphore, #tpu.memory_space<semaphore_mem>>) src(%arg5 : memref<632x128xf32, #tpu.memory_space<hbm>>) dst(%dma_wait3A_80 : memref<632x128xf32, #tpu.memory_space<vmem_shared>>)
      tpu.yield
    }) : () -> ()
    %barrier3A = arith.constant 0 : index
    tpu.barrier barrier_id(%barrier3A)
    "tpu.region"() ({
      %run_scoped3A = tpu.sem_alloc : memref<!tpu.dma_semaphore, #tpu.memory_space<semaphore_mem>>
      %dma_start3A_78 = arith.constant 0 : i32
      %dma_start3A_79 = arith.constant 0 : i32
      %dma_start3A_80 = tpu.memref_slice %arg3[%add3A, %dma_start3A_78, %dma_start3A_79] : memref<32x80x128xi32, #tpu.memory_space<hbm>> -> memref<1x40x128xi32, #tpu.memory_space<hbm>>
      %dma_start3A_81 = tpu.memref_squeeze %dma_start3A_80 : memref<1x40x128xi32, #tpu.memory_space<hbm>> -> memref<40x128xi32, #tpu.memory_space<hbm>>
      %dma_start3A_82 = arith.constant 0 : i32
      %dma_start3A_83 = arith.constant 0 : i32
      %dma_start3A_84 = tpu.memref_slice %arg3[%add3A, %dma_start3A_82, %dma_start3A_83] : memref<32x80x128xi32, #tpu.memory_space<hbm>> -> memref<1x40x128xi32, #tpu.memory_space<hbm>>
      %dma_start3A_85 = tpu.memref_squeeze %dma_start3A_84 : memref<1x40x128xi32, #tpu.memory_space<hbm>> -> memref<40x128xi32, #tpu.memory_space<hbm>>
      tpu.enqueue_dma source(%dma_start3A_85 : memref<40x128xi32, #tpu.memory_space<hbm>>) target(%arg7 : memref<40x128xi32, #tpu.memory_space<vmem>>) target_semaphore(%run_scoped3A : memref<!tpu.dma_semaphore, #tpu.memory_space<semaphore_mem>>)
      %dma_wait3A = arith.constant 0 : i32
      %dma_wait3A_86 = arith.constant 0 : i32
      %dma_wait3A_87 = tpu.memref_slice %arg3[%add3A, %dma_wait3A, %dma_wait3A_86] : memref<32x80x128xi32, #tpu.memory_space<hbm>> -> memref<1x40x128xi32, #tpu.memory_space<hbm>>
      %dma_wait3A_88 = tpu.memref_squeeze %dma_wait3A_87 : memref<1x40x128xi32, #tpu.memory_space<hbm>> -> memref<40x128xi32, #tpu.memory_space<hbm>>
      %dma_wait3A_89 = arith.constant 0 : i32
      %dma_wait3A_90 = arith.constant 0 : i32
      %dma_wait3A_91 = tpu.memref_slice %arg3[%add3A, %dma_wait3A_89, %dma_wait3A_90] : memref<32x80x128xi32, #tpu.memory_space<hbm>> -> memref<1x40x128xi32, #tpu.memory_space<hbm>>
      %dma_wait3A_92 = tpu.memref_squeeze %dma_wait3A_91 : memref<1x40x128xi32, #tpu.memory_space<hbm>> -> memref<40x128xi32, #tpu.memory_space<hbm>>
      tpu.wait_dma2 semaphore(%run_scoped3A : memref<!tpu.dma_semaphore, #tpu.memory_space<semaphore_mem>>) src(%dma_wait3A_92 : memref<40x128xi32, #tpu.memory_space<hbm>>) dst(%arg7 : memref<40x128xi32, #tpu.memory_space<vmem>>)
      tpu.yield
    }) : () -> ()
    "tpu.region"() ({
      %run_scoped3A = tpu.sem_alloc : memref<!tpu.dma_semaphore, #tpu.memory_space<semaphore_mem>>
      %dma_start3A_78 = arith.constant 0 : i32
      %dma_start3A_79 = arith.constant 0 : i32
      %dma_start3A_80 = tpu.memref_slice %arg4[%add3A, %dma_start3A_78, %dma_start3A_79] : memref<32x80x128xi32, #tpu.memory_space<hbm>> -> memref<1x40x128xi32, #tpu.memory_space<hbm>>
      %dma_start3A_81 = tpu.memref_squeeze %dma_start3A_80 : memref<1x40x128xi32, #tpu.memory_space<hbm>> -> memref<40x128xi32, #tpu.memory_space<hbm>>
      %dma_start3A_82 = arith.constant 0 : i32
      %dma_start3A_83 = arith.constant 0 : i32
      %dma_start3A_84 = tpu.memref_slice %arg4[%add3A, %dma_start3A_82, %dma_start3A_83] : memref<32x80x128xi32, #tpu.memory_space<hbm>> -> memref<1x40x128xi32, #tpu.memory_space<hbm>>
      %dma_start3A_85 = tpu.memref_squeeze %dma_start3A_84 : memref<1x40x128xi32, #tpu.memory_space<hbm>> -> memref<40x128xi32, #tpu.memory_space<hbm>>
      tpu.enqueue_dma source(%dma_start3A_85 : memref<40x128xi32, #tpu.memory_space<hbm>>) target(%arg8 : memref<40x128xi32, #tpu.memory_space<vmem>>) target_semaphore(%run_scoped3A : memref<!tpu.dma_semaphore, #tpu.memory_space<semaphore_mem>>)
      %dma_wait3A = arith.constant 0 : i32
      %dma_wait3A_86 = arith.constant 0 : i32
      %dma_wait3A_87 = tpu.memref_slice %arg4[%add3A, %dma_wait3A, %dma_wait3A_86] : memref<32x80x128xi32, #tpu.memory_space<hbm>> -> memref<1x40x128xi32, #tpu.memory_space<hbm>>
      %dma_wait3A_88 = tpu.memref_squeeze %dma_wait3A_87 : memref<1x40x128xi32, #tpu.memory_space<hbm>> -> memref<40x128xi32, #tpu.memory_space<hbm>>
      %dma_wait3A_89 = arith.constant 0 : i32
      %dma_wait3A_90 = arith.constant 0 : i32
      %dma_wait3A_91 = tpu.memref_slice %arg4[%add3A, %dma_wait3A_89, %dma_wait3A_90] : memref<32x80x128xi32, #tpu.memory_space<hbm>> -> memref<1x40x128xi32, #tpu.memory_space<hbm>>
      %dma_wait3A_92 = tpu.memref_squeeze %dma_wait3A_91 : memref<1x40x128xi32, #tpu.memory_space<hbm>> -> memref<40x128xi32, #tpu.memory_space<hbm>>
      tpu.wait_dma2 semaphore(%run_scoped3A : memref<!tpu.dma_semaphore, #tpu.memory_space<semaphore_mem>>) src(%dma_wait3A_92 : memref<40x128xi32, #tpu.memory_space<hbm>>) dst(%arg8 : memref<40x128xi32, #tpu.memory_space<vmem>>)
      tpu.yield
    }) : () -> ()
    %dma_start3A = arith.constant 0 : i32
    %dma_start3A_3 = arith.constant 0 : i32
    %dma_start3A_4 = arith.constant 0 : i32
    %dma_start3A_5 = arith.constant 0 : i32
    %dma_start3A_6 = arith.constant 0 : i32
    %dma_start3A_7 = tpu.memref_slice %arg9[%dma_start3A_3, %dma_start3A_5, %dma_start3A_6] : memref<2x128x128xf32, #tpu.memory_space<vmem>> -> memref<1x128x128xf32, #tpu.memory_space<vmem>>
    %dma_start3A_8 = tpu.memref_squeeze %dma_start3A_7 : memref<1x128x128xf32, #tpu.memory_space<vmem>> -> memref<128x128xf32, #tpu.memory_space<vmem>>
    %dma_start3A_9 = arith.constant 0 : i32
    %dma_start3A_10 = tpu.memref_slice %arg7[%dma_start3A, %dma_start3A_9] : memref<40x128xi32, #tpu.memory_space<vmem>> -> memref<1x128xi32, #tpu.memory_space<vmem>>
    %dma_start3A_11 = tpu.memref_squeeze %dma_start3A_10 : memref<1x128xi32, #tpu.memory_space<vmem>> -> memref<128xi32, #tpu.memory_space<vmem>>
    %dma_start3A_12 = arith.constant 0 : i32
    %dma_start3A_13 = arith.constant 0 : i32
    %dma_start3A_14 = tpu.memref_slice %arg2[%dma_start3A_12, %dma_start3A_13] : memref<10112x128xf32, #tpu.memory_space<hbm>> -> memref<10112x128xf32, #tpu.memory_space<hbm>>
    %dma_start3A_15 = tpu.memref_slice %arg11[%dma_start3A_4] : memref<2x!tpu.dma_semaphore, #tpu.memory_space<semaphore_mem>> -> memref<1x!tpu.dma_semaphore, #tpu.memory_space<semaphore_mem>>
    %dma_start3A_16 = tpu.memref_squeeze %dma_start3A_15 : memref<1x!tpu.dma_semaphore, #tpu.memory_space<semaphore_mem>> -> memref<!tpu.dma_semaphore, #tpu.memory_space<semaphore_mem>>
    tpu.enqueue_indirect_dma source(%dma_start3A_14 : memref<10112x128xf32, #tpu.memory_space<hbm>>) target(%dma_start3A_8 : memref<128x128xf32, #tpu.memory_space<vmem>>) offsets(%dma_start3A_11 : memref<128xi32, #tpu.memory_space<vmem>>) semaphore(%dma_start3A_16 : memref<!tpu.dma_semaphore, #tpu.memory_space<semaphore_mem>>)
    %dma_start3A_17 = arith.constant 1 : i32
    %dma_start3A_18 = arith.constant 1 : i32
    %dma_start3A_19 = arith.constant 1 : i32
    %dma_start3A_20 = arith.constant 0 : i32
    %dma_start3A_21 = arith.constant 0 : i32
    %dma_start3A_22 = tpu.memref_slice %arg9[%dma_start3A_18, %dma_start3A_20, %dma_start3A_21] : memref<2x128x128xf32, #tpu.memory_space<vmem>> -> memref<1x128x128xf32, #tpu.memory_space<vmem>>
    %dma_start3A_23 = tpu.memref_squeeze %dma_start3A_22 : memref<1x128x128xf32, #tpu.memory_space<vmem>> -> memref<128x128xf32, #tpu.memory_space<vmem>>
    %dma_start3A_24 = arith.constant 0 : i32
    %dma_start3A_25 = tpu.memref_slice %arg7[%dma_start3A_17, %dma_start3A_24] : memref<40x128xi32, #tpu.memory_space<vmem>> -> memref<1x128xi32, #tpu.memory_space<vmem>>
    %dma_start3A_26 = tpu.memref_squeeze %dma_start3A_25 : memref<1x128xi32, #tpu.memory_space<vmem>> -> memref<128xi32, #tpu.memory_space<vmem>>
    %dma_start3A_27 = arith.constant 0 : i32
    %dma_start3A_28 = arith.constant 0 : i32
    %dma_start3A_29 = tpu.memref_slice %arg2[%dma_start3A_27, %dma_start3A_28] : memref<10112x128xf32, #tpu.memory_space<hbm>> -> memref<10112x128xf32, #tpu.memory_space<hbm>>
    %dma_start3A_30 = tpu.memref_slice %arg11[%dma_start3A_19] : memref<2x!tpu.dma_semaphore, #tpu.memory_space<semaphore_mem>> -> memref<1x!tpu.dma_semaphore, #tpu.memory_space<semaphore_mem>>
    %dma_start3A_31 = tpu.memref_squeeze %dma_start3A_30 : memref<1x!tpu.dma_semaphore, #tpu.memory_space<semaphore_mem>> -> memref<!tpu.dma_semaphore, #tpu.memory_space<semaphore_mem>>
    tpu.enqueue_indirect_dma source(%dma_start3A_29 : memref<10112x128xf32, #tpu.memory_space<hbm>>) target(%dma_start3A_23 : memref<128x128xf32, #tpu.memory_space<vmem>>) offsets(%dma_start3A_26 : memref<128xi32, #tpu.memory_space<vmem>>) semaphore(%dma_start3A_31 : memref<!tpu.dma_semaphore, #tpu.memory_space<semaphore_mem>>)
    %scan3A = arith.constant 0 : i32
    %scan3A_32 = arith.constant 0 : i32
    %scan3A_33 = arith.constant 20 : i32
    %scan3A_34 = arith.addi %scan3A_32, %scan3A_33 : i32
    %scan3A_35 = arith.constant 1 : i32
    scf.for %scan3A_78 = %scan3A_32 to %scan3A_34 step %scan3A_35  : i32 {
      %mul3A_79 = arith.constant 2 : i32
      %mul3A_80 = arith.muli %scan3A_78, %mul3A_79 : i32
      %add3A_81 = arith.constant 0 : i32
      %add3A_82 = arith.addi %mul3A_80, %add3A_81 : i32
      %dma_wait3A = arith.constant 0 : i32
      %dma_wait3A_83 = arith.constant 0 : i32
      %dma_wait3A_84 = arith.constant 0 : i32
      %dma_wait3A_85 = arith.constant 0 : i32
      %dma_wait3A_86 = tpu.memref_slice %arg9[%dma_wait3A, %dma_wait3A_84, %dma_wait3A_85] : memref<2x128x128xf32, #tpu.memory_space<vmem>> -> memref<1x128x128xf32, #tpu.memory_space<vmem>>
      %dma_wait3A_87 = tpu.memref_squeeze %dma_wait3A_86 : memref<1x128x128xf32, #tpu.memory_space<vmem>> -> memref<128x128xf32, #tpu.memory_space<vmem>>
      %dma_wait3A_88 = arith.constant 0 : i32
      %dma_wait3A_89 = tpu.memref_slice %arg7[%add3A_82, %dma_wait3A_88] : memref<40x128xi32, #tpu.memory_space<vmem>> -> memref<1x128xi32, #tpu.memory_space<vmem>>
      %dma_wait3A_90 = tpu.memref_squeeze %dma_wait3A_89 : memref<1x128xi32, #tpu.memory_space<vmem>> -> memref<128xi32, #tpu.memory_space<vmem>>
      %dma_wait3A_91 = arith.constant 0 : i32
      %dma_wait3A_92 = arith.constant 0 : i32
      %dma_wait3A_93 = tpu.memref_slice %arg2[%dma_wait3A_91, %dma_wait3A_92] : memref<10112x128xf32, #tpu.memory_space<hbm>> -> memref<10112x128xf32, #tpu.memory_space<hbm>>
      %dma_wait3A_94 = tpu.memref_slice %arg11[%dma_wait3A_83] : memref<2x!tpu.dma_semaphore, #tpu.memory_space<semaphore_mem>> -> memref<1x!tpu.dma_semaphore, #tpu.memory_space<semaphore_mem>>
      %dma_wait3A_95 = tpu.memref_squeeze %dma_wait3A_94 : memref<1x!tpu.dma_semaphore, #tpu.memory_space<semaphore_mem>> -> memref<!tpu.dma_semaphore, #tpu.memory_space<semaphore_mem>>
      tpu.wait_indirect_dma semaphore(%dma_wait3A_95 : memref<!tpu.dma_semaphore, #tpu.memory_space<semaphore_mem>>) src(%dma_wait3A_93 : memref<10112x128xf32, #tpu.memory_space<hbm>>) dst(%dma_wait3A_87 : memref<128x128xf32, #tpu.memory_space<vmem>>)
      %dma_start3A_96 = arith.constant 0 : i32
      %dma_start3A_97 = arith.constant 0 : i32
      %dma_start3A_98 = arith.constant 0 : i32
      %dma_start3A_99 = arith.constant 0 : i32
      %dma_start3A_100 = tpu.memref_slice %arg9[%dma_start3A_96, %dma_start3A_98, %dma_start3A_99] : memref<2x128x128xf32, #tpu.memory_space<vmem>> -> memref<1x128x128xf32, #tpu.memory_space<vmem>>
      %dma_start3A_101 = tpu.memref_squeeze %dma_start3A_100 : memref<1x128x128xf32, #tpu.memory_space<vmem>> -> memref<128x128xf32, #tpu.memory_space<vmem>>
      %dma_start3A_102 = arith.constant 0 : i32
      %dma_start3A_103 = tpu.memref_slice %arg8[%add3A_82, %dma_start3A_102] : memref<40x128xi32, #tpu.memory_space<vmem>> -> memref<1x128xi32, #tpu.memory_space<vmem>>
      %dma_start3A_104 = tpu.memref_squeeze %dma_start3A_103 : memref<1x128xi32, #tpu.memory_space<vmem>> -> memref<128xi32, #tpu.memory_space<vmem>>
      %dma_start3A_105 = arith.constant 0 : i32
      %dma_start3A_106 = arith.constant 0 : i32
      %dma_start3A_107 = tpu.memref_slice %arg10[%dma_start3A_105, %dma_start3A_106] : memref<10112x128xf32, #tpu.memory_space<vmem_shared>> -> memref<10112x128xf32, #tpu.memory_space<vmem_shared>>
      %dma_start3A_108 = tpu.memref_slice %arg12[%dma_start3A_97] : memref<2x!tpu.dma_semaphore, #tpu.memory_space<semaphore_mem>> -> memref<1x!tpu.dma_semaphore, #tpu.memory_space<semaphore_mem>>
      %dma_start3A_109 = tpu.memref_squeeze %dma_start3A_108 : memref<1x!tpu.dma_semaphore, #tpu.memory_space<semaphore_mem>> -> memref<!tpu.dma_semaphore, #tpu.memory_space<semaphore_mem>>
      tpu.enqueue_indirect_dma source(%dma_start3A_101 : memref<128x128xf32, #tpu.memory_space<vmem>>) target(%dma_start3A_107 : memref<10112x128xf32, #tpu.memory_space<vmem_shared>>) offsets(%dma_start3A_104 : memref<128xi32, #tpu.memory_space<vmem>>) semaphore(%dma_start3A_109 : memref<!tpu.dma_semaphore, #tpu.memory_space<semaphore_mem>>) {add = true}
      %mul3A_110 = arith.constant 2 : i32
      %mul3A_111 = arith.muli %scan3A_78, %mul3A_110 : i32
      %add3A_112 = arith.constant 1 : i32
      %add3A_113 = arith.addi %mul3A_111, %add3A_112 : i32
      %dma_wait3A_114 = arith.constant 1 : i32
      %dma_wait3A_115 = arith.constant 1 : i32
      %dma_wait3A_116 = arith.constant 0 : i32
      %dma_wait3A_117 = arith.constant 0 : i32
      %dma_wait3A_118 = tpu.memref_slice %arg9[%dma_wait3A_114, %dma_wait3A_116, %dma_wait3A_117] : memref<2x128x128xf32, #tpu.memory_space<vmem>> -> memref<1x128x128xf32, #tpu.memory_space<vmem>>
      %dma_wait3A_119 = tpu.memref_squeeze %dma_wait3A_118 : memref<1x128x128xf32, #tpu.memory_space<vmem>> -> memref<128x128xf32, #tpu.memory_space<vmem>>
      %dma_wait3A_120 = arith.constant 0 : i32
      %dma_wait3A_121 = tpu.memref_slice %arg7[%add3A_113, %dma_wait3A_120] : memref<40x128xi32, #tpu.memory_space<vmem>> -> memref<1x128xi32, #tpu.memory_space<vmem>>
      %dma_wait3A_122 = tpu.memref_squeeze %dma_wait3A_121 : memref<1x128xi32, #tpu.memory_space<vmem>> -> memref<128xi32, #tpu.memory_space<vmem>>
      %dma_wait3A_123 = arith.constant 0 : i32
      %dma_wait3A_124 = arith.constant 0 : i32
      %dma_wait3A_125 = tpu.memref_slice %arg2[%dma_wait3A_123, %dma_wait3A_124] : memref<10112x128xf32, #tpu.memory_space<hbm>> -> memref<10112x128xf32, #tpu.memory_space<hbm>>
      %dma_wait3A_126 = tpu.memref_slice %arg11[%dma_wait3A_115] : memref<2x!tpu.dma_semaphore, #tpu.memory_space<semaphore_mem>> -> memref<1x!tpu.dma_semaphore, #tpu.memory_space<semaphore_mem>>
      %dma_wait3A_127 = tpu.memref_squeeze %dma_wait3A_126 : memref<1x!tpu.dma_semaphore, #tpu.memory_space<semaphore_mem>> -> memref<!tpu.dma_semaphore, #tpu.memory_space<semaphore_mem>>
      tpu.wait_indirect_dma semaphore(%dma_wait3A_127 : memref<!tpu.dma_semaphore, #tpu.memory_space<semaphore_mem>>) src(%dma_wait3A_125 : memref<10112x128xf32, #tpu.memory_space<hbm>>) dst(%dma_wait3A_119 : memref<128x128xf32, #tpu.memory_space<vmem>>)
      %dma_start3A_128 = arith.constant 1 : i32
      %dma_start3A_129 = arith.constant 1 : i32
      %dma_start3A_130 = arith.constant 0 : i32
      %dma_start3A_131 = arith.constant 0 : i32
      %dma_start3A_132 = tpu.memref_slice %arg9[%dma_start3A_128, %dma_start3A_130, %dma_start3A_131] : memref<2x128x128xf32, #tpu.memory_space<vmem>> -> memref<1x128x128xf32, #tpu.memory_space<vmem>>
      %dma_start3A_133 = tpu.memref_squeeze %dma_start3A_132 : memref<1x128x128xf32, #tpu.memory_space<vmem>> -> memref<128x128xf32, #tpu.memory_space<vmem>>
      %dma_start3A_134 = arith.constant 0 : i32
      %dma_start3A_135 = tpu.memref_slice %arg8[%add3A_113, %dma_start3A_134] : memref<40x128xi32, #tpu.memory_space<vmem>> -> memref<1x128xi32, #tpu.memory_space<vmem>>
      %dma_start3A_136 = tpu.memref_squeeze %dma_start3A_135 : memref<1x128xi32, #tpu.memory_space<vmem>> -> memref<128xi32, #tpu.memory_space<vmem>>
      %dma_start3A_137 = arith.constant 0 : i32
      %dma_start3A_138 = arith.constant 0 : i32
      %dma_start3A_139 = tpu.memref_slice %arg10[%dma_start3A_137, %dma_start3A_138] : memref<10112x128xf32, #tpu.memory_space<vmem_shared>> -> memref<10112x128xf32, #tpu.memory_space<vmem_shared>>
      %dma_start3A_140 = tpu.memref_slice %arg12[%dma_start3A_129] : memref<2x!tpu.dma_semaphore, #tpu.memory_space<semaphore_mem>> -> memref<1x!tpu.dma_semaphore, #tpu.memory_space<semaphore_mem>>
      %dma_start3A_141 = tpu.memref_squeeze %dma_start3A_140 : memref<1x!tpu.dma_semaphore, #tpu.memory_space<semaphore_mem>> -> memref<!tpu.dma_semaphore, #tpu.memory_space<semaphore_mem>>
      tpu.enqueue_indirect_dma source(%dma_start3A_133 : memref<128x128xf32, #tpu.memory_space<vmem>>) target(%dma_start3A_139 : memref<10112x128xf32, #tpu.memory_space<vmem_shared>>) offsets(%dma_start3A_136 : memref<128xi32, #tpu.memory_space<vmem>>) semaphore(%dma_start3A_141 : memref<!tpu.dma_semaphore, #tpu.memory_space<semaphore_mem>>) {add = true}
      %mul3A_142 = arith.constant 2 : i32
      %mul3A_143 = arith.muli %scan3A_78, %mul3A_142 : i32
      %add3A_144 = arith.constant 0 : i32
      %add3A_145 = arith.addi %mul3A_143, %add3A_144 : i32
      %dma_wait3A_146 = arith.constant 0 : i32
      %dma_wait3A_147 = arith.constant 0 : i32
      %dma_wait3A_148 = arith.constant 0 : i32
      %dma_wait3A_149 = arith.constant 0 : i32
      %dma_wait3A_150 = tpu.memref_slice %arg9[%dma_wait3A_146, %dma_wait3A_148, %dma_wait3A_149] : memref<2x128x128xf32, #tpu.memory_space<vmem>> -> memref<1x128x128xf32, #tpu.memory_space<vmem>>
      %dma_wait3A_151 = tpu.memref_squeeze %dma_wait3A_150 : memref<1x128x128xf32, #tpu.memory_space<vmem>> -> memref<128x128xf32, #tpu.memory_space<vmem>>
      %dma_wait3A_152 = arith.constant 0 : i32
      %dma_wait3A_153 = tpu.memref_slice %arg8[%add3A_145, %dma_wait3A_152] : memref<40x128xi32, #tpu.memory_space<vmem>> -> memref<1x128xi32, #tpu.memory_space<vmem>>
      %dma_wait3A_154 = tpu.memref_squeeze %dma_wait3A_153 : memref<1x128xi32, #tpu.memory_space<vmem>> -> memref<128xi32, #tpu.memory_space<vmem>>
      %dma_wait3A_155 = arith.constant 0 : i32
      %dma_wait3A_156 = arith.constant 0 : i32
      %dma_wait3A_157 = tpu.memref_slice %arg10[%dma_wait3A_155, %dma_wait3A_156] : memref<10112x128xf32, #tpu.memory_space<vmem_shared>> -> memref<10112x128xf32, #tpu.memory_space<vmem_shared>>
      %dma_wait3A_158 = tpu.memref_slice %arg12[%dma_wait3A_147] : memref<2x!tpu.dma_semaphore, #tpu.memory_space<semaphore_mem>> -> memref<1x!tpu.dma_semaphore, #tpu.memory_space<semaphore_mem>>
      %dma_wait3A_159 = tpu.memref_squeeze %dma_wait3A_158 : memref<1x!tpu.dma_semaphore, #tpu.memory_space<semaphore_mem>> -> memref<!tpu.dma_semaphore, #tpu.memory_space<semaphore_mem>>
      tpu.wait_indirect_dma semaphore(%dma_wait3A_159 : memref<!tpu.dma_semaphore, #tpu.memory_space<semaphore_mem>>) src(%dma_wait3A_151 : memref<128x128xf32, #tpu.memory_space<vmem>>) dst(%dma_wait3A_157 : memref<10112x128xf32, #tpu.memory_space<vmem_shared>>)
      %add3A_160 = arith.constant 2 : i32
      %add3A_161 = arith.addi %add3A_145, %add3A_160 : i32
      %lt3A = arith.constant 40 : i32
      %lt3A_162 = arith.cmpi slt, %add3A_161, %lt3A : i32
      %convert_element_type3A = arith.extui %lt3A_162 : i1 to i32
      %cond3A = arith.constant 0 : i32
      %cond3A_163 = arith.cmpi ne, %convert_element_type3A, %cond3A : i32
      scf.if %cond3A_163 {
        %dma_start3A_189 = arith.constant 0 : i32
        %dma_start3A_190 = arith.constant 0 : i32
        %dma_start3A_191 = arith.constant 0 : i32
        %dma_start3A_192 = arith.constant 0 : i32
        %dma_start3A_193 = tpu.memref_slice %arg9[%dma_start3A_189, %dma_start3A_191, %dma_start3A_192] : memref<2x128x128xf32, #tpu.memory_space<vmem>> -> memref<1x128x128xf32, #tpu.memory_space<vmem>>
        %dma_start3A_194 = tpu.memref_squeeze %dma_start3A_193 : memref<1x128x128xf32, #tpu.memory_space<vmem>> -> memref<128x128xf32, #tpu.memory_space<vmem>>
        %dma_start3A_195 = arith.constant 0 : i32
        %dma_start3A_196 = tpu.memref_slice %arg7[%add3A_161, %dma_start3A_195] : memref<40x128xi32, #tpu.memory_space<vmem>> -> memref<1x128xi32, #tpu.memory_space<vmem>>
        %dma_start3A_197 = tpu.memref_squeeze %dma_start3A_196 : memref<1x128xi32, #tpu.memory_space<vmem>> -> memref<128xi32, #tpu.memory_space<vmem>>
        %dma_start3A_198 = arith.constant 0 : i32
        %dma_start3A_199 = arith.constant 0 : i32
        %dma_start3A_200 = tpu.memref_slice %arg2[%dma_start3A_198, %dma_start3A_199] : memref<10112x128xf32, #tpu.memory_space<hbm>> -> memref<10112x128xf32, #tpu.memory_space<hbm>>
        %dma_start3A_201 = tpu.memref_slice %arg11[%dma_start3A_190] : memref<2x!tpu.dma_semaphore, #tpu.memory_space<semaphore_mem>> -> memref<1x!tpu.dma_semaphore, #tpu.memory_space<semaphore_mem>>
        %dma_start3A_202 = tpu.memref_squeeze %dma_start3A_201 : memref<1x!tpu.dma_semaphore, #tpu.memory_space<semaphore_mem>> -> memref<!tpu.dma_semaphore, #tpu.memory_space<semaphore_mem>>
        tpu.enqueue_indirect_dma source(%dma_start3A_200 : memref<10112x128xf32, #tpu.memory_space<hbm>>) target(%dma_start3A_194 : memref<128x128xf32, #tpu.memory_space<vmem>>) offsets(%dma_start3A_197 : memref<128xi32, #tpu.memory_space<vmem>>) semaphore(%dma_start3A_202 : memref<!tpu.dma_semaphore, #tpu.memory_space<semaphore_mem>>)
      } else {
      }
      %mul3A_164 = arith.constant 2 : i32
      %mul3A_165 = arith.muli %scan3A_78, %mul3A_164 : i32
      %add3A_166 = arith.constant 1 : i32
      %add3A_167 = arith.addi %mul3A_165, %add3A_166 : i32
      %dma_wait3A_168 = arith.constant 1 : i32
      %dma_wait3A_169 = arith.constant 1 : i32
      %dma_wait3A_170 = arith.constant 0 : i32
      %dma_wait3A_171 = arith.constant 0 : i32
      %dma_wait3A_172 = tpu.memref_slice %arg9[%dma_wait3A_168, %dma_wait3A_170, %dma_wait3A_171] : memref<2x128x128xf32, #tpu.memory_space<vmem>> -> memref<1x128x128xf32, #tpu.memory_space<vmem>>
      %dma_wait3A_173 = tpu.memref_squeeze %dma_wait3A_172 : memref<1x128x128xf32, #tpu.memory_space<vmem>> -> memref<128x128xf32, #tpu.memory_space<vmem>>
      %dma_wait3A_174 = arith.constant 0 : i32
      %dma_wait3A_175 = tpu.memref_slice %arg8[%add3A_167, %dma_wait3A_174] : memref<40x128xi32, #tpu.memory_space<vmem>> -> memref<1x128xi32, #tpu.memory_space<vmem>>
      %dma_wait3A_176 = tpu.memref_squeeze %dma_wait3A_175 : memref<1x128xi32, #tpu.memory_space<vmem>> -> memref<128xi32, #tpu.memory_space<vmem>>
      %dma_wait3A_177 = arith.constant 0 : i32
      %dma_wait3A_178 = arith.constant 0 : i32
      %dma_wait3A_179 = tpu.memref_slice %arg10[%dma_wait3A_177, %dma_wait3A_178] : memref<10112x128xf32, #tpu.memory_space<vmem_shared>> -> memref<10112x128xf32, #tpu.memory_space<vmem_shared>>
      %dma_wait3A_180 = tpu.memref_slice %arg12[%dma_wait3A_169] : memref<2x!tpu.dma_semaphore, #tpu.memory_space<semaphore_mem>> -> memref<1x!tpu.dma_semaphore, #tpu.memory_space<semaphore_mem>>
      %dma_wait3A_181 = tpu.memref_squeeze %dma_wait3A_180 : memref<1x!tpu.dma_semaphore, #tpu.memory_space<semaphore_mem>> -> memref<!tpu.dma_semaphore, #tpu.memory_space<semaphore_mem>>
      tpu.wait_indirect_dma semaphore(%dma_wait3A_181 : memref<!tpu.dma_semaphore, #tpu.memory_space<semaphore_mem>>) src(%dma_wait3A_173 : memref<128x128xf32, #tpu.memory_space<vmem>>) dst(%dma_wait3A_179 : memref<10112x128xf32, #tpu.memory_space<vmem_shared>>)
      %add3A_182 = arith.constant 2 : i32
      %add3A_183 = arith.addi %add3A_167, %add3A_182 : i32
      %lt3A_184 = arith.constant 40 : i32
      %lt3A_185 = arith.cmpi slt, %add3A_183, %lt3A_184 : i32
      %convert_element_type3A_186 = arith.extui %lt3A_185 : i1 to i32
      %cond3A_187 = arith.constant 0 : i32
      %cond3A_188 = arith.cmpi ne, %convert_element_type3A_186, %cond3A_187 : i32
      scf.if %cond3A_188 {
        %dma_start3A_189 = arith.constant 1 : i32
        %dma_start3A_190 = arith.constant 1 : i32
        %dma_start3A_191 = arith.constant 0 : i32
        %dma_start3A_192 = arith.constant 0 : i32
        %dma_start3A_193 = tpu.memref_slice %arg9[%dma_start3A_189, %dma_start3A_191, %dma_start3A_192] : memref<2x128x128xf32, #tpu.memory_space<vmem>> -> memref<1x128x128xf32, #tpu.memory_space<vmem>>
        %dma_start3A_194 = tpu.memref_squeeze %dma_start3A_193 : memref<1x128x128xf32, #tpu.memory_space<vmem>> -> memref<128x128xf32, #tpu.memory_space<vmem>>
        %dma_start3A_195 = arith.constant 0 : i32
        %dma_start3A_196 = tpu.memref_slice %arg7[%add3A_183, %dma_start3A_195] : memref<40x128xi32, #tpu.memory_space<vmem>> -> memref<1x128xi32, #tpu.memory_space<vmem>>
        %dma_start3A_197 = tpu.memref_squeeze %dma_start3A_196 : memref<1x128xi32, #tpu.memory_space<vmem>> -> memref<128xi32, #tpu.memory_space<vmem>>
        %dma_start3A_198 = arith.constant 0 : i32
        %dma_start3A_199 = arith.constant 0 : i32
        %dma_start3A_200 = tpu.memref_slice %arg2[%dma_start3A_198, %dma_start3A_199] : memref<10112x128xf32, #tpu.memory_space<hbm>> -> memref<10112x128xf32, #tpu.memory_space<hbm>>
        %dma_start3A_201 = tpu.memref_slice %arg11[%dma_start3A_190] : memref<2x!tpu.dma_semaphore, #tpu.memory_space<semaphore_mem>> -> memref<1x!tpu.dma_semaphore, #tpu.memory_space<semaphore_mem>>
        %dma_start3A_202 = tpu.memref_squeeze %dma_start3A_201 : memref<1x!tpu.dma_semaphore, #tpu.memory_space<semaphore_mem>> -> memref<!tpu.dma_semaphore, #tpu.memory_space<semaphore_mem>>
        tpu.enqueue_indirect_dma source(%dma_start3A_200 : memref<10112x128xf32, #tpu.memory_space<hbm>>) target(%dma_start3A_194 : memref<128x128xf32, #tpu.memory_space<vmem>>) offsets(%dma_start3A_197 : memref<128xi32, #tpu.memory_space<vmem>>) semaphore(%dma_start3A_202 : memref<!tpu.dma_semaphore, #tpu.memory_space<semaphore_mem>>)
      } else {
      }
    }
    %scan3A_36 = arith.constant 20 : i32
    "tpu.region"() ({
      %run_scoped3A = tpu.sem_alloc : memref<!tpu.dma_semaphore, #tpu.memory_space<semaphore_mem>>
      %dma_start3A_78 = arith.constant 40 : i32
      %dma_start3A_79 = arith.constant 0 : i32
      %dma_start3A_80 = tpu.memref_slice %arg3[%add3A, %dma_start3A_78, %dma_start3A_79] : memref<32x80x128xi32, #tpu.memory_space<hbm>> -> memref<1x40x128xi32, #tpu.memory_space<hbm>>
      %dma_start3A_81 = tpu.memref_squeeze %dma_start3A_80 : memref<1x40x128xi32, #tpu.memory_space<hbm>> -> memref<40x128xi32, #tpu.memory_space<hbm>>
      %dma_start3A_82 = arith.constant 40 : i32
      %dma_start3A_83 = arith.constant 0 : i32
      %dma_start3A_84 = tpu.memref_slice %arg3[%add3A, %dma_start3A_82, %dma_start3A_83] : memref<32x80x128xi32, #tpu.memory_space<hbm>> -> memref<1x40x128xi32, #tpu.memory_space<hbm>>
      %dma_start3A_85 = tpu.memref_squeeze %dma_start3A_84 : memref<1x40x128xi32, #tpu.memory_space<hbm>> -> memref<40x128xi32, #tpu.memory_space<hbm>>
      tpu.enqueue_dma source(%dma_start3A_85 : memref<40x128xi32, #tpu.memory_space<hbm>>) target(%arg7 : memref<40x128xi32, #tpu.memory_space<vmem>>) target_semaphore(%run_scoped3A : memref<!tpu.dma_semaphore, #tpu.memory_space<semaphore_mem>>)
      %dma_wait3A = arith.constant 40 : i32
      %dma_wait3A_86 = arith.constant 0 : i32
      %dma_wait3A_87 = tpu.memref_slice %arg3[%add3A, %dma_wait3A, %dma_wait3A_86] : memref<32x80x128xi32, #tpu.memory_space<hbm>> -> memref<1x40x128xi32, #tpu.memory_space<hbm>>
      %dma_wait3A_88 = tpu.memref_squeeze %dma_wait3A_87 : memref<1x40x128xi32, #tpu.memory_space<hbm>> -> memref<40x128xi32, #tpu.memory_space<hbm>>
      %dma_wait3A_89 = arith.constant 40 : i32
      %dma_wait3A_90 = arith.constant 0 : i32
      %dma_wait3A_91 = tpu.memref_slice %arg3[%add3A, %dma_wait3A_89, %dma_wait3A_90] : memref<32x80x128xi32, #tpu.memory_space<hbm>> -> memref<1x40x128xi32, #tpu.memory_space<hbm>>
      %dma_wait3A_92 = tpu.memref_squeeze %dma_wait3A_91 : memref<1x40x128xi32, #tpu.memory_space<hbm>> -> memref<40x128xi32, #tpu.memory_space<hbm>>
      tpu.wait_dma2 semaphore(%run_scoped3A : memref<!tpu.dma_semaphore, #tpu.memory_space<semaphore_mem>>) src(%dma_wait3A_92 : memref<40x128xi32, #tpu.memory_space<hbm>>) dst(%arg7 : memref<40x128xi32, #tpu.memory_space<vmem>>)
      tpu.yield
    }) : () -> ()
    "tpu.region"() ({
      %run_scoped3A = tpu.sem_alloc : memref<!tpu.dma_semaphore, #tpu.memory_space<semaphore_mem>>
      %dma_start3A_78 = arith.constant 40 : i32
      %dma_start3A_79 = arith.constant 0 : i32
      %dma_start3A_80 = tpu.memref_slice %arg4[%add3A, %dma_start3A_78, %dma_start3A_79] : memref<32x80x128xi32, #tpu.memory_space<hbm>> -> memref<1x40x128xi32, #tpu.memory_space<hbm>>
      %dma_start3A_81 = tpu.memref_squeeze %dma_start3A_80 : memref<1x40x128xi32, #tpu.memory_space<hbm>> -> memref<40x128xi32, #tpu.memory_space<hbm>>
      %dma_start3A_82 = arith.constant 40 : i32
      %dma_start3A_83 = arith.constant 0 : i32
      %dma_start3A_84 = tpu.memref_slice %arg4[%add3A, %dma_start3A_82, %dma_start3A_83] : memref<32x80x128xi32, #tpu.memory_space<hbm>> -> memref<1x40x128xi32, #tpu.memory_space<hbm>>
      %dma_start3A_85 = tpu.memref_squeeze %dma_start3A_84 : memref<1x40x128xi32, #tpu.memory_space<hbm>> -> memref<40x128xi32, #tpu.memory_space<hbm>>
      tpu.enqueue_dma source(%dma_start3A_85 : memref<40x128xi32, #tpu.memory_space<hbm>>) target(%arg8 : memref<40x128xi32, #tpu.memory_space<vmem>>) target_semaphore(%run_scoped3A : memref<!tpu.dma_semaphore, #tpu.memory_space<semaphore_mem>>)
      %dma_wait3A = arith.constant 40 : i32
      %dma_wait3A_86 = arith.constant 0 : i32
      %dma_wait3A_87 = tpu.memref_slice %arg4[%add3A, %dma_wait3A, %dma_wait3A_86] : memref<32x80x128xi32, #tpu.memory_space<hbm>> -> memref<1x40x128xi32, #tpu.memory_space<hbm>>
      %dma_wait3A_88 = tpu.memref_squeeze %dma_wait3A_87 : memref<1x40x128xi32, #tpu.memory_space<hbm>> -> memref<40x128xi32, #tpu.memory_space<hbm>>
      %dma_wait3A_89 = arith.constant 40 : i32
      %dma_wait3A_90 = arith.constant 0 : i32
      %dma_wait3A_91 = tpu.memref_slice %arg4[%add3A, %dma_wait3A_89, %dma_wait3A_90] : memref<32x80x128xi32, #tpu.memory_space<hbm>> -> memref<1x40x128xi32, #tpu.memory_space<hbm>>
      %dma_wait3A_92 = tpu.memref_squeeze %dma_wait3A_91 : memref<1x40x128xi32, #tpu.memory_space<hbm>> -> memref<40x128xi32, #tpu.memory_space<hbm>>
      tpu.wait_dma2 semaphore(%run_scoped3A : memref<!tpu.dma_semaphore, #tpu.memory_space<semaphore_mem>>) src(%dma_wait3A_92 : memref<40x128xi32, #tpu.memory_space<hbm>>) dst(%arg8 : memref<40x128xi32, #tpu.memory_space<vmem>>)
      tpu.yield
    }) : () -> ()
    %dma_start3A_37 = arith.constant 0 : i32
    %dma_start3A_38 = arith.constant 0 : i32
    %dma_start3A_39 = arith.constant 0 : i32
    %dma_start3A_40 = arith.constant 0 : i32
    %dma_start3A_41 = arith.constant 0 : i32
    %dma_start3A_42 = tpu.memref_slice %arg9[%dma_start3A_38, %dma_start3A_40, %dma_start3A_41] : memref<2x128x128xf32, #tpu.memory_space<vmem>> -> memref<1x128x128xf32, #tpu.memory_space<vmem>>
    %dma_start3A_43 = tpu.memref_squeeze %dma_start3A_42 : memref<1x128x128xf32, #tpu.memory_space<vmem>> -> memref<128x128xf32, #tpu.memory_space<vmem>>
    %dma_start3A_44 = arith.constant 0 : i32
    %dma_start3A_45 = tpu.memref_slice %arg7[%dma_start3A_37, %dma_start3A_44] : memref<40x128xi32, #tpu.memory_space<vmem>> -> memref<1x128xi32, #tpu.memory_space<vmem>>
    %dma_start3A_46 = tpu.memref_squeeze %dma_start3A_45 : memref<1x128xi32, #tpu.memory_space<vmem>> -> memref<128xi32, #tpu.memory_space<vmem>>
    %dma_start3A_47 = arith.constant 0 : i32
    %dma_start3A_48 = arith.constant 0 : i32
    %dma_start3A_49 = tpu.memref_slice %arg2[%dma_start3A_47, %dma_start3A_48] : memref<10112x128xf32, #tpu.memory_space<hbm>> -> memref<10112x128xf32, #tpu.memory_space<hbm>>
    %dma_start3A_50 = tpu.memref_slice %arg11[%dma_start3A_39] : memref<2x!tpu.dma_semaphore, #tpu.memory_space<semaphore_mem>> -> memref<1x!tpu.dma_semaphore, #tpu.memory_space<semaphore_mem>>
    %dma_start3A_51 = tpu.memref_squeeze %dma_start3A_50 : memref<1x!tpu.dma_semaphore, #tpu.memory_space<semaphore_mem>> -> memref<!tpu.dma_semaphore, #tpu.memory_space<semaphore_mem>>
    tpu.enqueue_indirect_dma source(%dma_start3A_49 : memref<10112x128xf32, #tpu.memory_space<hbm>>) target(%dma_start3A_43 : memref<128x128xf32, #tpu.memory_space<vmem>>) offsets(%dma_start3A_46 : memref<128xi32, #tpu.memory_space<vmem>>) semaphore(%dma_start3A_51 : memref<!tpu.dma_semaphore, #tpu.memory_space<semaphore_mem>>)
    %dma_start3A_52 = arith.constant 1 : i32
    %dma_start3A_53 = arith.constant 1 : i32
    %dma_start3A_54 = arith.constant 1 : i32
    %dma_start3A_55 = arith.constant 0 : i32
    %dma_start3A_56 = arith.constant 0 : i32
    %dma_start3A_57 = tpu.memref_slice %arg9[%dma_start3A_53, %dma_start3A_55, %dma_start3A_56] : memref<2x128x128xf32, #tpu.memory_space<vmem>> -> memref<1x128x128xf32, #tpu.memory_space<vmem>>
    %dma_start3A_58 = tpu.memref_squeeze %dma_start3A_57 : memref<1x128x128xf32, #tpu.memory_space<vmem>> -> memref<128x128xf32, #tpu.memory_space<vmem>>
    %dma_start3A_59 = arith.constant 0 : i32
    %dma_start3A_60 = tpu.memref_slice %arg7[%dma_start3A_52, %dma_start3A_59] : memref<40x128xi32, #tpu.memory_space<vmem>> -> memref<1x128xi32, #tpu.memory_space<vmem>>
    %dma_start3A_61 = tpu.memref_squeeze %dma_start3A_60 : memref<1x128xi32, #tpu.memory_space<vmem>> -> memref<128xi32, #tpu.memory_space<vmem>>
    %dma_start3A_62 = arith.constant 0 : i32
    %dma_start3A_63 = arith.constant 0 : i32
    %dma_start3A_64 = tpu.memref_slice %arg2[%dma_start3A_62, %dma_start3A_63] : memref<10112x128xf32, #tpu.memory_space<hbm>> -> memref<10112x128xf32, #tpu.memory_space<hbm>>
    %dma_start3A_65 = tpu.memref_slice %arg11[%dma_start3A_54] : memref<2x!tpu.dma_semaphore, #tpu.memory_space<semaphore_mem>> -> memref<1x!tpu.dma_semaphore, #tpu.memory_space<semaphore_mem>>
    %dma_start3A_66 = tpu.memref_squeeze %dma_start3A_65 : memref<1x!tpu.dma_semaphore, #tpu.memory_space<semaphore_mem>> -> memref<!tpu.dma_semaphore, #tpu.memory_space<semaphore_mem>>
    tpu.enqueue_indirect_dma source(%dma_start3A_64 : memref<10112x128xf32, #tpu.memory_space<hbm>>) target(%dma_start3A_58 : memref<128x128xf32, #tpu.memory_space<vmem>>) offsets(%dma_start3A_61 : memref<128xi32, #tpu.memory_space<vmem>>) semaphore(%dma_start3A_66 : memref<!tpu.dma_semaphore, #tpu.memory_space<semaphore_mem>>)
    %scan3A_67 = arith.constant 0 : i32
    %scan3A_68 = arith.constant 0 : i32
    %scan3A_69 = arith.constant 20 : i32
    %scan3A_70 = arith.addi %scan3A_68, %scan3A_69 : i32
    %scan3A_71 = arith.constant 1 : i32
    scf.for %scan3A_78 = %scan3A_68 to %scan3A_70 step %scan3A_71  : i32 {
      %mul3A_79 = arith.constant 2 : i32
      %mul3A_80 = arith.muli %scan3A_78, %mul3A_79 : i32
      %add3A_81 = arith.constant 0 : i32
      %add3A_82 = arith.addi %mul3A_80, %add3A_81 : i32
      %dma_wait3A = arith.constant 0 : i32
      %dma_wait3A_83 = arith.constant 0 : i32
      %dma_wait3A_84 = arith.constant 0 : i32
      %dma_wait3A_85 = arith.constant 0 : i32
      %dma_wait3A_86 = tpu.memref_slice %arg9[%dma_wait3A, %dma_wait3A_84, %dma_wait3A_85] : memref<2x128x128xf32, #tpu.memory_space<vmem>> -> memref<1x128x128xf32, #tpu.memory_space<vmem>>
      %dma_wait3A_87 = tpu.memref_squeeze %dma_wait3A_86 : memref<1x128x128xf32, #tpu.memory_space<vmem>> -> memref<128x128xf32, #tpu.memory_space<vmem>>
      %dma_wait3A_88 = arith.constant 0 : i32
      %dma_wait3A_89 = tpu.memref_slice %arg7[%add3A_82, %dma_wait3A_88] : memref<40x128xi32, #tpu.memory_space<vmem>> -> memref<1x128xi32, #tpu.memory_space<vmem>>
      %dma_wait3A_90 = tpu.memref_squeeze %dma_wait3A_89 : memref<1x128xi32, #tpu.memory_space<vmem>> -> memref<128xi32, #tpu.memory_space<vmem>>
      %dma_wait3A_91 = arith.constant 0 : i32
      %dma_wait3A_92 = arith.constant 0 : i32
      %dma_wait3A_93 = tpu.memref_slice %arg2[%dma_wait3A_91, %dma_wait3A_92] : memref<10112x128xf32, #tpu.memory_space<hbm>> -> memref<10112x128xf32, #tpu.memory_space<hbm>>
      %dma_wait3A_94 = tpu.memref_slice %arg11[%dma_wait3A_83] : memref<2x!tpu.dma_semaphore, #tpu.memory_space<semaphore_mem>> -> memref<1x!tpu.dma_semaphore, #tpu.memory_space<semaphore_mem>>
      %dma_wait3A_95 = tpu.memref_squeeze %dma_wait3A_94 : memref<1x!tpu.dma_semaphore, #tpu.memory_space<semaphore_mem>> -> memref<!tpu.dma_semaphore, #tpu.memory_space<semaphore_mem>>
      tpu.wait_indirect_dma semaphore(%dma_wait3A_95 : memref<!tpu.dma_semaphore, #tpu.memory_space<semaphore_mem>>) src(%dma_wait3A_93 : memref<10112x128xf32, #tpu.memory_space<hbm>>) dst(%dma_wait3A_87 : memref<128x128xf32, #tpu.memory_space<vmem>>)
      %dma_start3A_96 = arith.constant 0 : i32
      %dma_start3A_97 = arith.constant 0 : i32
      %dma_start3A_98 = arith.constant 0 : i32
      %dma_start3A_99 = arith.constant 0 : i32
      %dma_start3A_100 = tpu.memref_slice %arg9[%dma_start3A_96, %dma_start3A_98, %dma_start3A_99] : memref<2x128x128xf32, #tpu.memory_space<vmem>> -> memref<1x128x128xf32, #tpu.memory_space<vmem>>
      %dma_start3A_101 = tpu.memref_squeeze %dma_start3A_100 : memref<1x128x128xf32, #tpu.memory_space<vmem>> -> memref<128x128xf32, #tpu.memory_space<vmem>>
      %dma_start3A_102 = arith.constant 0 : i32
      %dma_start3A_103 = tpu.memref_slice %arg8[%add3A_82, %dma_start3A_102] : memref<40x128xi32, #tpu.memory_space<vmem>> -> memref<1x128xi32, #tpu.memory_space<vmem>>
      %dma_start3A_104 = tpu.memref_squeeze %dma_start3A_103 : memref<1x128xi32, #tpu.memory_space<vmem>> -> memref<128xi32, #tpu.memory_space<vmem>>
      %dma_start3A_105 = arith.constant 0 : i32
      %dma_start3A_106 = arith.constant 0 : i32
      %dma_start3A_107 = tpu.memref_slice %arg10[%dma_start3A_105, %dma_start3A_106] : memref<10112x128xf32, #tpu.memory_space<vmem_shared>> -> memref<10112x128xf32, #tpu.memory_space<vmem_shared>>
      %dma_start3A_108 = tpu.memref_slice %arg12[%dma_start3A_97] : memref<2x!tpu.dma_semaphore, #tpu.memory_space<semaphore_mem>> -> memref<1x!tpu.dma_semaphore, #tpu.memory_space<semaphore_mem>>
      %dma_start3A_109 = tpu.memref_squeeze %dma_start3A_108 : memref<1x!tpu.dma_semaphore, #tpu.memory_space<semaphore_mem>> -> memref<!tpu.dma_semaphore, #tpu.memory_space<semaphore_mem>>
      tpu.enqueue_indirect_dma source(%dma_start3A_101 : memref<128x128xf32, #tpu.memory_space<vmem>>) target(%dma_start3A_107 : memref<10112x128xf32, #tpu.memory_space<vmem_shared>>) offsets(%dma_start3A_104 : memref<128xi32, #tpu.memory_space<vmem>>) semaphore(%dma_start3A_109 : memref<!tpu.dma_semaphore, #tpu.memory_space<semaphore_mem>>) {add = true}
      %mul3A_110 = arith.constant 2 : i32
      %mul3A_111 = arith.muli %scan3A_78, %mul3A_110 : i32
      %add3A_112 = arith.constant 1 : i32
      %add3A_113 = arith.addi %mul3A_111, %add3A_112 : i32
      %dma_wait3A_114 = arith.constant 1 : i32
      %dma_wait3A_115 = arith.constant 1 : i32
      %dma_wait3A_116 = arith.constant 0 : i32
      %dma_wait3A_117 = arith.constant 0 : i32
      %dma_wait3A_118 = tpu.memref_slice %arg9[%dma_wait3A_114, %dma_wait3A_116, %dma_wait3A_117] : memref<2x128x128xf32, #tpu.memory_space<vmem>> -> memref<1x128x128xf32, #tpu.memory_space<vmem>>
      %dma_wait3A_119 = tpu.memref_squeeze %dma_wait3A_118 : memref<1x128x128xf32, #tpu.memory_space<vmem>> -> memref<128x128xf32, #tpu.memory_space<vmem>>
      %dma_wait3A_120 = arith.constant 0 : i32
      %dma_wait3A_121 = tpu.memref_slice %arg7[%add3A_113, %dma_wait3A_120] : memref<40x128xi32, #tpu.memory_space<vmem>> -> memref<1x128xi32, #tpu.memory_space<vmem>>
      %dma_wait3A_122 = tpu.memref_squeeze %dma_wait3A_121 : memref<1x128xi32, #tpu.memory_space<vmem>> -> memref<128xi32, #tpu.memory_space<vmem>>
      %dma_wait3A_123 = arith.constant 0 : i32
      %dma_wait3A_124 = arith.constant 0 : i32
      %dma_wait3A_125 = tpu.memref_slice %arg2[%dma_wait3A_123, %dma_wait3A_124] : memref<10112x128xf32, #tpu.memory_space<hbm>> -> memref<10112x128xf32, #tpu.memory_space<hbm>>
      %dma_wait3A_126 = tpu.memref_slice %arg11[%dma_wait3A_115] : memref<2x!tpu.dma_semaphore, #tpu.memory_space<semaphore_mem>> -> memref<1x!tpu.dma_semaphore, #tpu.memory_space<semaphore_mem>>
      %dma_wait3A_127 = tpu.memref_squeeze %dma_wait3A_126 : memref<1x!tpu.dma_semaphore, #tpu.memory_space<semaphore_mem>> -> memref<!tpu.dma_semaphore, #tpu.memory_space<semaphore_mem>>
      tpu.wait_indirect_dma semaphore(%dma_wait3A_127 : memref<!tpu.dma_semaphore, #tpu.memory_space<semaphore_mem>>) src(%dma_wait3A_125 : memref<10112x128xf32, #tpu.memory_space<hbm>>) dst(%dma_wait3A_119 : memref<128x128xf32, #tpu.memory_space<vmem>>)
      %dma_start3A_128 = arith.constant 1 : i32
      %dma_start3A_129 = arith.constant 1 : i32
      %dma_start3A_130 = arith.constant 0 : i32
      %dma_start3A_131 = arith.constant 0 : i32
      %dma_start3A_132 = tpu.memref_slice %arg9[%dma_start3A_128, %dma_start3A_130, %dma_start3A_131] : memref<2x128x128xf32, #tpu.memory_space<vmem>> -> memref<1x128x128xf32, #tpu.memory_space<vmem>>
      %dma_start3A_133 = tpu.memref_squeeze %dma_start3A_132 : memref<1x128x128xf32, #tpu.memory_space<vmem>> -> memref<128x128xf32, #tpu.memory_space<vmem>>
      %dma_start3A_134 = arith.constant 0 : i32
      %dma_start3A_135 = tpu.memref_slice %arg8[%add3A_113, %dma_start3A_134] : memref<40x128xi32, #tpu.memory_space<vmem>> -> memref<1x128xi32, #tpu.memory_space<vmem>>
      %dma_start3A_136 = tpu.memref_squeeze %dma_start3A_135 : memref<1x128xi32, #tpu.memory_space<vmem>> -> memref<128xi32, #tpu.memory_space<vmem>>
      %dma_start3A_137 = arith.constant 0 : i32
      %dma_start3A_138 = arith.constant 0 : i32
      %dma_start3A_139 = tpu.memref_slice %arg10[%dma_start3A_137, %dma_start3A_138] : memref<10112x128xf32, #tpu.memory_space<vmem_shared>> -> memref<10112x128xf32, #tpu.memory_space<vmem_shared>>
      %dma_start3A_140 = tpu.memref_slice %arg12[%dma_start3A_129] : memref<2x!tpu.dma_semaphore, #tpu.memory_space<semaphore_mem>> -> memref<1x!tpu.dma_semaphore, #tpu.memory_space<semaphore_mem>>
      %dma_start3A_141 = tpu.memref_squeeze %dma_start3A_140 : memref<1x!tpu.dma_semaphore, #tpu.memory_space<semaphore_mem>> -> memref<!tpu.dma_semaphore, #tpu.memory_space<semaphore_mem>>
      tpu.enqueue_indirect_dma source(%dma_start3A_133 : memref<128x128xf32, #tpu.memory_space<vmem>>) target(%dma_start3A_139 : memref<10112x128xf32, #tpu.memory_space<vmem_shared>>) offsets(%dma_start3A_136 : memref<128xi32, #tpu.memory_space<vmem>>) semaphore(%dma_start3A_141 : memref<!tpu.dma_semaphore, #tpu.memory_space<semaphore_mem>>) {add = true}
      %mul3A_142 = arith.constant 2 : i32
      %mul3A_143 = arith.muli %scan3A_78, %mul3A_142 : i32
      %add3A_144 = arith.constant 0 : i32
      %add3A_145 = arith.addi %mul3A_143, %add3A_144 : i32
      %dma_wait3A_146 = arith.constant 0 : i32
      %dma_wait3A_147 = arith.constant 0 : i32
      %dma_wait3A_148 = arith.constant 0 : i32
      %dma_wait3A_149 = arith.constant 0 : i32
      %dma_wait3A_150 = tpu.memref_slice %arg9[%dma_wait3A_146, %dma_wait3A_148, %dma_wait3A_149] : memref<2x128x128xf32, #tpu.memory_space<vmem>> -> memref<1x128x128xf32, #tpu.memory_space<vmem>>
      %dma_wait3A_151 = tpu.memref_squeeze %dma_wait3A_150 : memref<1x128x128xf32, #tpu.memory_space<vmem>> -> memref<128x128xf32, #tpu.memory_space<vmem>>
      %dma_wait3A_152 = arith.constant 0 : i32
      %dma_wait3A_153 = tpu.memref_slice %arg8[%add3A_145, %dma_wait3A_152] : memref<40x128xi32, #tpu.memory_space<vmem>> -> memref<1x128xi32, #tpu.memory_space<vmem>>
      %dma_wait3A_154 = tpu.memref_squeeze %dma_wait3A_153 : memref<1x128xi32, #tpu.memory_space<vmem>> -> memref<128xi32, #tpu.memory_space<vmem>>
      %dma_wait3A_155 = arith.constant 0 : i32
      %dma_wait3A_156 = arith.constant 0 : i32
      %dma_wait3A_157 = tpu.memref_slice %arg10[%dma_wait3A_155, %dma_wait3A_156] : memref<10112x128xf32, #tpu.memory_space<vmem_shared>> -> memref<10112x128xf32, #tpu.memory_space<vmem_shared>>
      %dma_wait3A_158 = tpu.memref_slice %arg12[%dma_wait3A_147] : memref<2x!tpu.dma_semaphore, #tpu.memory_space<semaphore_mem>> -> memref<1x!tpu.dma_semaphore, #tpu.memory_space<semaphore_mem>>
      %dma_wait3A_159 = tpu.memref_squeeze %dma_wait3A_158 : memref<1x!tpu.dma_semaphore, #tpu.memory_space<semaphore_mem>> -> memref<!tpu.dma_semaphore, #tpu.memory_space<semaphore_mem>>
      tpu.wait_indirect_dma semaphore(%dma_wait3A_159 : memref<!tpu.dma_semaphore, #tpu.memory_space<semaphore_mem>>) src(%dma_wait3A_151 : memref<128x128xf32, #tpu.memory_space<vmem>>) dst(%dma_wait3A_157 : memref<10112x128xf32, #tpu.memory_space<vmem_shared>>)
      %add3A_160 = arith.constant 2 : i32
      %add3A_161 = arith.addi %add3A_145, %add3A_160 : i32
      %lt3A = arith.constant 40 : i32
      %lt3A_162 = arith.cmpi slt, %add3A_161, %lt3A : i32
      %convert_element_type3A = arith.extui %lt3A_162 : i1 to i32
      %cond3A = arith.constant 0 : i32
      %cond3A_163 = arith.cmpi ne, %convert_element_type3A, %cond3A : i32
      scf.if %cond3A_163 {
        %dma_start3A_189 = arith.constant 0 : i32
        %dma_start3A_190 = arith.constant 0 : i32
        %dma_start3A_191 = arith.constant 0 : i32
        %dma_start3A_192 = arith.constant 0 : i32
        %dma_start3A_193 = tpu.memref_slice %arg9[%dma_start3A_189, %dma_start3A_191, %dma_start3A_192] : memref<2x128x128xf32, #tpu.memory_space<vmem>> -> memref<1x128x128xf32, #tpu.memory_space<vmem>>
        %dma_start3A_194 = tpu.memref_squeeze %dma_start3A_193 : memref<1x128x128xf32, #tpu.memory_space<vmem>> -> memref<128x128xf32, #tpu.memory_space<vmem>>
        %dma_start3A_195 = arith.constant 0 : i32
        %dma_start3A_196 = tpu.memref_slice %arg7[%add3A_161, %dma_start3A_195] : memref<40x128xi32, #tpu.memory_space<vmem>> -> memref<1x128xi32, #tpu.memory_space<vmem>>
        %dma_start3A_197 = tpu.memref_squeeze %dma_start3A_196 : memref<1x128xi32, #tpu.memory_space<vmem>> -> memref<128xi32, #tpu.memory_space<vmem>>
        %dma_start3A_198 = arith.constant 0 : i32
        %dma_start3A_199 = arith.constant 0 : i32
        %dma_start3A_200 = tpu.memref_slice %arg2[%dma_start3A_198, %dma_start3A_199] : memref<10112x128xf32, #tpu.memory_space<hbm>> -> memref<10112x128xf32, #tpu.memory_space<hbm>>
        %dma_start3A_201 = tpu.memref_slice %arg11[%dma_start3A_190] : memref<2x!tpu.dma_semaphore, #tpu.memory_space<semaphore_mem>> -> memref<1x!tpu.dma_semaphore, #tpu.memory_space<semaphore_mem>>
        %dma_start3A_202 = tpu.memref_squeeze %dma_start3A_201 : memref<1x!tpu.dma_semaphore, #tpu.memory_space<semaphore_mem>> -> memref<!tpu.dma_semaphore, #tpu.memory_space<semaphore_mem>>
        tpu.enqueue_indirect_dma source(%dma_start3A_200 : memref<10112x128xf32, #tpu.memory_space<hbm>>) target(%dma_start3A_194 : memref<128x128xf32, #tpu.memory_space<vmem>>) offsets(%dma_start3A_197 : memref<128xi32, #tpu.memory_space<vmem>>) semaphore(%dma_start3A_202 : memref<!tpu.dma_semaphore, #tpu.memory_space<semaphore_mem>>)
      } else {
      }
      %mul3A_164 = arith.constant 2 : i32
      %mul3A_165 = arith.muli %scan3A_78, %mul3A_164 : i32
      %add3A_166 = arith.constant 1 : i32
      %add3A_167 = arith.addi %mul3A_165, %add3A_166 : i32
      %dma_wait3A_168 = arith.constant 1 : i32
      %dma_wait3A_169 = arith.constant 1 : i32
      %dma_wait3A_170 = arith.constant 0 : i32
      %dma_wait3A_171 = arith.constant 0 : i32
      %dma_wait3A_172 = tpu.memref_slice %arg9[%dma_wait3A_168, %dma_wait3A_170, %dma_wait3A_171] : memref<2x128x128xf32, #tpu.memory_space<vmem>> -> memref<1x128x128xf32, #tpu.memory_space<vmem>>
      %dma_wait3A_173 = tpu.memref_squeeze %dma_wait3A_172 : memref<1x128x128xf32, #tpu.memory_space<vmem>> -> memref<128x128xf32, #tpu.memory_space<vmem>>
      %dma_wait3A_174 = arith.constant 0 : i32
      %dma_wait3A_175 = tpu.memref_slice %arg8[%add3A_167, %dma_wait3A_174] : memref<40x128xi32, #tpu.memory_space<vmem>> -> memref<1x128xi32, #tpu.memory_space<vmem>>
      %dma_wait3A_176 = tpu.memref_squeeze %dma_wait3A_175 : memref<1x128xi32, #tpu.memory_space<vmem>> -> memref<128xi32, #tpu.memory_space<vmem>>
      %dma_wait3A_177 = arith.constant 0 : i32
      %dma_wait3A_178 = arith.constant 0 : i32
      %dma_wait3A_179 = tpu.memref_slice %arg10[%dma_wait3A_177, %dma_wait3A_178] : memref<10112x128xf32, #tpu.memory_space<vmem_shared>> -> memref<10112x128xf32, #tpu.memory_space<vmem_shared>>
      %dma_wait3A_180 = tpu.memref_slice %arg12[%dma_wait3A_169] : memref<2x!tpu.dma_semaphore, #tpu.memory_space<semaphore_mem>> -> memref<1x!tpu.dma_semaphore, #tpu.memory_space<semaphore_mem>>
      %dma_wait3A_181 = tpu.memref_squeeze %dma_wait3A_180 : memref<1x!tpu.dma_semaphore, #tpu.memory_space<semaphore_mem>> -> memref<!tpu.dma_semaphore, #tpu.memory_space<semaphore_mem>>
      tpu.wait_indirect_dma semaphore(%dma_wait3A_181 : memref<!tpu.dma_semaphore, #tpu.memory_space<semaphore_mem>>) src(%dma_wait3A_173 : memref<128x128xf32, #tpu.memory_space<vmem>>) dst(%dma_wait3A_179 : memref<10112x128xf32, #tpu.memory_space<vmem_shared>>)
      %add3A_182 = arith.constant 2 : i32
      %add3A_183 = arith.addi %add3A_167, %add3A_182 : i32
      %lt3A_184 = arith.constant 40 : i32
      %lt3A_185 = arith.cmpi slt, %add3A_183, %lt3A_184 : i32
      %convert_element_type3A_186 = arith.extui %lt3A_185 : i1 to i32
      %cond3A_187 = arith.constant 0 : i32
      %cond3A_188 = arith.cmpi ne, %convert_element_type3A_186, %cond3A_187 : i32
      scf.if %cond3A_188 {
        %dma_start3A_189 = arith.constant 1 : i32
        %dma_start3A_190 = arith.constant 1 : i32
        %dma_start3A_191 = arith.constant 0 : i32
        %dma_start3A_192 = arith.constant 0 : i32
        %dma_start3A_193 = tpu.memref_slice %arg9[%dma_start3A_189, %dma_start3A_191, %dma_start3A_192] : memref<2x128x128xf32, #tpu.memory_space<vmem>> -> memref<1x128x128xf32, #tpu.memory_space<vmem>>
        %dma_start3A_194 = tpu.memref_squeeze %dma_start3A_193 : memref<1x128x128xf32, #tpu.memory_space<vmem>> -> memref<128x128xf32, #tpu.memory_space<vmem>>
        %dma_start3A_195 = arith.constant 0 : i32
        %dma_start3A_196 = tpu.memref_slice %arg7[%add3A_183, %dma_start3A_195] : memref<40x128xi32, #tpu.memory_space<vmem>> -> memref<1x128xi32, #tpu.memory_space<vmem>>
        %dma_start3A_197 = tpu.memref_squeeze %dma_start3A_196 : memref<1x128xi32, #tpu.memory_space<vmem>> -> memref<128xi32, #tpu.memory_space<vmem>>
        %dma_start3A_198 = arith.constant 0 : i32
        %dma_start3A_199 = arith.constant 0 : i32
        %dma_start3A_200 = tpu.memref_slice %arg2[%dma_start3A_198, %dma_start3A_199] : memref<10112x128xf32, #tpu.memory_space<hbm>> -> memref<10112x128xf32, #tpu.memory_space<hbm>>
        %dma_start3A_201 = tpu.memref_slice %arg11[%dma_start3A_190] : memref<2x!tpu.dma_semaphore, #tpu.memory_space<semaphore_mem>> -> memref<1x!tpu.dma_semaphore, #tpu.memory_space<semaphore_mem>>
        %dma_start3A_202 = tpu.memref_squeeze %dma_start3A_201 : memref<1x!tpu.dma_semaphore, #tpu.memory_space<semaphore_mem>> -> memref<!tpu.dma_semaphore, #tpu.memory_space<semaphore_mem>>
        tpu.enqueue_indirect_dma source(%dma_start3A_200 : memref<10112x128xf32, #tpu.memory_space<hbm>>) target(%dma_start3A_194 : memref<128x128xf32, #tpu.memory_space<vmem>>) offsets(%dma_start3A_197 : memref<128xi32, #tpu.memory_space<vmem>>) semaphore(%dma_start3A_202 : memref<!tpu.dma_semaphore, #tpu.memory_space<semaphore_mem>>)
      } else {
      }
    }
    %scan3A_72 = arith.constant 20 : i32
    %barrier3A_73 = arith.constant 0 : index
    tpu.barrier barrier_id(%barrier3A_73)
    %mul3A_74 = arith.constant 632 : i32
    %mul3A_75 = arith.muli %arg1, %mul3A_74 : i32
    %mul3A_76 = arith.constant 632 : i32
    %mul3A_77 = arith.muli %arg1, %mul3A_76 : i32
    "tpu.region"() ({
      %run_scoped3A = tpu.sem_alloc : memref<!tpu.dma_semaphore, #tpu.memory_space<semaphore_mem>>
      %dma_start3A_78 = arith.constant 0 : i32
      %dma_start3A_79 = tpu.memref_slice %arg6[%arg0, %mul3A_77, %dma_start3A_78] : memref<2x10112x128xf32, #tpu.memory_space<hbm>> -> memref<1x632x128xf32, #tpu.memory_space<hbm>>
      %dma_start3A_80 = tpu.memref_squeeze %dma_start3A_79 : memref<1x632x128xf32, #tpu.memory_space<hbm>> -> memref<632x128xf32, #tpu.memory_space<hbm>>
      %dma_start3A_81 = arith.constant 0 : i32
      %dma_start3A_82 = tpu.memref_slice %arg10[%mul3A_75, %dma_start3A_81] : memref<10112x128xf32, #tpu.memory_space<vmem_shared>> -> memref<632x128xf32, #tpu.memory_space<vmem_shared>>
      tpu.enqueue_dma source(%dma_start3A_82 : memref<632x128xf32, #tpu.memory_space<vmem_shared>>) target(%dma_start3A_80 : memref<632x128xf32, #tpu.memory_space<hbm>>) target_semaphore(%run_scoped3A : memref<!tpu.dma_semaphore, #tpu.memory_space<semaphore_mem>>)
      %dma_wait3A = arith.constant 0 : i32
      %dma_wait3A_83 = tpu.memref_slice %arg6[%arg0, %mul3A_77, %dma_wait3A] : memref<2x10112x128xf32, #tpu.memory_space<hbm>> -> memref<1x632x128xf32, #tpu.memory_space<hbm>>
      %dma_wait3A_84 = tpu.memref_squeeze %dma_wait3A_83 : memref<1x632x128xf32, #tpu.memory_space<hbm>> -> memref<632x128xf32, #tpu.memory_space<hbm>>
      %dma_wait3A_85 = arith.constant 0 : i32
      %dma_wait3A_86 = tpu.memref_slice %arg10[%mul3A_75, %dma_wait3A_85] : memref<10112x128xf32, #tpu.memory_space<vmem_shared>> -> memref<632x128xf32, #tpu.memory_space<vmem_shared>>
      tpu.wait_dma2 semaphore(%run_scoped3A : memref<!tpu.dma_semaphore, #tpu.memory_space<semaphore_mem>>) src(%dma_wait3A_86 : memref<632x128xf32, #tpu.memory_space<vmem_shared>>) dst(%dma_wait3A_84 : memref<632x128xf32, #tpu.memory_space<hbm>>)
      tpu.yield
    }) : () -> ()
    return
  }
}

#map = affine_map<(d0, d1) -> (0, 0)>
module attributes {stable_mosaic.version = 14 : i64} {
  func.func @_deg_body(%arg0: i32, %arg1: i32, %arg2: memref<32x10240xi32, #tpu.memory_space<hbm>>, %arg3: memref<32x10112xf32, #tpu.memory_space<hbm>>, %arg4: memref<10240xi32, #tpu.memory_space<vmem>>, %arg5: memref<10112xf32, #tpu.memory_space<vmem>>) attributes {dimension_semantics = [#tpu.dimension_semantics<core_parallel>, #tpu.dimension_semantics<subcore_parallel>], iteration_bounds = array<i64: 2, 16>, scalar_prefetch = 0 : i64, scratch_operands = 2 : i64, tpu.core_type = #tpu.core_type<sc_vector_subcore>, window_params = [{transform_indices = #map}, {transform_indices = #map}]} {
    %mul3A = arith.constant 2 : i32
    %mul3A_0 = arith.muli %arg1, %mul3A : i32
    %add3A = arith.addi %mul3A_0, %arg0 : i32
    "tpu.region"() ({
      %run_scoped3A = tpu.sem_alloc : memref<!tpu.dma_semaphore, #tpu.memory_space<semaphore_mem>>
      %dma_start3A = arith.constant 0 : i32
      %dma_start3A_15 = tpu.memref_slice %arg2[%add3A, %dma_start3A] : memref<32x10240xi32, #tpu.memory_space<hbm>> -> memref<1x10240xi32, #tpu.memory_space<hbm>>
      %dma_start3A_16 = tpu.memref_squeeze %dma_start3A_15 : memref<1x10240xi32, #tpu.memory_space<hbm>> -> memref<10240xi32, #tpu.memory_space<hbm>>
      %dma_start3A_17 = arith.constant 0 : i32
      %dma_start3A_18 = tpu.memref_slice %arg2[%add3A, %dma_start3A_17] : memref<32x10240xi32, #tpu.memory_space<hbm>> -> memref<1x10240xi32, #tpu.memory_space<hbm>>
      %dma_start3A_19 = tpu.memref_squeeze %dma_start3A_18 : memref<1x10240xi32, #tpu.memory_space<hbm>> -> memref<10240xi32, #tpu.memory_space<hbm>>
      tpu.enqueue_dma source(%dma_start3A_19 : memref<10240xi32, #tpu.memory_space<hbm>>) target(%arg4 : memref<10240xi32, #tpu.memory_space<vmem>>) target_semaphore(%run_scoped3A : memref<!tpu.dma_semaphore, #tpu.memory_space<semaphore_mem>>)
      %dma_wait3A = arith.constant 0 : i32
      %dma_wait3A_20 = tpu.memref_slice %arg2[%add3A, %dma_wait3A] : memref<32x10240xi32, #tpu.memory_space<hbm>> -> memref<1x10240xi32, #tpu.memory_space<hbm>>
      %dma_wait3A_21 = tpu.memref_squeeze %dma_wait3A_20 : memref<1x10240xi32, #tpu.memory_space<hbm>> -> memref<10240xi32, #tpu.memory_space<hbm>>
      %dma_wait3A_22 = arith.constant 0 : i32
      %dma_wait3A_23 = tpu.memref_slice %arg2[%add3A, %dma_wait3A_22] : memref<32x10240xi32, #tpu.memory_space<hbm>> -> memref<1x10240xi32, #tpu.memory_space<hbm>>
      %dma_wait3A_24 = tpu.memref_squeeze %dma_wait3A_23 : memref<1x10240xi32, #tpu.memory_space<hbm>> -> memref<10240xi32, #tpu.memory_space<hbm>>
      tpu.wait_dma2 semaphore(%run_scoped3A : memref<!tpu.dma_semaphore, #tpu.memory_space<semaphore_mem>>) src(%dma_wait3A_24 : memref<10240xi32, #tpu.memory_space<hbm>>) dst(%arg4 : memref<10240xi32, #tpu.memory_space<vmem>>)
      tpu.yield
    }) : () -> ()
    %broadcast_in_dim3A = arith.constant 0.000000e+00 : f32
    %broadcast_in_dim3A_1 = vector.broadcast %broadcast_in_dim3A : f32 to vector<16xf32>
    %broadcast_in_dim3A_2 = arith.constant 1.000000e+00 : f32
    %broadcast_in_dim3A_3 = vector.broadcast %broadcast_in_dim3A_2 : f32 to vector<16xf32>
    %scan3A = arith.constant 0 : i32
    %scan3A_4 = arith.constant 0 : i32
    %scan3A_5 = arith.constant 632 : i32
    %scan3A_6 = arith.addi %scan3A_4, %scan3A_5 : i32
    %scan3A_7 = arith.constant 1 : i32
    scf.for %scan3A_15 = %scan3A_4 to %scan3A_6 step %scan3A_7  : i32 {
      %mul3A_16 = arith.constant 16 : i32
      %mul3A_17 = arith.muli %scan3A_15, %mul3A_16 : i32
      %swap3A = arith.index_cast %mul3A_17 : i32 to index
      %swap3A_18 = tpu.vector_load %arg5[%swap3A] {strides = array<i32>} : memref<10112xf32, #tpu.memory_space<vmem>>, vector<16xf32>,
      tpu.vector_store %arg5[%swap3A], %broadcast_in_dim3A_1 {strides = array<i32>} : memref<10112xf32, #tpu.memory_space<vmem>>, vector<16xf32>,
    }
    %scan3A_8 = arith.constant 632 : i32
    %scan3A_9 = arith.constant 0 : i32
    %scan3A_10 = arith.constant 0 : i32
    %scan3A_11 = arith.constant 640 : i32
    %scan3A_12 = arith.addi %scan3A_10, %scan3A_11 : i32
    %scan3A_13 = arith.constant 1 : i32
    scf.for %scan3A_15 = %scan3A_10 to %scan3A_12 step %scan3A_13  : i32 {
      %mul3A_16 = arith.constant 16 : i32
      %mul3A_17 = arith.muli %scan3A_15, %mul3A_16 : i32
      %get3A = arith.index_cast %mul3A_17 : i32 to index
      %get3A_18 = tpu.vector_load %arg4[%get3A] {strides = array<i32>} : memref<10240xi32, #tpu.memory_space<vmem>>, vector<16xi32>,
      tpu.vector_store_idx %arg5[%get3A_18], %broadcast_in_dim3A_3 {add = true} : memref<10112xf32, #tpu.memory_space<vmem>>[vector<16xi32>], vector<16xf32>,
    }
    %scan3A_14 = arith.constant 640 : i32
    "tpu.region"() ({
      %run_scoped3A = tpu.sem_alloc : memref<!tpu.dma_semaphore, #tpu.memory_space<semaphore_mem>>
      %dma_start3A = arith.constant 0 : i32
      %dma_start3A_15 = tpu.memref_slice %arg3[%add3A, %dma_start3A] : memref<32x10112xf32, #tpu.memory_space<hbm>> -> memref<1x10112xf32, #tpu.memory_space<hbm>>
      %dma_start3A_16 = tpu.memref_squeeze %dma_start3A_15 : memref<1x10112xf32, #tpu.memory_space<hbm>> -> memref<10112xf32, #tpu.memory_space<hbm>>
      %dma_start3A_17 = arith.constant 0 : i32
      %dma_start3A_18 = tpu.memref_slice %arg3[%add3A, %dma_start3A_17] : memref<32x10112xf32, #tpu.memory_space<hbm>> -> memref<1x10112xf32, #tpu.memory_space<hbm>>
      %dma_start3A_19 = tpu.memref_squeeze %dma_start3A_18 : memref<1x10112xf32, #tpu.memory_space<hbm>> -> memref<10112xf32, #tpu.memory_space<hbm>>
      tpu.enqueue_dma source(%arg5 : memref<10112xf32, #tpu.memory_space<vmem>>) target(%dma_start3A_19 : memref<10112xf32, #tpu.memory_space<hbm>>) target_semaphore(%run_scoped3A : memref<!tpu.dma_semaphore, #tpu.memory_space<semaphore_mem>>)
      %dma_wait3A = arith.constant 0 : i32
      %dma_wait3A_20 = tpu.memref_slice %arg3[%add3A, %dma_wait3A] : memref<32x10112xf32, #tpu.memory_space<hbm>> -> memref<1x10112xf32, #tpu.memory_space<hbm>>
      %dma_wait3A_21 = tpu.memref_squeeze %dma_wait3A_20 : memref<1x10112xf32, #tpu.memory_space<hbm>> -> memref<10112xf32, #tpu.memory_space<hbm>>
      %dma_wait3A_22 = arith.constant 0 : i32
      %dma_wait3A_23 = tpu.memref_slice %arg3[%add3A, %dma_wait3A_22] : memref<32x10112xf32, #tpu.memory_space<hbm>> -> memref<1x10112xf32, #tpu.memory_space<hbm>>
      %dma_wait3A_24 = tpu.memref_squeeze %dma_wait3A_23 : memref<1x10112xf32, #tpu.memory_space<hbm>> -> memref<10112xf32, #tpu.memory_space<hbm>>
      tpu.wait_dma2 semaphore(%run_scoped3A : memref<!tpu.dma_semaphore, #tpu.memory_space<semaphore_mem>>) src(%arg5 : memref<10112xf32, #tpu.memory_space<vmem>>) dst(%dma_wait3A_24 : memref<10112xf32, #tpu.memory_space<hbm>>)
      tpu.yield
    }) : () -> ()
    return
  }
}

#map = affine_map<(d0, d1) -> (0, 0)>
#map1 = affine_map<(d0, d1) -> (0, 0, 0)>
module attributes {stable_mosaic.version = 14 : i64} {
  func.func @_agg_body(%arg0: i32, %arg1: i32, %arg2: memref<10112x128xf32, #tpu.memory_space<hbm>>, %arg3: memref<32x80x128xi32, #tpu.memory_space<hbm>>, %arg4: memref<32x80x128xi32, #tpu.memory_space<hbm>>, %arg5: memref<632x128xf32, #tpu.memory_space<hbm>>, %arg6: memref<2x10112x128xf32, #tpu.memory_space<hbm>>, %arg7: memref<40x128xi32, #tpu.memory_space<vmem>>, %arg8: memref<40x128xi32, #tpu.memory_space<vmem>>, %arg9: memref<2x128x128xf32, #tpu.memory_space<vmem>>, %arg10: memref<10112x128xf32, #tpu.memory_space<vmem_shared>>, %arg11: memref<2x!tpu.dma_semaphore, #tpu.memory_space<semaphore_mem>>, %arg12: memref<2x!tpu.dma_semaphore, #tpu.memory_space<semaphore_mem>>) attributes {dimension_semantics = [#tpu.dimension_semantics<core_parallel>, #tpu.dimension_semantics<subcore_parallel>], iteration_bounds = array<i64: 2, 16>, scalar_prefetch = 0 : i64, scratch_operands = 6 : i64, tpu.core_type = #tpu.core_type<sc_vector_subcore>, window_params = [{transform_indices = #map}, {transform_indices = #map1}, {transform_indices = #map1}, {transform_indices = #map}, {transform_indices = #map1}]} {
    %mul3A = arith.constant 2 : i32
    %mul3A_0 = arith.muli %arg1, %mul3A : i32
    %add3A = arith.addi %mul3A_0, %arg0 : i32
    %mul3A_1 = arith.constant 632 : i32
    %mul3A_2 = arith.muli %arg1, %mul3A_1 : i32
    "tpu.region"() ({
      %run_scoped3A = tpu.sem_alloc : memref<!tpu.dma_semaphore, #tpu.memory_space<semaphore_mem>>
      %dma_start3A_78 = arith.constant 0 : i32
      %dma_start3A_79 = tpu.memref_slice %arg10[%mul3A_2, %dma_start3A_78] : memref<10112x128xf32, #tpu.memory_space<vmem_shared>> -> memref<632x128xf32, #tpu.memory_space<vmem_shared>>
      tpu.enqueue_dma source(%arg5 : memref<632x128xf32, #tpu.memory_space<hbm>>) target(%dma_start3A_79 : memref<632x128xf32, #tpu.memory_space<vmem_shared>>) target_semaphore(%run_scoped3A : memref<!tpu.dma_semaphore, #tpu.memory_space<semaphore_mem>>)
      %dma_wait3A = arith.constant 0 : i32
      %dma_wait3A_80 = tpu.memref_slice %arg10[%mul3A_2, %dma_wait3A] : memref<10112x128xf32, #tpu.memory_space<vmem_shared>> -> memref<632x128xf32, #tpu.memory_space<vmem_shared>>
      tpu.wait_dma2 semaphore(%run_scoped3A : memref<!tpu.dma_semaphore, #tpu.memory_space<semaphore_mem>>) src(%arg5 : memref<632x128xf32, #tpu.memory_space<hbm>>) dst(%dma_wait3A_80 : memref<632x128xf32, #tpu.memory_space<vmem_shared>>)
      tpu.yield
    }) : () -> ()
    %barrier3A = arith.constant 0 : index
    tpu.barrier barrier_id(%barrier3A)
    "tpu.region"() ({
      %run_scoped3A = tpu.sem_alloc : memref<!tpu.dma_semaphore, #tpu.memory_space<semaphore_mem>>
      %dma_start3A_78 = arith.constant 0 : i32
      %dma_start3A_79 = arith.constant 0 : i32
      %dma_start3A_80 = tpu.memref_slice %arg3[%add3A, %dma_start3A_78, %dma_start3A_79] : memref<32x80x128xi32, #tpu.memory_space<hbm>> -> memref<1x40x128xi32, #tpu.memory_space<hbm>>
      %dma_start3A_81 = tpu.memref_squeeze %dma_start3A_80 : memref<1x40x128xi32, #tpu.memory_space<hbm>> -> memref<40x128xi32, #tpu.memory_space<hbm>>
      %dma_start3A_82 = arith.constant 0 : i32
      %dma_start3A_83 = arith.constant 0 : i32
      %dma_start3A_84 = tpu.memref_slice %arg3[%add3A, %dma_start3A_82, %dma_start3A_83] : memref<32x80x128xi32, #tpu.memory_space<hbm>> -> memref<1x40x128xi32, #tpu.memory_space<hbm>>
      %dma_start3A_85 = tpu.memref_squeeze %dma_start3A_84 : memref<1x40x128xi32, #tpu.memory_space<hbm>> -> memref<40x128xi32, #tpu.memory_space<hbm>>
      tpu.enqueue_dma source(%dma_start3A_85 : memref<40x128xi32, #tpu.memory_space<hbm>>) target(%arg7 : memref<40x128xi32, #tpu.memory_space<vmem>>) target_semaphore(%run_scoped3A : memref<!tpu.dma_semaphore, #tpu.memory_space<semaphore_mem>>)
      %dma_wait3A = arith.constant 0 : i32
      %dma_wait3A_86 = arith.constant 0 : i32
      %dma_wait3A_87 = tpu.memref_slice %arg3[%add3A, %dma_wait3A, %dma_wait3A_86] : memref<32x80x128xi32, #tpu.memory_space<hbm>> -> memref<1x40x128xi32, #tpu.memory_space<hbm>>
      %dma_wait3A_88 = tpu.memref_squeeze %dma_wait3A_87 : memref<1x40x128xi32, #tpu.memory_space<hbm>> -> memref<40x128xi32, #tpu.memory_space<hbm>>
      %dma_wait3A_89 = arith.constant 0 : i32
      %dma_wait3A_90 = arith.constant 0 : i32
      %dma_wait3A_91 = tpu.memref_slice %arg3[%add3A, %dma_wait3A_89, %dma_wait3A_90] : memref<32x80x128xi32, #tpu.memory_space<hbm>> -> memref<1x40x128xi32, #tpu.memory_space<hbm>>
      %dma_wait3A_92 = tpu.memref_squeeze %dma_wait3A_91 : memref<1x40x128xi32, #tpu.memory_space<hbm>> -> memref<40x128xi32, #tpu.memory_space<hbm>>
      tpu.wait_dma2 semaphore(%run_scoped3A : memref<!tpu.dma_semaphore, #tpu.memory_space<semaphore_mem>>) src(%dma_wait3A_92 : memref<40x128xi32, #tpu.memory_space<hbm>>) dst(%arg7 : memref<40x128xi32, #tpu.memory_space<vmem>>)
      tpu.yield
    }) : () -> ()
    "tpu.region"() ({
      %run_scoped3A = tpu.sem_alloc : memref<!tpu.dma_semaphore, #tpu.memory_space<semaphore_mem>>
      %dma_start3A_78 = arith.constant 0 : i32
      %dma_start3A_79 = arith.constant 0 : i32
      %dma_start3A_80 = tpu.memref_slice %arg4[%add3A, %dma_start3A_78, %dma_start3A_79] : memref<32x80x128xi32, #tpu.memory_space<hbm>> -> memref<1x40x128xi32, #tpu.memory_space<hbm>>
      %dma_start3A_81 = tpu.memref_squeeze %dma_start3A_80 : memref<1x40x128xi32, #tpu.memory_space<hbm>> -> memref<40x128xi32, #tpu.memory_space<hbm>>
      %dma_start3A_82 = arith.constant 0 : i32
      %dma_start3A_83 = arith.constant 0 : i32
      %dma_start3A_84 = tpu.memref_slice %arg4[%add3A, %dma_start3A_82, %dma_start3A_83] : memref<32x80x128xi32, #tpu.memory_space<hbm>> -> memref<1x40x128xi32, #tpu.memory_space<hbm>>
      %dma_start3A_85 = tpu.memref_squeeze %dma_start3A_84 : memref<1x40x128xi32, #tpu.memory_space<hbm>> -> memref<40x128xi32, #tpu.memory_space<hbm>>
      tpu.enqueue_dma source(%dma_start3A_85 : memref<40x128xi32, #tpu.memory_space<hbm>>) target(%arg8 : memref<40x128xi32, #tpu.memory_space<vmem>>) target_semaphore(%run_scoped3A : memref<!tpu.dma_semaphore, #tpu.memory_space<semaphore_mem>>)
      %dma_wait3A = arith.constant 0 : i32
      %dma_wait3A_86 = arith.constant 0 : i32
      %dma_wait3A_87 = tpu.memref_slice %arg4[%add3A, %dma_wait3A, %dma_wait3A_86] : memref<32x80x128xi32, #tpu.memory_space<hbm>> -> memref<1x40x128xi32, #tpu.memory_space<hbm>>
      %dma_wait3A_88 = tpu.memref_squeeze %dma_wait3A_87 : memref<1x40x128xi32, #tpu.memory_space<hbm>> -> memref<40x128xi32, #tpu.memory_space<hbm>>
      %dma_wait3A_89 = arith.constant 0 : i32
      %dma_wait3A_90 = arith.constant 0 : i32
      %dma_wait3A_91 = tpu.memref_slice %arg4[%add3A, %dma_wait3A_89, %dma_wait3A_90] : memref<32x80x128xi32, #tpu.memory_space<hbm>> -> memref<1x40x128xi32, #tpu.memory_space<hbm>>
      %dma_wait3A_92 = tpu.memref_squeeze %dma_wait3A_91 : memref<1x40x128xi32, #tpu.memory_space<hbm>> -> memref<40x128xi32, #tpu.memory_space<hbm>>
      tpu.wait_dma2 semaphore(%run_scoped3A : memref<!tpu.dma_semaphore, #tpu.memory_space<semaphore_mem>>) src(%dma_wait3A_92 : memref<40x128xi32, #tpu.memory_space<hbm>>) dst(%arg8 : memref<40x128xi32, #tpu.memory_space<vmem>>)
      tpu.yield
    }) : () -> ()
    %dma_start3A = arith.constant 0 : i32
    %dma_start3A_3 = arith.constant 0 : i32
    %dma_start3A_4 = arith.constant 0 : i32
    %dma_start3A_5 = arith.constant 0 : i32
    %dma_start3A_6 = arith.constant 0 : i32
    %dma_start3A_7 = tpu.memref_slice %arg9[%dma_start3A_3, %dma_start3A_5, %dma_start3A_6] : memref<2x128x128xf32, #tpu.memory_space<vmem>> -> memref<1x128x128xf32, #tpu.memory_space<vmem>>
    %dma_start3A_8 = tpu.memref_squeeze %dma_start3A_7 : memref<1x128x128xf32, #tpu.memory_space<vmem>> -> memref<128x128xf32, #tpu.memory_space<vmem>>
    %dma_start3A_9 = arith.constant 0 : i32
    %dma_start3A_10 = tpu.memref_slice %arg7[%dma_start3A, %dma_start3A_9] : memref<40x128xi32, #tpu.memory_space<vmem>> -> memref<1x128xi32, #tpu.memory_space<vmem>>
    %dma_start3A_11 = tpu.memref_squeeze %dma_start3A_10 : memref<1x128xi32, #tpu.memory_space<vmem>> -> memref<128xi32, #tpu.memory_space<vmem>>
    %dma_start3A_12 = arith.constant 0 : i32
    %dma_start3A_13 = arith.constant 0 : i32
    %dma_start3A_14 = tpu.memref_slice %arg2[%dma_start3A_12, %dma_start3A_13] : memref<10112x128xf32, #tpu.memory_space<hbm>> -> memref<10112x128xf32, #tpu.memory_space<hbm>>
    %dma_start3A_15 = tpu.memref_slice %arg11[%dma_start3A_4] : memref<2x!tpu.dma_semaphore, #tpu.memory_space<semaphore_mem>> -> memref<1x!tpu.dma_semaphore, #tpu.memory_space<semaphore_mem>>
    %dma_start3A_16 = tpu.memref_squeeze %dma_start3A_15 : memref<1x!tpu.dma_semaphore, #tpu.memory_space<semaphore_mem>> -> memref<!tpu.dma_semaphore, #tpu.memory_space<semaphore_mem>>
    tpu.enqueue_indirect_dma source(%dma_start3A_14 : memref<10112x128xf32, #tpu.memory_space<hbm>>) target(%dma_start3A_8 : memref<128x128xf32, #tpu.memory_space<vmem>>) offsets(%dma_start3A_11 : memref<128xi32, #tpu.memory_space<vmem>>) semaphore(%dma_start3A_16 : memref<!tpu.dma_semaphore, #tpu.memory_space<semaphore_mem>>)
    %dma_start3A_17 = arith.constant 1 : i32
    %dma_start3A_18 = arith.constant 1 : i32
    %dma_start3A_19 = arith.constant 1 : i32
    %dma_start3A_20 = arith.constant 0 : i32
    %dma_start3A_21 = arith.constant 0 : i32
    %dma_start3A_22 = tpu.memref_slice %arg9[%dma_start3A_18, %dma_start3A_20, %dma_start3A_21] : memref<2x128x128xf32, #tpu.memory_space<vmem>> -> memref<1x128x128xf32, #tpu.memory_space<vmem>>
    %dma_start3A_23 = tpu.memref_squeeze %dma_start3A_22 : memref<1x128x128xf32, #tpu.memory_space<vmem>> -> memref<128x128xf32, #tpu.memory_space<vmem>>
    %dma_start3A_24 = arith.constant 0 : i32
    %dma_start3A_25 = tpu.memref_slice %arg7[%dma_start3A_17, %dma_start3A_24] : memref<40x128xi32, #tpu.memory_space<vmem>> -> memref<1x128xi32, #tpu.memory_space<vmem>>
    %dma_start3A_26 = tpu.memref_squeeze %dma_start3A_25 : memref<1x128xi32, #tpu.memory_space<vmem>> -> memref<128xi32, #tpu.memory_space<vmem>>
    %dma_start3A_27 = arith.constant 0 : i32
    %dma_start3A_28 = arith.constant 0 : i32
    %dma_start3A_29 = tpu.memref_slice %arg2[%dma_start3A_27, %dma_start3A_28] : memref<10112x128xf32, #tpu.memory_space<hbm>> -> memref<10112x128xf32, #tpu.memory_space<hbm>>
    %dma_start3A_30 = tpu.memref_slice %arg11[%dma_start3A_19] : memref<2x!tpu.dma_semaphore, #tpu.memory_space<semaphore_mem>> -> memref<1x!tpu.dma_semaphore, #tpu.memory_space<semaphore_mem>>
    %dma_start3A_31 = tpu.memref_squeeze %dma_start3A_30 : memref<1x!tpu.dma_semaphore, #tpu.memory_space<semaphore_mem>> -> memref<!tpu.dma_semaphore, #tpu.memory_space<semaphore_mem>>
    tpu.enqueue_indirect_dma source(%dma_start3A_29 : memref<10112x128xf32, #tpu.memory_space<hbm>>) target(%dma_start3A_23 : memref<128x128xf32, #tpu.memory_space<vmem>>) offsets(%dma_start3A_26 : memref<128xi32, #tpu.memory_space<vmem>>) semaphore(%dma_start3A_31 : memref<!tpu.dma_semaphore, #tpu.memory_space<semaphore_mem>>)
    %scan3A = arith.constant 0 : i32
    %scan3A_32 = arith.constant 0 : i32
    %scan3A_33 = arith.constant 20 : i32
    %scan3A_34 = arith.addi %scan3A_32, %scan3A_33 : i32
    %scan3A_35 = arith.constant 1 : i32
    scf.for %scan3A_78 = %scan3A_32 to %scan3A_34 step %scan3A_35  : i32 {
      %mul3A_79 = arith.constant 2 : i32
      %mul3A_80 = arith.muli %scan3A_78, %mul3A_79 : i32
      %add3A_81 = arith.constant 0 : i32
      %add3A_82 = arith.addi %mul3A_80, %add3A_81 : i32
      %dma_wait3A = arith.constant 0 : i32
      %dma_wait3A_83 = arith.constant 0 : i32
      %dma_wait3A_84 = arith.constant 0 : i32
      %dma_wait3A_85 = arith.constant 0 : i32
      %dma_wait3A_86 = tpu.memref_slice %arg9[%dma_wait3A, %dma_wait3A_84, %dma_wait3A_85] : memref<2x128x128xf32, #tpu.memory_space<vmem>> -> memref<1x128x128xf32, #tpu.memory_space<vmem>>
      %dma_wait3A_87 = tpu.memref_squeeze %dma_wait3A_86 : memref<1x128x128xf32, #tpu.memory_space<vmem>> -> memref<128x128xf32, #tpu.memory_space<vmem>>
      %dma_wait3A_88 = arith.constant 0 : i32
      %dma_wait3A_89 = tpu.memref_slice %arg7[%add3A_82, %dma_wait3A_88] : memref<40x128xi32, #tpu.memory_space<vmem>> -> memref<1x128xi32, #tpu.memory_space<vmem>>
      %dma_wait3A_90 = tpu.memref_squeeze %dma_wait3A_89 : memref<1x128xi32, #tpu.memory_space<vmem>> -> memref<128xi32, #tpu.memory_space<vmem>>
      %dma_wait3A_91 = arith.constant 0 : i32
      %dma_wait3A_92 = arith.constant 0 : i32
      %dma_wait3A_93 = tpu.memref_slice %arg2[%dma_wait3A_91, %dma_wait3A_92] : memref<10112x128xf32, #tpu.memory_space<hbm>> -> memref<10112x128xf32, #tpu.memory_space<hbm>>
      %dma_wait3A_94 = tpu.memref_slice %arg11[%dma_wait3A_83] : memref<2x!tpu.dma_semaphore, #tpu.memory_space<semaphore_mem>> -> memref<1x!tpu.dma_semaphore, #tpu.memory_space<semaphore_mem>>
      %dma_wait3A_95 = tpu.memref_squeeze %dma_wait3A_94 : memref<1x!tpu.dma_semaphore, #tpu.memory_space<semaphore_mem>> -> memref<!tpu.dma_semaphore, #tpu.memory_space<semaphore_mem>>
      tpu.wait_indirect_dma semaphore(%dma_wait3A_95 : memref<!tpu.dma_semaphore, #tpu.memory_space<semaphore_mem>>) src(%dma_wait3A_93 : memref<10112x128xf32, #tpu.memory_space<hbm>>) dst(%dma_wait3A_87 : memref<128x128xf32, #tpu.memory_space<vmem>>)
      %dma_start3A_96 = arith.constant 0 : i32
      %dma_start3A_97 = arith.constant 0 : i32
      %dma_start3A_98 = arith.constant 0 : i32
      %dma_start3A_99 = arith.constant 0 : i32
      %dma_start3A_100 = tpu.memref_slice %arg9[%dma_start3A_96, %dma_start3A_98, %dma_start3A_99] : memref<2x128x128xf32, #tpu.memory_space<vmem>> -> memref<1x128x128xf32, #tpu.memory_space<vmem>>
      %dma_start3A_101 = tpu.memref_squeeze %dma_start3A_100 : memref<1x128x128xf32, #tpu.memory_space<vmem>> -> memref<128x128xf32, #tpu.memory_space<vmem>>
      %dma_start3A_102 = arith.constant 0 : i32
      %dma_start3A_103 = tpu.memref_slice %arg8[%add3A_82, %dma_start3A_102] : memref<40x128xi32, #tpu.memory_space<vmem>> -> memref<1x128xi32, #tpu.memory_space<vmem>>
      %dma_start3A_104 = tpu.memref_squeeze %dma_start3A_103 : memref<1x128xi32, #tpu.memory_space<vmem>> -> memref<128xi32, #tpu.memory_space<vmem>>
      %dma_start3A_105 = arith.constant 0 : i32
      %dma_start3A_106 = arith.constant 0 : i32
      %dma_start3A_107 = tpu.memref_slice %arg10[%dma_start3A_105, %dma_start3A_106] : memref<10112x128xf32, #tpu.memory_space<vmem_shared>> -> memref<10112x128xf32, #tpu.memory_space<vmem_shared>>
      %dma_start3A_108 = tpu.memref_slice %arg12[%dma_start3A_97] : memref<2x!tpu.dma_semaphore, #tpu.memory_space<semaphore_mem>> -> memref<1x!tpu.dma_semaphore, #tpu.memory_space<semaphore_mem>>
      %dma_start3A_109 = tpu.memref_squeeze %dma_start3A_108 : memref<1x!tpu.dma_semaphore, #tpu.memory_space<semaphore_mem>> -> memref<!tpu.dma_semaphore, #tpu.memory_space<semaphore_mem>>
      tpu.enqueue_indirect_dma source(%dma_start3A_101 : memref<128x128xf32, #tpu.memory_space<vmem>>) target(%dma_start3A_107 : memref<10112x128xf32, #tpu.memory_space<vmem_shared>>) offsets(%dma_start3A_104 : memref<128xi32, #tpu.memory_space<vmem>>) semaphore(%dma_start3A_109 : memref<!tpu.dma_semaphore, #tpu.memory_space<semaphore_mem>>) {add = true}
      %mul3A_110 = arith.constant 2 : i32
      %mul3A_111 = arith.muli %scan3A_78, %mul3A_110 : i32
      %add3A_112 = arith.constant 1 : i32
      %add3A_113 = arith.addi %mul3A_111, %add3A_112 : i32
      %dma_wait3A_114 = arith.constant 1 : i32
      %dma_wait3A_115 = arith.constant 1 : i32
      %dma_wait3A_116 = arith.constant 0 : i32
      %dma_wait3A_117 = arith.constant 0 : i32
      %dma_wait3A_118 = tpu.memref_slice %arg9[%dma_wait3A_114, %dma_wait3A_116, %dma_wait3A_117] : memref<2x128x128xf32, #tpu.memory_space<vmem>> -> memref<1x128x128xf32, #tpu.memory_space<vmem>>
      %dma_wait3A_119 = tpu.memref_squeeze %dma_wait3A_118 : memref<1x128x128xf32, #tpu.memory_space<vmem>> -> memref<128x128xf32, #tpu.memory_space<vmem>>
      %dma_wait3A_120 = arith.constant 0 : i32
      %dma_wait3A_121 = tpu.memref_slice %arg7[%add3A_113, %dma_wait3A_120] : memref<40x128xi32, #tpu.memory_space<vmem>> -> memref<1x128xi32, #tpu.memory_space<vmem>>
      %dma_wait3A_122 = tpu.memref_squeeze %dma_wait3A_121 : memref<1x128xi32, #tpu.memory_space<vmem>> -> memref<128xi32, #tpu.memory_space<vmem>>
      %dma_wait3A_123 = arith.constant 0 : i32
      %dma_wait3A_124 = arith.constant 0 : i32
      %dma_wait3A_125 = tpu.memref_slice %arg2[%dma_wait3A_123, %dma_wait3A_124] : memref<10112x128xf32, #tpu.memory_space<hbm>> -> memref<10112x128xf32, #tpu.memory_space<hbm>>
      %dma_wait3A_126 = tpu.memref_slice %arg11[%dma_wait3A_115] : memref<2x!tpu.dma_semaphore, #tpu.memory_space<semaphore_mem>> -> memref<1x!tpu.dma_semaphore, #tpu.memory_space<semaphore_mem>>
      %dma_wait3A_127 = tpu.memref_squeeze %dma_wait3A_126 : memref<1x!tpu.dma_semaphore, #tpu.memory_space<semaphore_mem>> -> memref<!tpu.dma_semaphore, #tpu.memory_space<semaphore_mem>>
      tpu.wait_indirect_dma semaphore(%dma_wait3A_127 : memref<!tpu.dma_semaphore, #tpu.memory_space<semaphore_mem>>) src(%dma_wait3A_125 : memref<10112x128xf32, #tpu.memory_space<hbm>>) dst(%dma_wait3A_119 : memref<128x128xf32, #tpu.memory_space<vmem>>)
      %dma_start3A_128 = arith.constant 1 : i32
      %dma_start3A_129 = arith.constant 1 : i32
      %dma_start3A_130 = arith.constant 0 : i32
      %dma_start3A_131 = arith.constant 0 : i32
      %dma_start3A_132 = tpu.memref_slice %arg9[%dma_start3A_128, %dma_start3A_130, %dma_start3A_131] : memref<2x128x128xf32, #tpu.memory_space<vmem>> -> memref<1x128x128xf32, #tpu.memory_space<vmem>>
      %dma_start3A_133 = tpu.memref_squeeze %dma_start3A_132 : memref<1x128x128xf32, #tpu.memory_space<vmem>> -> memref<128x128xf32, #tpu.memory_space<vmem>>
      %dma_start3A_134 = arith.constant 0 : i32
      %dma_start3A_135 = tpu.memref_slice %arg8[%add3A_113, %dma_start3A_134] : memref<40x128xi32, #tpu.memory_space<vmem>> -> memref<1x128xi32, #tpu.memory_space<vmem>>
      %dma_start3A_136 = tpu.memref_squeeze %dma_start3A_135 : memref<1x128xi32, #tpu.memory_space<vmem>> -> memref<128xi32, #tpu.memory_space<vmem>>
      %dma_start3A_137 = arith.constant 0 : i32
      %dma_start3A_138 = arith.constant 0 : i32
      %dma_start3A_139 = tpu.memref_slice %arg10[%dma_start3A_137, %dma_start3A_138] : memref<10112x128xf32, #tpu.memory_space<vmem_shared>> -> memref<10112x128xf32, #tpu.memory_space<vmem_shared>>
      %dma_start3A_140 = tpu.memref_slice %arg12[%dma_start3A_129] : memref<2x!tpu.dma_semaphore, #tpu.memory_space<semaphore_mem>> -> memref<1x!tpu.dma_semaphore, #tpu.memory_space<semaphore_mem>>
      %dma_start3A_141 = tpu.memref_squeeze %dma_start3A_140 : memref<1x!tpu.dma_semaphore, #tpu.memory_space<semaphore_mem>> -> memref<!tpu.dma_semaphore, #tpu.memory_space<semaphore_mem>>
      tpu.enqueue_indirect_dma source(%dma_start3A_133 : memref<128x128xf32, #tpu.memory_space<vmem>>) target(%dma_start3A_139 : memref<10112x128xf32, #tpu.memory_space<vmem_shared>>) offsets(%dma_start3A_136 : memref<128xi32, #tpu.memory_space<vmem>>) semaphore(%dma_start3A_141 : memref<!tpu.dma_semaphore, #tpu.memory_space<semaphore_mem>>) {add = true}
      %mul3A_142 = arith.constant 2 : i32
      %mul3A_143 = arith.muli %scan3A_78, %mul3A_142 : i32
      %add3A_144 = arith.constant 0 : i32
      %add3A_145 = arith.addi %mul3A_143, %add3A_144 : i32
      %dma_wait3A_146 = arith.constant 0 : i32
      %dma_wait3A_147 = arith.constant 0 : i32
      %dma_wait3A_148 = arith.constant 0 : i32
      %dma_wait3A_149 = arith.constant 0 : i32
      %dma_wait3A_150 = tpu.memref_slice %arg9[%dma_wait3A_146, %dma_wait3A_148, %dma_wait3A_149] : memref<2x128x128xf32, #tpu.memory_space<vmem>> -> memref<1x128x128xf32, #tpu.memory_space<vmem>>
      %dma_wait3A_151 = tpu.memref_squeeze %dma_wait3A_150 : memref<1x128x128xf32, #tpu.memory_space<vmem>> -> memref<128x128xf32, #tpu.memory_space<vmem>>
      %dma_wait3A_152 = arith.constant 0 : i32
      %dma_wait3A_153 = tpu.memref_slice %arg8[%add3A_145, %dma_wait3A_152] : memref<40x128xi32, #tpu.memory_space<vmem>> -> memref<1x128xi32, #tpu.memory_space<vmem>>
      %dma_wait3A_154 = tpu.memref_squeeze %dma_wait3A_153 : memref<1x128xi32, #tpu.memory_space<vmem>> -> memref<128xi32, #tpu.memory_space<vmem>>
      %dma_wait3A_155 = arith.constant 0 : i32
      %dma_wait3A_156 = arith.constant 0 : i32
      %dma_wait3A_157 = tpu.memref_slice %arg10[%dma_wait3A_155, %dma_wait3A_156] : memref<10112x128xf32, #tpu.memory_space<vmem_shared>> -> memref<10112x128xf32, #tpu.memory_space<vmem_shared>>
      %dma_wait3A_158 = tpu.memref_slice %arg12[%dma_wait3A_147] : memref<2x!tpu.dma_semaphore, #tpu.memory_space<semaphore_mem>> -> memref<1x!tpu.dma_semaphore, #tpu.memory_space<semaphore_mem>>
      %dma_wait3A_159 = tpu.memref_squeeze %dma_wait3A_158 : memref<1x!tpu.dma_semaphore, #tpu.memory_space<semaphore_mem>> -> memref<!tpu.dma_semaphore, #tpu.memory_space<semaphore_mem>>
      tpu.wait_indirect_dma semaphore(%dma_wait3A_159 : memref<!tpu.dma_semaphore, #tpu.memory_space<semaphore_mem>>) src(%dma_wait3A_151 : memref<128x128xf32, #tpu.memory_space<vmem>>) dst(%dma_wait3A_157 : memref<10112x128xf32, #tpu.memory_space<vmem_shared>>)
      %add3A_160 = arith.constant 2 : i32
      %add3A_161 = arith.addi %add3A_145, %add3A_160 : i32
      %lt3A = arith.constant 40 : i32
      %lt3A_162 = arith.cmpi slt, %add3A_161, %lt3A : i32
      %convert_element_type3A = arith.extui %lt3A_162 : i1 to i32
      %cond3A = arith.constant 0 : i32
      %cond3A_163 = arith.cmpi ne, %convert_element_type3A, %cond3A : i32
      scf.if %cond3A_163 {
        %dma_start3A_189 = arith.constant 0 : i32
        %dma_start3A_190 = arith.constant 0 : i32
        %dma_start3A_191 = arith.constant 0 : i32
        %dma_start3A_192 = arith.constant 0 : i32
        %dma_start3A_193 = tpu.memref_slice %arg9[%dma_start3A_189, %dma_start3A_191, %dma_start3A_192] : memref<2x128x128xf32, #tpu.memory_space<vmem>> -> memref<1x128x128xf32, #tpu.memory_space<vmem>>
        %dma_start3A_194 = tpu.memref_squeeze %dma_start3A_193 : memref<1x128x128xf32, #tpu.memory_space<vmem>> -> memref<128x128xf32, #tpu.memory_space<vmem>>
        %dma_start3A_195 = arith.constant 0 : i32
        %dma_start3A_196 = tpu.memref_slice %arg7[%add3A_161, %dma_start3A_195] : memref<40x128xi32, #tpu.memory_space<vmem>> -> memref<1x128xi32, #tpu.memory_space<vmem>>
        %dma_start3A_197 = tpu.memref_squeeze %dma_start3A_196 : memref<1x128xi32, #tpu.memory_space<vmem>> -> memref<128xi32, #tpu.memory_space<vmem>>
        %dma_start3A_198 = arith.constant 0 : i32
        %dma_start3A_199 = arith.constant 0 : i32
        %dma_start3A_200 = tpu.memref_slice %arg2[%dma_start3A_198, %dma_start3A_199] : memref<10112x128xf32, #tpu.memory_space<hbm>> -> memref<10112x128xf32, #tpu.memory_space<hbm>>
        %dma_start3A_201 = tpu.memref_slice %arg11[%dma_start3A_190] : memref<2x!tpu.dma_semaphore, #tpu.memory_space<semaphore_mem>> -> memref<1x!tpu.dma_semaphore, #tpu.memory_space<semaphore_mem>>
        %dma_start3A_202 = tpu.memref_squeeze %dma_start3A_201 : memref<1x!tpu.dma_semaphore, #tpu.memory_space<semaphore_mem>> -> memref<!tpu.dma_semaphore, #tpu.memory_space<semaphore_mem>>
        tpu.enqueue_indirect_dma source(%dma_start3A_200 : memref<10112x128xf32, #tpu.memory_space<hbm>>) target(%dma_start3A_194 : memref<128x128xf32, #tpu.memory_space<vmem>>) offsets(%dma_start3A_197 : memref<128xi32, #tpu.memory_space<vmem>>) semaphore(%dma_start3A_202 : memref<!tpu.dma_semaphore, #tpu.memory_space<semaphore_mem>>)
      } else {
      }
      %mul3A_164 = arith.constant 2 : i32
      %mul3A_165 = arith.muli %scan3A_78, %mul3A_164 : i32
      %add3A_166 = arith.constant 1 : i32
      %add3A_167 = arith.addi %mul3A_165, %add3A_166 : i32
      %dma_wait3A_168 = arith.constant 1 : i32
      %dma_wait3A_169 = arith.constant 1 : i32
      %dma_wait3A_170 = arith.constant 0 : i32
      %dma_wait3A_171 = arith.constant 0 : i32
      %dma_wait3A_172 = tpu.memref_slice %arg9[%dma_wait3A_168, %dma_wait3A_170, %dma_wait3A_171] : memref<2x128x128xf32, #tpu.memory_space<vmem>> -> memref<1x128x128xf32, #tpu.memory_space<vmem>>
      %dma_wait3A_173 = tpu.memref_squeeze %dma_wait3A_172 : memref<1x128x128xf32, #tpu.memory_space<vmem>> -> memref<128x128xf32, #tpu.memory_space<vmem>>
      %dma_wait3A_174 = arith.constant 0 : i32
      %dma_wait3A_175 = tpu.memref_slice %arg8[%add3A_167, %dma_wait3A_174] : memref<40x128xi32, #tpu.memory_space<vmem>> -> memref<1x128xi32, #tpu.memory_space<vmem>>
      %dma_wait3A_176 = tpu.memref_squeeze %dma_wait3A_175 : memref<1x128xi32, #tpu.memory_space<vmem>> -> memref<128xi32, #tpu.memory_space<vmem>>
      %dma_wait3A_177 = arith.constant 0 : i32
      %dma_wait3A_178 = arith.constant 0 : i32
      %dma_wait3A_179 = tpu.memref_slice %arg10[%dma_wait3A_177, %dma_wait3A_178] : memref<10112x128xf32, #tpu.memory_space<vmem_shared>> -> memref<10112x128xf32, #tpu.memory_space<vmem_shared>>
      %dma_wait3A_180 = tpu.memref_slice %arg12[%dma_wait3A_169] : memref<2x!tpu.dma_semaphore, #tpu.memory_space<semaphore_mem>> -> memref<1x!tpu.dma_semaphore, #tpu.memory_space<semaphore_mem>>
      %dma_wait3A_181 = tpu.memref_squeeze %dma_wait3A_180 : memref<1x!tpu.dma_semaphore, #tpu.memory_space<semaphore_mem>> -> memref<!tpu.dma_semaphore, #tpu.memory_space<semaphore_mem>>
      tpu.wait_indirect_dma semaphore(%dma_wait3A_181 : memref<!tpu.dma_semaphore, #tpu.memory_space<semaphore_mem>>) src(%dma_wait3A_173 : memref<128x128xf32, #tpu.memory_space<vmem>>) dst(%dma_wait3A_179 : memref<10112x128xf32, #tpu.memory_space<vmem_shared>>)
      %add3A_182 = arith.constant 2 : i32
      %add3A_183 = arith.addi %add3A_167, %add3A_182 : i32
      %lt3A_184 = arith.constant 40 : i32
      %lt3A_185 = arith.cmpi slt, %add3A_183, %lt3A_184 : i32
      %convert_element_type3A_186 = arith.extui %lt3A_185 : i1 to i32
      %cond3A_187 = arith.constant 0 : i32
      %cond3A_188 = arith.cmpi ne, %convert_element_type3A_186, %cond3A_187 : i32
      scf.if %cond3A_188 {
        %dma_start3A_189 = arith.constant 1 : i32
        %dma_start3A_190 = arith.constant 1 : i32
        %dma_start3A_191 = arith.constant 0 : i32
        %dma_start3A_192 = arith.constant 0 : i32
        %dma_start3A_193 = tpu.memref_slice %arg9[%dma_start3A_189, %dma_start3A_191, %dma_start3A_192] : memref<2x128x128xf32, #tpu.memory_space<vmem>> -> memref<1x128x128xf32, #tpu.memory_space<vmem>>
        %dma_start3A_194 = tpu.memref_squeeze %dma_start3A_193 : memref<1x128x128xf32, #tpu.memory_space<vmem>> -> memref<128x128xf32, #tpu.memory_space<vmem>>
        %dma_start3A_195 = arith.constant 0 : i32
        %dma_start3A_196 = tpu.memref_slice %arg7[%add3A_183, %dma_start3A_195] : memref<40x128xi32, #tpu.memory_space<vmem>> -> memref<1x128xi32, #tpu.memory_space<vmem>>
        %dma_start3A_197 = tpu.memref_squeeze %dma_start3A_196 : memref<1x128xi32, #tpu.memory_space<vmem>> -> memref<128xi32, #tpu.memory_space<vmem>>
        %dma_start3A_198 = arith.constant 0 : i32
        %dma_start3A_199 = arith.constant 0 : i32
        %dma_start3A_200 = tpu.memref_slice %arg2[%dma_start3A_198, %dma_start3A_199] : memref<10112x128xf32, #tpu.memory_space<hbm>> -> memref<10112x128xf32, #tpu.memory_space<hbm>>
        %dma_start3A_201 = tpu.memref_slice %arg11[%dma_start3A_190] : memref<2x!tpu.dma_semaphore, #tpu.memory_space<semaphore_mem>> -> memref<1x!tpu.dma_semaphore, #tpu.memory_space<semaphore_mem>>
        %dma_start3A_202 = tpu.memref_squeeze %dma_start3A_201 : memref<1x!tpu.dma_semaphore, #tpu.memory_space<semaphore_mem>> -> memref<!tpu.dma_semaphore, #tpu.memory_space<semaphore_mem>>
        tpu.enqueue_indirect_dma source(%dma_start3A_200 : memref<10112x128xf32, #tpu.memory_space<hbm>>) target(%dma_start3A_194 : memref<128x128xf32, #tpu.memory_space<vmem>>) offsets(%dma_start3A_197 : memref<128xi32, #tpu.memory_space<vmem>>) semaphore(%dma_start3A_202 : memref<!tpu.dma_semaphore, #tpu.memory_space<semaphore_mem>>)
      } else {
      }
    }
    %scan3A_36 = arith.constant 20 : i32
    "tpu.region"() ({
      %run_scoped3A = tpu.sem_alloc : memref<!tpu.dma_semaphore, #tpu.memory_space<semaphore_mem>>
      %dma_start3A_78 = arith.constant 40 : i32
      %dma_start3A_79 = arith.constant 0 : i32
      %dma_start3A_80 = tpu.memref_slice %arg3[%add3A, %dma_start3A_78, %dma_start3A_79] : memref<32x80x128xi32, #tpu.memory_space<hbm>> -> memref<1x40x128xi32, #tpu.memory_space<hbm>>
      %dma_start3A_81 = tpu.memref_squeeze %dma_start3A_80 : memref<1x40x128xi32, #tpu.memory_space<hbm>> -> memref<40x128xi32, #tpu.memory_space<hbm>>
      %dma_start3A_82 = arith.constant 40 : i32
      %dma_start3A_83 = arith.constant 0 : i32
      %dma_start3A_84 = tpu.memref_slice %arg3[%add3A, %dma_start3A_82, %dma_start3A_83] : memref<32x80x128xi32, #tpu.memory_space<hbm>> -> memref<1x40x128xi32, #tpu.memory_space<hbm>>
      %dma_start3A_85 = tpu.memref_squeeze %dma_start3A_84 : memref<1x40x128xi32, #tpu.memory_space<hbm>> -> memref<40x128xi32, #tpu.memory_space<hbm>>
      tpu.enqueue_dma source(%dma_start3A_85 : memref<40x128xi32, #tpu.memory_space<hbm>>) target(%arg7 : memref<40x128xi32, #tpu.memory_space<vmem>>) target_semaphore(%run_scoped3A : memref<!tpu.dma_semaphore, #tpu.memory_space<semaphore_mem>>)
      %dma_wait3A = arith.constant 40 : i32
      %dma_wait3A_86 = arith.constant 0 : i32
      %dma_wait3A_87 = tpu.memref_slice %arg3[%add3A, %dma_wait3A, %dma_wait3A_86] : memref<32x80x128xi32, #tpu.memory_space<hbm>> -> memref<1x40x128xi32, #tpu.memory_space<hbm>>
      %dma_wait3A_88 = tpu.memref_squeeze %dma_wait3A_87 : memref<1x40x128xi32, #tpu.memory_space<hbm>> -> memref<40x128xi32, #tpu.memory_space<hbm>>
      %dma_wait3A_89 = arith.constant 40 : i32
      %dma_wait3A_90 = arith.constant 0 : i32
      %dma_wait3A_91 = tpu.memref_slice %arg3[%add3A, %dma_wait3A_89, %dma_wait3A_90] : memref<32x80x128xi32, #tpu.memory_space<hbm>> -> memref<1x40x128xi32, #tpu.memory_space<hbm>>
      %dma_wait3A_92 = tpu.memref_squeeze %dma_wait3A_91 : memref<1x40x128xi32, #tpu.memory_space<hbm>> -> memref<40x128xi32, #tpu.memory_space<hbm>>
      tpu.wait_dma2 semaphore(%run_scoped3A : memref<!tpu.dma_semaphore, #tpu.memory_space<semaphore_mem>>) src(%dma_wait3A_92 : memref<40x128xi32, #tpu.memory_space<hbm>>) dst(%arg7 : memref<40x128xi32, #tpu.memory_space<vmem>>)
      tpu.yield
    }) : () -> ()
    "tpu.region"() ({
      %run_scoped3A = tpu.sem_alloc : memref<!tpu.dma_semaphore, #tpu.memory_space<semaphore_mem>>
      %dma_start3A_78 = arith.constant 40 : i32
      %dma_start3A_79 = arith.constant 0 : i32
      %dma_start3A_80 = tpu.memref_slice %arg4[%add3A, %dma_start3A_78, %dma_start3A_79] : memref<32x80x128xi32, #tpu.memory_space<hbm>> -> memref<1x40x128xi32, #tpu.memory_space<hbm>>
      %dma_start3A_81 = tpu.memref_squeeze %dma_start3A_80 : memref<1x40x128xi32, #tpu.memory_space<hbm>> -> memref<40x128xi32, #tpu.memory_space<hbm>>
      %dma_start3A_82 = arith.constant 40 : i32
      %dma_start3A_83 = arith.constant 0 : i32
      %dma_start3A_84 = tpu.memref_slice %arg4[%add3A, %dma_start3A_82, %dma_start3A_83] : memref<32x80x128xi32, #tpu.memory_space<hbm>> -> memref<1x40x128xi32, #tpu.memory_space<hbm>>
      %dma_start3A_85 = tpu.memref_squeeze %dma_start3A_84 : memref<1x40x128xi32, #tpu.memory_space<hbm>> -> memref<40x128xi32, #tpu.memory_space<hbm>>
      tpu.enqueue_dma source(%dma_start3A_85 : memref<40x128xi32, #tpu.memory_space<hbm>>) target(%arg8 : memref<40x128xi32, #tpu.memory_space<vmem>>) target_semaphore(%run_scoped3A : memref<!tpu.dma_semaphore, #tpu.memory_space<semaphore_mem>>)
      %dma_wait3A = arith.constant 40 : i32
      %dma_wait3A_86 = arith.constant 0 : i32
      %dma_wait3A_87 = tpu.memref_slice %arg4[%add3A, %dma_wait3A, %dma_wait3A_86] : memref<32x80x128xi32, #tpu.memory_space<hbm>> -> memref<1x40x128xi32, #tpu.memory_space<hbm>>
      %dma_wait3A_88 = tpu.memref_squeeze %dma_wait3A_87 : memref<1x40x128xi32, #tpu.memory_space<hbm>> -> memref<40x128xi32, #tpu.memory_space<hbm>>
      %dma_wait3A_89 = arith.constant 40 : i32
      %dma_wait3A_90 = arith.constant 0 : i32
      %dma_wait3A_91 = tpu.memref_slice %arg4[%add3A, %dma_wait3A_89, %dma_wait3A_90] : memref<32x80x128xi32, #tpu.memory_space<hbm>> -> memref<1x40x128xi32, #tpu.memory_space<hbm>>
      %dma_wait3A_92 = tpu.memref_squeeze %dma_wait3A_91 : memref<1x40x128xi32, #tpu.memory_space<hbm>> -> memref<40x128xi32, #tpu.memory_space<hbm>>
      tpu.wait_dma2 semaphore(%run_scoped3A : memref<!tpu.dma_semaphore, #tpu.memory_space<semaphore_mem>>) src(%dma_wait3A_92 : memref<40x128xi32, #tpu.memory_space<hbm>>) dst(%arg8 : memref<40x128xi32, #tpu.memory_space<vmem>>)
      tpu.yield
    }) : () -> ()
    %dma_start3A_37 = arith.constant 0 : i32
    %dma_start3A_38 = arith.constant 0 : i32
    %dma_start3A_39 = arith.constant 0 : i32
    %dma_start3A_40 = arith.constant 0 : i32
    %dma_start3A_41 = arith.constant 0 : i32
    %dma_start3A_42 = tpu.memref_slice %arg9[%dma_start3A_38, %dma_start3A_40, %dma_start3A_41] : memref<2x128x128xf32, #tpu.memory_space<vmem>> -> memref<1x128x128xf32, #tpu.memory_space<vmem>>
    %dma_start3A_43 = tpu.memref_squeeze %dma_start3A_42 : memref<1x128x128xf32, #tpu.memory_space<vmem>> -> memref<128x128xf32, #tpu.memory_space<vmem>>
    %dma_start3A_44 = arith.constant 0 : i32
    %dma_start3A_45 = tpu.memref_slice %arg7[%dma_start3A_37, %dma_start3A_44] : memref<40x128xi32, #tpu.memory_space<vmem>> -> memref<1x128xi32, #tpu.memory_space<vmem>>
    %dma_start3A_46 = tpu.memref_squeeze %dma_start3A_45 : memref<1x128xi32, #tpu.memory_space<vmem>> -> memref<128xi32, #tpu.memory_space<vmem>>
    %dma_start3A_47 = arith.constant 0 : i32
    %dma_start3A_48 = arith.constant 0 : i32
    %dma_start3A_49 = tpu.memref_slice %arg2[%dma_start3A_47, %dma_start3A_48] : memref<10112x128xf32, #tpu.memory_space<hbm>> -> memref<10112x128xf32, #tpu.memory_space<hbm>>
    %dma_start3A_50 = tpu.memref_slice %arg11[%dma_start3A_39] : memref<2x!tpu.dma_semaphore, #tpu.memory_space<semaphore_mem>> -> memref<1x!tpu.dma_semaphore, #tpu.memory_space<semaphore_mem>>
    %dma_start3A_51 = tpu.memref_squeeze %dma_start3A_50 : memref<1x!tpu.dma_semaphore, #tpu.memory_space<semaphore_mem>> -> memref<!tpu.dma_semaphore, #tpu.memory_space<semaphore_mem>>
    tpu.enqueue_indirect_dma source(%dma_start3A_49 : memref<10112x128xf32, #tpu.memory_space<hbm>>) target(%dma_start3A_43 : memref<128x128xf32, #tpu.memory_space<vmem>>) offsets(%dma_start3A_46 : memref<128xi32, #tpu.memory_space<vmem>>) semaphore(%dma_start3A_51 : memref<!tpu.dma_semaphore, #tpu.memory_space<semaphore_mem>>)
    %dma_start3A_52 = arith.constant 1 : i32
    %dma_start3A_53 = arith.constant 1 : i32
    %dma_start3A_54 = arith.constant 1 : i32
    %dma_start3A_55 = arith.constant 0 : i32
    %dma_start3A_56 = arith.constant 0 : i32
    %dma_start3A_57 = tpu.memref_slice %arg9[%dma_start3A_53, %dma_start3A_55, %dma_start3A_56] : memref<2x128x128xf32, #tpu.memory_space<vmem>> -> memref<1x128x128xf32, #tpu.memory_space<vmem>>
    %dma_start3A_58 = tpu.memref_squeeze %dma_start3A_57 : memref<1x128x128xf32, #tpu.memory_space<vmem>> -> memref<128x128xf32, #tpu.memory_space<vmem>>
    %dma_start3A_59 = arith.constant 0 : i32
    %dma_start3A_60 = tpu.memref_slice %arg7[%dma_start3A_52, %dma_start3A_59] : memref<40x128xi32, #tpu.memory_space<vmem>> -> memref<1x128xi32, #tpu.memory_space<vmem>>
    %dma_start3A_61 = tpu.memref_squeeze %dma_start3A_60 : memref<1x128xi32, #tpu.memory_space<vmem>> -> memref<128xi32, #tpu.memory_space<vmem>>
    %dma_start3A_62 = arith.constant 0 : i32
    %dma_start3A_63 = arith.constant 0 : i32
    %dma_start3A_64 = tpu.memref_slice %arg2[%dma_start3A_62, %dma_start3A_63] : memref<10112x128xf32, #tpu.memory_space<hbm>> -> memref<10112x128xf32, #tpu.memory_space<hbm>>
    %dma_start3A_65 = tpu.memref_slice %arg11[%dma_start3A_54] : memref<2x!tpu.dma_semaphore, #tpu.memory_space<semaphore_mem>> -> memref<1x!tpu.dma_semaphore, #tpu.memory_space<semaphore_mem>>
    %dma_start3A_66 = tpu.memref_squeeze %dma_start3A_65 : memref<1x!tpu.dma_semaphore, #tpu.memory_space<semaphore_mem>> -> memref<!tpu.dma_semaphore, #tpu.memory_space<semaphore_mem>>
    tpu.enqueue_indirect_dma source(%dma_start3A_64 : memref<10112x128xf32, #tpu.memory_space<hbm>>) target(%dma_start3A_58 : memref<128x128xf32, #tpu.memory_space<vmem>>) offsets(%dma_start3A_61 : memref<128xi32, #tpu.memory_space<vmem>>) semaphore(%dma_start3A_66 : memref<!tpu.dma_semaphore, #tpu.memory_space<semaphore_mem>>)
    %scan3A_67 = arith.constant 0 : i32
    %scan3A_68 = arith.constant 0 : i32
    %scan3A_69 = arith.constant 20 : i32
    %scan3A_70 = arith.addi %scan3A_68, %scan3A_69 : i32
    %scan3A_71 = arith.constant 1 : i32
    scf.for %scan3A_78 = %scan3A_68 to %scan3A_70 step %scan3A_71  : i32 {
      %mul3A_79 = arith.constant 2 : i32
      %mul3A_80 = arith.muli %scan3A_78, %mul3A_79 : i32
      %add3A_81 = arith.constant 0 : i32
      %add3A_82 = arith.addi %mul3A_80, %add3A_81 : i32
      %dma_wait3A = arith.constant 0 : i32
      %dma_wait3A_83 = arith.constant 0 : i32
      %dma_wait3A_84 = arith.constant 0 : i32
      %dma_wait3A_85 = arith.constant 0 : i32
      %dma_wait3A_86 = tpu.memref_slice %arg9[%dma_wait3A, %dma_wait3A_84, %dma_wait3A_85] : memref<2x128x128xf32, #tpu.memory_space<vmem>> -> memref<1x128x128xf32, #tpu.memory_space<vmem>>
      %dma_wait3A_87 = tpu.memref_squeeze %dma_wait3A_86 : memref<1x128x128xf32, #tpu.memory_space<vmem>> -> memref<128x128xf32, #tpu.memory_space<vmem>>
      %dma_wait3A_88 = arith.constant 0 : i32
      %dma_wait3A_89 = tpu.memref_slice %arg7[%add3A_82, %dma_wait3A_88] : memref<40x128xi32, #tpu.memory_space<vmem>> -> memref<1x128xi32, #tpu.memory_space<vmem>>
      %dma_wait3A_90 = tpu.memref_squeeze %dma_wait3A_89 : memref<1x128xi32, #tpu.memory_space<vmem>> -> memref<128xi32, #tpu.memory_space<vmem>>
      %dma_wait3A_91 = arith.constant 0 : i32
      %dma_wait3A_92 = arith.constant 0 : i32
      %dma_wait3A_93 = tpu.memref_slice %arg2[%dma_wait3A_91, %dma_wait3A_92] : memref<10112x128xf32, #tpu.memory_space<hbm>> -> memref<10112x128xf32, #tpu.memory_space<hbm>>
      %dma_wait3A_94 = tpu.memref_slice %arg11[%dma_wait3A_83] : memref<2x!tpu.dma_semaphore, #tpu.memory_space<semaphore_mem>> -> memref<1x!tpu.dma_semaphore, #tpu.memory_space<semaphore_mem>>
      %dma_wait3A_95 = tpu.memref_squeeze %dma_wait3A_94 : memref<1x!tpu.dma_semaphore, #tpu.memory_space<semaphore_mem>> -> memref<!tpu.dma_semaphore, #tpu.memory_space<semaphore_mem>>
      tpu.wait_indirect_dma semaphore(%dma_wait3A_95 : memref<!tpu.dma_semaphore, #tpu.memory_space<semaphore_mem>>) src(%dma_wait3A_93 : memref<10112x128xf32, #tpu.memory_space<hbm>>) dst(%dma_wait3A_87 : memref<128x128xf32, #tpu.memory_space<vmem>>)
      %dma_start3A_96 = arith.constant 0 : i32
      %dma_start3A_97 = arith.constant 0 : i32
      %dma_start3A_98 = arith.constant 0 : i32
      %dma_start3A_99 = arith.constant 0 : i32
      %dma_start3A_100 = tpu.memref_slice %arg9[%dma_start3A_96, %dma_start3A_98, %dma_start3A_99] : memref<2x128x128xf32, #tpu.memory_space<vmem>> -> memref<1x128x128xf32, #tpu.memory_space<vmem>>
      %dma_start3A_101 = tpu.memref_squeeze %dma_start3A_100 : memref<1x128x128xf32, #tpu.memory_space<vmem>> -> memref<128x128xf32, #tpu.memory_space<vmem>>
      %dma_start3A_102 = arith.constant 0 : i32
      %dma_start3A_103 = tpu.memref_slice %arg8[%add3A_82, %dma_start3A_102] : memref<40x128xi32, #tpu.memory_space<vmem>> -> memref<1x128xi32, #tpu.memory_space<vmem>>
      %dma_start3A_104 = tpu.memref_squeeze %dma_start3A_103 : memref<1x128xi32, #tpu.memory_space<vmem>> -> memref<128xi32, #tpu.memory_space<vmem>>
      %dma_start3A_105 = arith.constant 0 : i32
      %dma_start3A_106 = arith.constant 0 : i32
      %dma_start3A_107 = tpu.memref_slice %arg10[%dma_start3A_105, %dma_start3A_106] : memref<10112x128xf32, #tpu.memory_space<vmem_shared>> -> memref<10112x128xf32, #tpu.memory_space<vmem_shared>>
      %dma_start3A_108 = tpu.memref_slice %arg12[%dma_start3A_97] : memref<2x!tpu.dma_semaphore, #tpu.memory_space<semaphore_mem>> -> memref<1x!tpu.dma_semaphore, #tpu.memory_space<semaphore_mem>>
      %dma_start3A_109 = tpu.memref_squeeze %dma_start3A_108 : memref<1x!tpu.dma_semaphore, #tpu.memory_space<semaphore_mem>> -> memref<!tpu.dma_semaphore, #tpu.memory_space<semaphore_mem>>
      tpu.enqueue_indirect_dma source(%dma_start3A_101 : memref<128x128xf32, #tpu.memory_space<vmem>>) target(%dma_start3A_107 : memref<10112x128xf32, #tpu.memory_space<vmem_shared>>) offsets(%dma_start3A_104 : memref<128xi32, #tpu.memory_space<vmem>>) semaphore(%dma_start3A_109 : memref<!tpu.dma_semaphore, #tpu.memory_space<semaphore_mem>>) {add = true}
      %mul3A_110 = arith.constant 2 : i32
      %mul3A_111 = arith.muli %scan3A_78, %mul3A_110 : i32
      %add3A_112 = arith.constant 1 : i32
      %add3A_113 = arith.addi %mul3A_111, %add3A_112 : i32
      %dma_wait3A_114 = arith.constant 1 : i32
      %dma_wait3A_115 = arith.constant 1 : i32
      %dma_wait3A_116 = arith.constant 0 : i32
      %dma_wait3A_117 = arith.constant 0 : i32
      %dma_wait3A_118 = tpu.memref_slice %arg9[%dma_wait3A_114, %dma_wait3A_116, %dma_wait3A_117] : memref<2x128x128xf32, #tpu.memory_space<vmem>> -> memref<1x128x128xf32, #tpu.memory_space<vmem>>
      %dma_wait3A_119 = tpu.memref_squeeze %dma_wait3A_118 : memref<1x128x128xf32, #tpu.memory_space<vmem>> -> memref<128x128xf32, #tpu.memory_space<vmem>>
      %dma_wait3A_120 = arith.constant 0 : i32
      %dma_wait3A_121 = tpu.memref_slice %arg7[%add3A_113, %dma_wait3A_120] : memref<40x128xi32, #tpu.memory_space<vmem>> -> memref<1x128xi32, #tpu.memory_space<vmem>>
      %dma_wait3A_122 = tpu.memref_squeeze %dma_wait3A_121 : memref<1x128xi32, #tpu.memory_space<vmem>> -> memref<128xi32, #tpu.memory_space<vmem>>
      %dma_wait3A_123 = arith.constant 0 : i32
      %dma_wait3A_124 = arith.constant 0 : i32
      %dma_wait3A_125 = tpu.memref_slice %arg2[%dma_wait3A_123, %dma_wait3A_124] : memref<10112x128xf32, #tpu.memory_space<hbm>> -> memref<10112x128xf32, #tpu.memory_space<hbm>>
      %dma_wait3A_126 = tpu.memref_slice %arg11[%dma_wait3A_115] : memref<2x!tpu.dma_semaphore, #tpu.memory_space<semaphore_mem>> -> memref<1x!tpu.dma_semaphore, #tpu.memory_space<semaphore_mem>>
      %dma_wait3A_127 = tpu.memref_squeeze %dma_wait3A_126 : memref<1x!tpu.dma_semaphore, #tpu.memory_space<semaphore_mem>> -> memref<!tpu.dma_semaphore, #tpu.memory_space<semaphore_mem>>
      tpu.wait_indirect_dma semaphore(%dma_wait3A_127 : memref<!tpu.dma_semaphore, #tpu.memory_space<semaphore_mem>>) src(%dma_wait3A_125 : memref<10112x128xf32, #tpu.memory_space<hbm>>) dst(%dma_wait3A_119 : memref<128x128xf32, #tpu.memory_space<vmem>>)
      %dma_start3A_128 = arith.constant 1 : i32
      %dma_start3A_129 = arith.constant 1 : i32
      %dma_start3A_130 = arith.constant 0 : i32
      %dma_start3A_131 = arith.constant 0 : i32
      %dma_start3A_132 = tpu.memref_slice %arg9[%dma_start3A_128, %dma_start3A_130, %dma_start3A_131] : memref<2x128x128xf32, #tpu.memory_space<vmem>> -> memref<1x128x128xf32, #tpu.memory_space<vmem>>
      %dma_start3A_133 = tpu.memref_squeeze %dma_start3A_132 : memref<1x128x128xf32, #tpu.memory_space<vmem>> -> memref<128x128xf32, #tpu.memory_space<vmem>>
      %dma_start3A_134 = arith.constant 0 : i32
      %dma_start3A_135 = tpu.memref_slice %arg8[%add3A_113, %dma_start3A_134] : memref<40x128xi32, #tpu.memory_space<vmem>> -> memref<1x128xi32, #tpu.memory_space<vmem>>
      %dma_start3A_136 = tpu.memref_squeeze %dma_start3A_135 : memref<1x128xi32, #tpu.memory_space<vmem>> -> memref<128xi32, #tpu.memory_space<vmem>>
      %dma_start3A_137 = arith.constant 0 : i32
      %dma_start3A_138 = arith.constant 0 : i32
      %dma_start3A_139 = tpu.memref_slice %arg10[%dma_start3A_137, %dma_start3A_138] : memref<10112x128xf32, #tpu.memory_space<vmem_shared>> -> memref<10112x128xf32, #tpu.memory_space<vmem_shared>>
      %dma_start3A_140 = tpu.memref_slice %arg12[%dma_start3A_129] : memref<2x!tpu.dma_semaphore, #tpu.memory_space<semaphore_mem>> -> memref<1x!tpu.dma_semaphore, #tpu.memory_space<semaphore_mem>>
      %dma_start3A_141 = tpu.memref_squeeze %dma_start3A_140 : memref<1x!tpu.dma_semaphore, #tpu.memory_space<semaphore_mem>> -> memref<!tpu.dma_semaphore, #tpu.memory_space<semaphore_mem>>
      tpu.enqueue_indirect_dma source(%dma_start3A_133 : memref<128x128xf32, #tpu.memory_space<vmem>>) target(%dma_start3A_139 : memref<10112x128xf32, #tpu.memory_space<vmem_shared>>) offsets(%dma_start3A_136 : memref<128xi32, #tpu.memory_space<vmem>>) semaphore(%dma_start3A_141 : memref<!tpu.dma_semaphore, #tpu.memory_space<semaphore_mem>>) {add = true}
      %mul3A_142 = arith.constant 2 : i32
      %mul3A_143 = arith.muli %scan3A_78, %mul3A_142 : i32
      %add3A_144 = arith.constant 0 : i32
      %add3A_145 = arith.addi %mul3A_143, %add3A_144 : i32
      %dma_wait3A_146 = arith.constant 0 : i32
      %dma_wait3A_147 = arith.constant 0 : i32
      %dma_wait3A_148 = arith.constant 0 : i32
      %dma_wait3A_149 = arith.constant 0 : i32
      %dma_wait3A_150 = tpu.memref_slice %arg9[%dma_wait3A_146, %dma_wait3A_148, %dma_wait3A_149] : memref<2x128x128xf32, #tpu.memory_space<vmem>> -> memref<1x128x128xf32, #tpu.memory_space<vmem>>
      %dma_wait3A_151 = tpu.memref_squeeze %dma_wait3A_150 : memref<1x128x128xf32, #tpu.memory_space<vmem>> -> memref<128x128xf32, #tpu.memory_space<vmem>>
      %dma_wait3A_152 = arith.constant 0 : i32
      %dma_wait3A_153 = tpu.memref_slice %arg8[%add3A_145, %dma_wait3A_152] : memref<40x128xi32, #tpu.memory_space<vmem>> -> memref<1x128xi32, #tpu.memory_space<vmem>>
      %dma_wait3A_154 = tpu.memref_squeeze %dma_wait3A_153 : memref<1x128xi32, #tpu.memory_space<vmem>> -> memref<128xi32, #tpu.memory_space<vmem>>
      %dma_wait3A_155 = arith.constant 0 : i32
      %dma_wait3A_156 = arith.constant 0 : i32
      %dma_wait3A_157 = tpu.memref_slice %arg10[%dma_wait3A_155, %dma_wait3A_156] : memref<10112x128xf32, #tpu.memory_space<vmem_shared>> -> memref<10112x128xf32, #tpu.memory_space<vmem_shared>>
      %dma_wait3A_158 = tpu.memref_slice %arg12[%dma_wait3A_147] : memref<2x!tpu.dma_semaphore, #tpu.memory_space<semaphore_mem>> -> memref<1x!tpu.dma_semaphore, #tpu.memory_space<semaphore_mem>>
      %dma_wait3A_159 = tpu.memref_squeeze %dma_wait3A_158 : memref<1x!tpu.dma_semaphore, #tpu.memory_space<semaphore_mem>> -> memref<!tpu.dma_semaphore, #tpu.memory_space<semaphore_mem>>
      tpu.wait_indirect_dma semaphore(%dma_wait3A_159 : memref<!tpu.dma_semaphore, #tpu.memory_space<semaphore_mem>>) src(%dma_wait3A_151 : memref<128x128xf32, #tpu.memory_space<vmem>>) dst(%dma_wait3A_157 : memref<10112x128xf32, #tpu.memory_space<vmem_shared>>)
      %add3A_160 = arith.constant 2 : i32
      %add3A_161 = arith.addi %add3A_145, %add3A_160 : i32
      %lt3A = arith.constant 40 : i32
      %lt3A_162 = arith.cmpi slt, %add3A_161, %lt3A : i32
      %convert_element_type3A = arith.extui %lt3A_162 : i1 to i32
      %cond3A = arith.constant 0 : i32
      %cond3A_163 = arith.cmpi ne, %convert_element_type3A, %cond3A : i32
      scf.if %cond3A_163 {
        %dma_start3A_189 = arith.constant 0 : i32
        %dma_start3A_190 = arith.constant 0 : i32
        %dma_start3A_191 = arith.constant 0 : i32
        %dma_start3A_192 = arith.constant 0 : i32
        %dma_start3A_193 = tpu.memref_slice %arg9[%dma_start3A_189, %dma_start3A_191, %dma_start3A_192] : memref<2x128x128xf32, #tpu.memory_space<vmem>> -> memref<1x128x128xf32, #tpu.memory_space<vmem>>
        %dma_start3A_194 = tpu.memref_squeeze %dma_start3A_193 : memref<1x128x128xf32, #tpu.memory_space<vmem>> -> memref<128x128xf32, #tpu.memory_space<vmem>>
        %dma_start3A_195 = arith.constant 0 : i32
        %dma_start3A_196 = tpu.memref_slice %arg7[%add3A_161, %dma_start3A_195] : memref<40x128xi32, #tpu.memory_space<vmem>> -> memref<1x128xi32, #tpu.memory_space<vmem>>
        %dma_start3A_197 = tpu.memref_squeeze %dma_start3A_196 : memref<1x128xi32, #tpu.memory_space<vmem>> -> memref<128xi32, #tpu.memory_space<vmem>>
        %dma_start3A_198 = arith.constant 0 : i32
        %dma_start3A_199 = arith.constant 0 : i32
        %dma_start3A_200 = tpu.memref_slice %arg2[%dma_start3A_198, %dma_start3A_199] : memref<10112x128xf32, #tpu.memory_space<hbm>> -> memref<10112x128xf32, #tpu.memory_space<hbm>>
        %dma_start3A_201 = tpu.memref_slice %arg11[%dma_start3A_190] : memref<2x!tpu.dma_semaphore, #tpu.memory_space<semaphore_mem>> -> memref<1x!tpu.dma_semaphore, #tpu.memory_space<semaphore_mem>>
        %dma_start3A_202 = tpu.memref_squeeze %dma_start3A_201 : memref<1x!tpu.dma_semaphore, #tpu.memory_space<semaphore_mem>> -> memref<!tpu.dma_semaphore, #tpu.memory_space<semaphore_mem>>
        tpu.enqueue_indirect_dma source(%dma_start3A_200 : memref<10112x128xf32, #tpu.memory_space<hbm>>) target(%dma_start3A_194 : memref<128x128xf32, #tpu.memory_space<vmem>>) offsets(%dma_start3A_197 : memref<128xi32, #tpu.memory_space<vmem>>) semaphore(%dma_start3A_202 : memref<!tpu.dma_semaphore, #tpu.memory_space<semaphore_mem>>)
      } else {
      }
      %mul3A_164 = arith.constant 2 : i32
      %mul3A_165 = arith.muli %scan3A_78, %mul3A_164 : i32
      %add3A_166 = arith.constant 1 : i32
      %add3A_167 = arith.addi %mul3A_165, %add3A_166 : i32
      %dma_wait3A_168 = arith.constant 1 : i32
      %dma_wait3A_169 = arith.constant 1 : i32
      %dma_wait3A_170 = arith.constant 0 : i32
      %dma_wait3A_171 = arith.constant 0 : i32
      %dma_wait3A_172 = tpu.memref_slice %arg9[%dma_wait3A_168, %dma_wait3A_170, %dma_wait3A_171] : memref<2x128x128xf32, #tpu.memory_space<vmem>> -> memref<1x128x128xf32, #tpu.memory_space<vmem>>
      %dma_wait3A_173 = tpu.memref_squeeze %dma_wait3A_172 : memref<1x128x128xf32, #tpu.memory_space<vmem>> -> memref<128x128xf32, #tpu.memory_space<vmem>>
      %dma_wait3A_174 = arith.constant 0 : i32
      %dma_wait3A_175 = tpu.memref_slice %arg8[%add3A_167, %dma_wait3A_174] : memref<40x128xi32, #tpu.memory_space<vmem>> -> memref<1x128xi32, #tpu.memory_space<vmem>>
      %dma_wait3A_176 = tpu.memref_squeeze %dma_wait3A_175 : memref<1x128xi32, #tpu.memory_space<vmem>> -> memref<128xi32, #tpu.memory_space<vmem>>
      %dma_wait3A_177 = arith.constant 0 : i32
      %dma_wait3A_178 = arith.constant 0 : i32
      %dma_wait3A_179 = tpu.memref_slice %arg10[%dma_wait3A_177, %dma_wait3A_178] : memref<10112x128xf32, #tpu.memory_space<vmem_shared>> -> memref<10112x128xf32, #tpu.memory_space<vmem_shared>>
      %dma_wait3A_180 = tpu.memref_slice %arg12[%dma_wait3A_169] : memref<2x!tpu.dma_semaphore, #tpu.memory_space<semaphore_mem>> -> memref<1x!tpu.dma_semaphore, #tpu.memory_space<semaphore_mem>>
      %dma_wait3A_181 = tpu.memref_squeeze %dma_wait3A_180 : memref<1x!tpu.dma_semaphore, #tpu.memory_space<semaphore_mem>> -> memref<!tpu.dma_semaphore, #tpu.memory_space<semaphore_mem>>
      tpu.wait_indirect_dma semaphore(%dma_wait3A_181 : memref<!tpu.dma_semaphore, #tpu.memory_space<semaphore_mem>>) src(%dma_wait3A_173 : memref<128x128xf32, #tpu.memory_space<vmem>>) dst(%dma_wait3A_179 : memref<10112x128xf32, #tpu.memory_space<vmem_shared>>)
      %add3A_182 = arith.constant 2 : i32
      %add3A_183 = arith.addi %add3A_167, %add3A_182 : i32
      %lt3A_184 = arith.constant 40 : i32
      %lt3A_185 = arith.cmpi slt, %add3A_183, %lt3A_184 : i32
      %convert_element_type3A_186 = arith.extui %lt3A_185 : i1 to i32
      %cond3A_187 = arith.constant 0 : i32
      %cond3A_188 = arith.cmpi ne, %convert_element_type3A_186, %cond3A_187 : i32
      scf.if %cond3A_188 {
        %dma_start3A_189 = arith.constant 1 : i32
        %dma_start3A_190 = arith.constant 1 : i32
        %dma_start3A_191 = arith.constant 0 : i32
        %dma_start3A_192 = arith.constant 0 : i32
        %dma_start3A_193 = tpu.memref_slice %arg9[%dma_start3A_189, %dma_start3A_191, %dma_start3A_192] : memref<2x128x128xf32, #tpu.memory_space<vmem>> -> memref<1x128x128xf32, #tpu.memory_space<vmem>>
        %dma_start3A_194 = tpu.memref_squeeze %dma_start3A_193 : memref<1x128x128xf32, #tpu.memory_space<vmem>> -> memref<128x128xf32, #tpu.memory_space<vmem>>
        %dma_start3A_195 = arith.constant 0 : i32
        %dma_start3A_196 = tpu.memref_slice %arg7[%add3A_183, %dma_start3A_195] : memref<40x128xi32, #tpu.memory_space<vmem>> -> memref<1x128xi32, #tpu.memory_space<vmem>>
        %dma_start3A_197 = tpu.memref_squeeze %dma_start3A_196 : memref<1x128xi32, #tpu.memory_space<vmem>> -> memref<128xi32, #tpu.memory_space<vmem>>
        %dma_start3A_198 = arith.constant 0 : i32
        %dma_start3A_199 = arith.constant 0 : i32
        %dma_start3A_200 = tpu.memref_slice %arg2[%dma_start3A_198, %dma_start3A_199] : memref<10112x128xf32, #tpu.memory_space<hbm>> -> memref<10112x128xf32, #tpu.memory_space<hbm>>
        %dma_start3A_201 = tpu.memref_slice %arg11[%dma_start3A_190] : memref<2x!tpu.dma_semaphore, #tpu.memory_space<semaphore_mem>> -> memref<1x!tpu.dma_semaphore, #tpu.memory_space<semaphore_mem>>
        %dma_start3A_202 = tpu.memref_squeeze %dma_start3A_201 : memref<1x!tpu.dma_semaphore, #tpu.memory_space<semaphore_mem>> -> memref<!tpu.dma_semaphore, #tpu.memory_space<semaphore_mem>>
        tpu.enqueue_indirect_dma source(%dma_start3A_200 : memref<10112x128xf32, #tpu.memory_space<hbm>>) target(%dma_start3A_194 : memref<128x128xf32, #tpu.memory_space<vmem>>) offsets(%dma_start3A_197 : memref<128xi32, #tpu.memory_space<vmem>>) semaphore(%dma_start3A_202 : memref<!tpu.dma_semaphore, #tpu.memory_space<semaphore_mem>>)
      } else {
      }
    }
    %scan3A_72 = arith.constant 20 : i32
    %barrier3A_73 = arith.constant 0 : index
    tpu.barrier barrier_id(%barrier3A_73)
    %mul3A_74 = arith.constant 632 : i32
    %mul3A_75 = arith.muli %arg1, %mul3A_74 : i32
    %mul3A_76 = arith.constant 632 : i32
    %mul3A_77 = arith.muli %arg1, %mul3A_76 : i32
    "tpu.region"() ({
      %run_scoped3A = tpu.sem_alloc : memref<!tpu.dma_semaphore, #tpu.memory_space<semaphore_mem>>
      %dma_start3A_78 = arith.constant 0 : i32
      %dma_start3A_79 = tpu.memref_slice %arg6[%arg0, %mul3A_77, %dma_start3A_78] : memref<2x10112x128xf32, #tpu.memory_space<hbm>> -> memref<1x632x128xf32, #tpu.memory_space<hbm>>
      %dma_start3A_80 = tpu.memref_squeeze %dma_start3A_79 : memref<1x632x128xf32, #tpu.memory_space<hbm>> -> memref<632x128xf32, #tpu.memory_space<hbm>>
      %dma_start3A_81 = arith.constant 0 : i32
      %dma_start3A_82 = tpu.memref_slice %arg10[%mul3A_75, %dma_start3A_81] : memref<10112x128xf32, #tpu.memory_space<vmem_shared>> -> memref<632x128xf32, #tpu.memory_space<vmem_shared>>
      tpu.enqueue_dma source(%dma_start3A_82 : memref<632x128xf32, #tpu.memory_space<vmem_shared>>) target(%dma_start3A_80 : memref<632x128xf32, #tpu.memory_space<hbm>>) target_semaphore(%run_scoped3A : memref<!tpu.dma_semaphore, #tpu.memory_space<semaphore_mem>>)
      %dma_wait3A = arith.constant 0 : i32
      %dma_wait3A_83 = tpu.memref_slice %arg6[%arg0, %mul3A_77, %dma_wait3A] : memref<2x10112x128xf32, #tpu.memory_space<hbm>> -> memref<1x632x128xf32, #tpu.memory_space<hbm>>
      %dma_wait3A_84 = tpu.memref_squeeze %dma_wait3A_83 : memref<1x632x128xf32, #tpu.memory_space<hbm>> -> memref<632x128xf32, #tpu.memory_space<hbm>>
      %dma_wait3A_85 = arith.constant 0 : i32
      %dma_wait3A_86 = tpu.memref_slice %arg10[%mul3A_75, %dma_wait3A_85] : memref<10112x128xf32, #tpu.memory_space<vmem_shared>> -> memref<632x128xf32, #tpu.memory_space<vmem_shared>>
      tpu.wait_dma2 semaphore(%run_scoped3A : memref<!tpu.dma_semaphore, #tpu.memory_space<semaphore_mem>>) src(%dma_wait3A_86 : memref<632x128xf32, #tpu.memory_space<vmem_shared>>) dst(%dma_wait3A_84 : memref<632x128xf32, #tpu.memory_space<hbm>>)
      tpu.yield
    }) : () -> ()
    return
  }
}

module attributes {stable_mosaic.version = 14 : i64} {
  func.func @_prep_body(%arg0: memref<10112x128xf32, #tpu.memory_space<vmem>>, %arg1: memref<128x128xf32, #tpu.memory_space<vmem>>, %arg2: memref<32x10112xf32, #tpu.memory_space<vmem>>, %arg3: memref<10112x1xf32, #tpu.memory_space<vmem>>, %arg4: memref<10112x128xf32, #tpu.memory_space<vmem>>, %arg5: memref<10112x128xf32, #tpu.memory_space<vmem>>) attributes {dimension_semantics = [], scalar_prefetch = 0 : i64, scratch_operands = 0 : i64, tpu.core_type = #tpu.core_type<tc>} {
    %broadcast_in_dim3A = arith.constant 1.000000e+00 : f32
    %broadcast_in_dim3A_0 = vector.broadcast %broadcast_in_dim3A : f32 to vector<32x1xf32>
    %get3A = arith.constant 0 : index
    %get3A_1 = arith.constant 0 : index
    %get3A_2 = vector.load %arg2[%get3A, %get3A_1] : memref<32x10112xf32, #tpu.memory_space<vmem>>, vector<32x10112xf32>
    %dot_general3A = arith.constant dense<0.000000e+00> : vector<10112x1xf32>
    %dot_general3A_3 = tpu.matmul %get3A_2, %broadcast_in_dim3A_0, %dot_general3A {dimension_numbers = #tpu.dot_dimension_numbers<[0], [0], [1], [1], [0, 1, 1, 1], [], []>, transpose_lhs_hint = false} : vector<32x10112xf32>, vector<32x1xf32>, vector<10112x1xf32> -> vector<10112x1xf32>
    %add3A = arith.constant 1.000000e+00 : f32
    %add3A_4 = vector.broadcast %add3A : f32 to vector<10112x1xf32>
    %add3A_5 = arith.addf %dot_general3A_3, %add3A_4 : vector<10112x1xf32>
    %iota3A = tpu.iota {dimensions = array<i32: 0>} : vector<10112x1xi32>
    %lt3A = arith.constant 10000 : i32
    %lt3A_6 = vector.broadcast %lt3A : i32 to vector<10112x1xi32>
    %lt3A_7 = arith.cmpi slt, %iota3A, %lt3A_6 : vector<10112x1xi32>
    %convert_element_type3A = arith.extui %lt3A_7 : vector<10112x1xi1> to vector<10112x1xi32>
    %convert_element_type3A_8 = arith.sitofp %convert_element_type3A : vector<10112x1xi32> to vector<10112x1xf32>
    %sqrt3A = math.sqrt %add3A_5 : vector<10112x1xf32>
    %div3A = arith.divf %convert_element_type3A_8, %sqrt3A : vector<10112x1xf32>
    %get3A_9 = arith.constant 0 : index
    %get3A_10 = arith.constant 0 : index
    %get3A_11 = vector.load %arg0[%get3A_9, %get3A_10] : memref<10112x128xf32, #tpu.memory_space<vmem>>, vector<10112x128xf32>
    %get3A_12 = arith.constant 0 : index
    %get3A_13 = arith.constant 0 : index
    %get3A_14 = vector.load %arg1[%get3A_12, %get3A_13] : memref<128x128xf32, #tpu.memory_space<vmem>>, vector<128x128xf32>
    %dot_general3A_15 = arith.constant dense<0.000000e+00> : vector<10112x128xf32>
    %dot_general3A_16 = tpu.matmul %get3A_11, %get3A_14, %dot_general3A_15 {dimension_numbers = #tpu.dot_dimension_numbers<[1], [0], [0], [1], [0, 0, 1, 1], [], []>, transpose_lhs_hint = false} : vector<10112x128xf32>, vector<128x128xf32>, vector<10112x128xf32> -> vector<10112x128xf32>
    %swap3A = arith.constant 0 : index
    %swap3A_17 = arith.constant 0 : index
    %swap3A_18 = vector.load %arg3[%swap3A, %swap3A_17] : memref<10112x1xf32, #tpu.memory_space<vmem>>, vector<10112x1xf32>
    tpu.vector_store %arg3[%swap3A, %swap3A_17], %div3A {strides = array<i32>} : memref<10112x1xf32, #tpu.memory_space<vmem>>, vector<10112x1xf32>,
    %swap3A_19 = arith.constant 0 : index
    %swap3A_20 = arith.constant 0 : index
    %swap3A_21 = vector.load %arg4[%swap3A_19, %swap3A_20] : memref<10112x128xf32, #tpu.memory_space<vmem>>, vector<10112x128xf32>
    tpu.vector_store %arg4[%swap3A_19, %swap3A_20], %dot_general3A_16 {strides = array<i32>} : memref<10112x128xf32, #tpu.memory_space<vmem>>, vector<10112x128xf32>,
    %mul3A = vector.broadcast %div3A : vector<10112x1xf32> to vector<10112x128xf32>
    %mul3A_22 = arith.mulf %dot_general3A_16, %mul3A : vector<10112x128xf32>
    %swap3A_23 = arith.constant 0 : index
    %swap3A_24 = arith.constant 0 : index
    %swap3A_25 = vector.load %arg5[%swap3A_23, %swap3A_24] : memref<10112x128xf32, #tpu.memory_space<vmem>>, vector<10112x128xf32>
    tpu.vector_store %arg5[%swap3A_23, %swap3A_24], %mul3A_22 {strides = array<i32>} : memref<10112x128xf32, #tpu.memory_space<vmem>>, vector<10112x128xf32>,
    return
  }
}

module attributes {stable_mosaic.version = 14 : i64} {
  func.func @_layer_body(%arg0: memref<2x10112x128xf32, #tpu.memory_space<vmem>>, %arg1: memref<10112x128xf32, #tpu.memory_space<vmem>>, %arg2: memref<10112x1xf32, #tpu.memory_space<vmem>>, %arg3: memref<1x128xf32, #tpu.memory_space<vmem>>, %arg4: memref<1x128xf32, #tpu.memory_space<vmem>>, %arg5: memref<1x128xf32, #tpu.memory_space<vmem>>, %arg6: memref<128x128xf32, #tpu.memory_space<vmem>>, %arg7: memref<10112x128xf32, #tpu.memory_space<vmem>>, %arg8: memref<10112x128xf32, #tpu.memory_space<vmem>>) attributes {dimension_semantics = [], scalar_prefetch = 0 : i64, scratch_operands = 0 : i64, tpu.core_type = #tpu.core_type<tc>} {
    %get3A = arith.constant 0 : index
    %get3A_0 = arith.constant 0 : index
    %get3A_1 = vector.load %arg2[%get3A, %get3A_0] : memref<10112x1xf32, #tpu.memory_space<vmem>>, vector<10112x1xf32>
    %get3A_2 = arith.constant 0 : index
    %get3A_3 = arith.constant 0 : index
    %get3A_4 = arith.constant 0 : index
    %get3A_5 = vector.load %arg0[%get3A_2, %get3A_3, %get3A_4] : memref<2x10112x128xf32, #tpu.memory_space<vmem>>, vector<1x10112x128xf32>
    %get3A_6 = vector.shape_cast %get3A_5 : vector<1x10112x128xf32> to vector<10112x128xf32>
    %get3A_7 = arith.constant 1 : index
    %get3A_8 = arith.constant 0 : index
    %get3A_9 = arith.constant 0 : index
    %get3A_10 = vector.load %arg0[%get3A_7, %get3A_8, %get3A_9] : memref<2x10112x128xf32, #tpu.memory_space<vmem>>, vector<1x10112x128xf32>
    %get3A_11 = vector.shape_cast %get3A_10 : vector<1x10112x128xf32> to vector<10112x128xf32>
    %add3A = arith.addf %get3A_6, %get3A_11 : vector<10112x128xf32>
    %mul3A = vector.broadcast %get3A_1 : vector<10112x1xf32> to vector<10112x128xf32>
    %mul3A_12 = arith.mulf %mul3A, %add3A : vector<10112x128xf32>
    %mul3A_13 = arith.mulf %get3A_1, %get3A_1 : vector<10112x1xf32>
    %get3A_14 = arith.constant 0 : index
    %get3A_15 = arith.constant 0 : index
    %get3A_16 = vector.load %arg1[%get3A_14, %get3A_15] : memref<10112x128xf32, #tpu.memory_space<vmem>>, vector<10112x128xf32>
    %mul3A_17 = vector.broadcast %mul3A_13 : vector<10112x1xf32> to vector<10112x128xf32>
    %mul3A_18 = arith.mulf %mul3A_17, %get3A_16 : vector<10112x128xf32>
    %add3A_19 = arith.addf %mul3A_12, %mul3A_18 : vector<10112x128xf32>
    %get3A_20 = arith.constant 0 : index
    %get3A_21 = arith.constant 0 : index
    %get3A_22 = vector.load %arg3[%get3A_20, %get3A_21] : memref<1x128xf32, #tpu.memory_space<vmem>>, vector<1x128xf32>
    %add3A_23 = vector.broadcast %get3A_22 : vector<1x128xf32> to vector<10112x128xf32>
    %add3A_24 = arith.addf %add3A_19, %add3A_23 : vector<10112x128xf32>
    %iota3A = tpu.iota {dimensions = array<i32: 0>} : vector<10112x1xi32>
    %lt3A = arith.constant 10000 : i32
    %lt3A_25 = vector.broadcast %lt3A : i32 to vector<10112x1xi32>
    %lt3A_26 = arith.cmpi slt, %iota3A, %lt3A_25 : vector<10112x1xi32>
    %convert_element_type3A = arith.extui %lt3A_26 : vector<10112x1xi1> to vector<10112x1xi32>
    %convert_element_type3A_27 = arith.sitofp %convert_element_type3A : vector<10112x1xi32> to vector<10112x1xf32>
    %mul3A_28 = vector.broadcast %convert_element_type3A_27 : vector<10112x1xf32> to vector<10112x128xf32>
    %mul3A_29 = arith.mulf %add3A_24, %mul3A_28 : vector<10112x128xf32>
    %reduce_sum3A = arith.constant dense<0.000000e+00> : vector<128xf32>
    %reduce_sum3A_30 = vector.multi_reduction <add>, %mul3A_29, %reduce_sum3A [0] : vector<10112x128xf32> to vector<128xf32>
    %broadcast_in_dim3A = vector.shape_cast %reduce_sum3A_30 : vector<128xf32> to vector<1x128xf32>
    %div3A = arith.constant 1.000000e+04 : f32
    %div3A_31 = vector.broadcast %div3A : f32 to vector<1x128xf32>
    %div3A_32 = arith.divf %broadcast_in_dim3A, %div3A_31 : vector<1x128xf32>
    %sub3A = vector.broadcast %div3A_32 : vector<1x128xf32> to vector<10112x128xf32>
    %sub3A_33 = arith.subf %add3A_24, %sub3A : vector<10112x128xf32>
    %mul3A_34 = arith.mulf %sub3A_33, %sub3A_33 : vector<10112x128xf32>
    %mul3A_35 = vector.broadcast %convert_element_type3A_27 : vector<10112x1xf32> to vector<10112x128xf32>
    %mul3A_36 = arith.mulf %mul3A_34, %mul3A_35 : vector<10112x128xf32>
    %reduce_sum3A_37 = arith.constant dense<0.000000e+00> : vector<128xf32>
    %reduce_sum3A_38 = vector.multi_reduction <add>, %mul3A_36, %reduce_sum3A_37 [0] : vector<10112x128xf32> to vector<128xf32>
    %broadcast_in_dim3A_39 = vector.shape_cast %reduce_sum3A_38 : vector<128xf32> to vector<1x128xf32>
    %div3A_40 = arith.constant 1.000000e+04 : f32
    %div3A_41 = vector.broadcast %div3A_40 : f32 to vector<1x128xf32>
    %div3A_42 = arith.divf %broadcast_in_dim3A_39, %div3A_41 : vector<1x128xf32>
    %add3A_43 = arith.constant 9.99999974E-6 : f32
    %add3A_44 = vector.broadcast %add3A_43 : f32 to vector<1x128xf32>
    %add3A_45 = arith.addf %div3A_42, %add3A_44 : vector<1x128xf32>
    %sqrt3A = math.sqrt %add3A_45 : vector<1x128xf32>
    %div3A_46 = vector.broadcast %sqrt3A : vector<1x128xf32> to vector<10112x128xf32>
    %div3A_47 = arith.divf %sub3A_33, %div3A_46 : vector<10112x128xf32>
    %get3A_48 = arith.constant 0 : index
    %get3A_49 = arith.constant 0 : index
    %get3A_50 = vector.load %arg4[%get3A_48, %get3A_49] : memref<1x128xf32, #tpu.memory_space<vmem>>, vector<1x128xf32>
    %mul3A_51 = vector.broadcast %get3A_50 : vector<1x128xf32> to vector<10112x128xf32>
    %mul3A_52 = arith.mulf %div3A_47, %mul3A_51 : vector<10112x128xf32>
    %get3A_53 = arith.constant 0 : index
    %get3A_54 = arith.constant 0 : index
    %get3A_55 = vector.load %arg5[%get3A_53, %get3A_54] : memref<1x128xf32, #tpu.memory_space<vmem>>, vector<1x128xf32>
    %add3A_56 = vector.broadcast %get3A_55 : vector<1x128xf32> to vector<10112x128xf32>
    %add3A_57 = arith.addf %mul3A_52, %add3A_56 : vector<10112x128xf32>
    %max3A = arith.constant 0.000000e+00 : f32
    %max3A_58 = vector.broadcast %max3A : f32 to vector<10112x128xf32>
    %max3A_59 = arith.maximumf %add3A_57, %max3A_58 : vector<10112x128xf32>
    %get3A_60 = arith.constant 0 : index
    %get3A_61 = arith.constant 0 : index
    %get3A_62 = vector.load %arg6[%get3A_60, %get3A_61] : memref<128x128xf32, #tpu.memory_space<vmem>>, vector<128x128xf32>
    %dot_general3A = arith.constant dense<0.000000e+00> : vector<10112x128xf32>
    %dot_general3A_63 = tpu.matmul %max3A_59, %get3A_62, %dot_general3A {dimension_numbers = #tpu.dot_dimension_numbers<[1], [0], [0], [1], [0, 0, 1, 1], [], []>, transpose_lhs_hint = false} : vector<10112x128xf32>, vector<128x128xf32>, vector<10112x128xf32> -> vector<10112x128xf32>
    %swap3A = arith.constant 0 : index
    %swap3A_64 = arith.constant 0 : index
    %swap3A_65 = vector.load %arg7[%swap3A, %swap3A_64] : memref<10112x128xf32, #tpu.memory_space<vmem>>, vector<10112x128xf32>
    tpu.vector_store %arg7[%swap3A, %swap3A_64], %dot_general3A_63 {strides = array<i32>} : memref<10112x128xf32, #tpu.memory_space<vmem>>, vector<10112x128xf32>,
    %mul3A_66 = vector.broadcast %get3A_1 : vector<10112x1xf32> to vector<10112x128xf32>
    %mul3A_67 = arith.mulf %dot_general3A_63, %mul3A_66 : vector<10112x128xf32>
    %swap3A_68 = arith.constant 0 : index
    %swap3A_69 = arith.constant 0 : index
    %swap3A_70 = vector.load %arg8[%swap3A_68, %swap3A_69] : memref<10112x128xf32, #tpu.memory_space<vmem>>, vector<10112x128xf32>
    tpu.vector_store %arg8[%swap3A_68, %swap3A_69], %mul3A_67 {strides = array<i32>} : memref<10112x128xf32, #tpu.memory_space<vmem>>, vector<10112x128xf32>,
    return
  }
}

module attributes {stable_mosaic.version = 14 : i64} {
  func.func @_final_body(%arg0: memref<2x10112x128xf32, #tpu.memory_space<vmem>>, %arg1: memref<10112x128xf32, #tpu.memory_space<vmem>>, %arg2: memref<10112x1xf32, #tpu.memory_space<vmem>>, %arg3: memref<1x128xf32, #tpu.memory_space<vmem>>, %arg4: memref<10112x1xi32, #tpu.memory_space<vmem>>, %arg5: memref<128x2xf32, #tpu.memory_space<vmem>>, %arg6: memref<1x2xf32, #tpu.memory_space<vmem>>, %arg7: memref<64x2xf32, #tpu.memory_space<vmem>>, %arg8: memref<64x2xf32, #tpu.memory_space<vmem>>, %arg9: memref<64x1xi32, #tpu.memory_space<vmem>>) attributes {dimension_semantics = [], scalar_prefetch = 0 : i64, scratch_operands = 0 : i64, tpu.core_type = #tpu.core_type<tc>} {
    %get3A = arith.constant 0 : index
    %get3A_0 = arith.constant 0 : index
    %get3A_1 = vector.load %arg2[%get3A, %get3A_0] : memref<10112x1xf32, #tpu.memory_space<vmem>>, vector<10112x1xf32>
    %get3A_2 = arith.constant 0 : index
    %get3A_3 = arith.constant 0 : index
    %get3A_4 = arith.constant 0 : index
    %get3A_5 = vector.load %arg0[%get3A_2, %get3A_3, %get3A_4] : memref<2x10112x128xf32, #tpu.memory_space<vmem>>, vector<1x10112x128xf32>
    %get3A_6 = vector.shape_cast %get3A_5 : vector<1x10112x128xf32> to vector<10112x128xf32>
    %get3A_7 = arith.constant 1 : index
    %get3A_8 = arith.constant 0 : index
    %get3A_9 = arith.constant 0 : index
    %get3A_10 = vector.load %arg0[%get3A_7, %get3A_8, %get3A_9] : memref<2x10112x128xf32, #tpu.memory_space<vmem>>, vector<1x10112x128xf32>
    %get3A_11 = vector.shape_cast %get3A_10 : vector<1x10112x128xf32> to vector<10112x128xf32>
    %add3A = arith.addf %get3A_6, %get3A_11 : vector<10112x128xf32>
    %mul3A = vector.broadcast %get3A_1 : vector<10112x1xf32> to vector<10112x128xf32>
    %mul3A_12 = arith.mulf %mul3A, %add3A : vector<10112x128xf32>
    %mul3A_13 = arith.mulf %get3A_1, %get3A_1 : vector<10112x1xf32>
    %get3A_14 = arith.constant 0 : index
    %get3A_15 = arith.constant 0 : index
    %get3A_16 = vector.load %arg1[%get3A_14, %get3A_15] : memref<10112x128xf32, #tpu.memory_space<vmem>>, vector<10112x128xf32>
    %mul3A_17 = vector.broadcast %mul3A_13 : vector<10112x1xf32> to vector<10112x128xf32>
    %mul3A_18 = arith.mulf %mul3A_17, %get3A_16 : vector<10112x128xf32>
    %add3A_19 = arith.addf %mul3A_12, %mul3A_18 : vector<10112x128xf32>
    %get3A_20 = arith.constant 0 : index
    %get3A_21 = arith.constant 0 : index
    %get3A_22 = vector.load %arg3[%get3A_20, %get3A_21] : memref<1x128xf32, #tpu.memory_space<vmem>>, vector<1x128xf32>
    %add3A_23 = vector.broadcast %get3A_22 : vector<1x128xf32> to vector<10112x128xf32>
    %add3A_24 = arith.addf %add3A_19, %add3A_23 : vector<10112x128xf32>
    %iota3A = tpu.iota {dimensions = array<i32: 1>} : vector<1x64xi32>
    %get3A_25 = arith.constant 0 : index
    %get3A_26 = arith.constant 0 : index
    %get3A_27 = vector.load %arg4[%get3A_25, %get3A_26] : memref<10112x1xi32, #tpu.memory_space<vmem>>, vector<10112x1xi32>
    %eq3A = vector.broadcast %get3A_27 : vector<10112x1xi32> to vector<10112x64xi32>
    %eq3A_28 = vector.broadcast %iota3A : vector<1x64xi32> to vector<10112x64xi32>
    %eq3A_29 = arith.cmpi eq, %eq3A, %eq3A_28 : vector<10112x64xi32>
    %convert_element_type3A = arith.extui %eq3A_29 : vector<10112x64xi1> to vector<10112x64xi32>
    %convert_element_type3A_30 = arith.sitofp %convert_element_type3A : vector<10112x64xi32> to vector<10112x64xf32>
    %dot_general3A = arith.constant dense<0.000000e+00> : vector<64x128xf32>
    %dot_general3A_31 = tpu.matmul %convert_element_type3A_30, %add3A_24, %dot_general3A {dimension_numbers = #tpu.dot_dimension_numbers<[0], [0], [1], [1], [0, 1, 1, 1], [], []>, transpose_lhs_hint = false} : vector<10112x64xf32>, vector<10112x128xf32>, vector<64x128xf32> -> vector<64x128xf32>
    %reduce_sum3A = arith.constant dense<0.000000e+00> : vector<64xf32>
    %reduce_sum3A_32 = vector.multi_reduction <add>, %convert_element_type3A_30, %reduce_sum3A [0] : vector<10112x64xf32> to vector<64xf32>
    %reshape3A = vector.shape_cast %reduce_sum3A_32 : vector<64xf32> to vector<64x1xf32>
    %max3A = arith.constant 1.000000e+00 : f32
    %max3A_33 = vector.broadcast %max3A : f32 to vector<64x1xf32>
    %max3A_34 = arith.maximumf %reshape3A, %max3A_33 : vector<64x1xf32>
    %div3A = vector.broadcast %max3A_34 : vector<64x1xf32> to vector<64x128xf32>
    %div3A_35 = arith.divf %dot_general3A_31, %div3A : vector<64x128xf32>
    %get3A_36 = arith.constant 0 : index
    %get3A_37 = arith.constant 0 : index
    %get3A_38 = vector.load %arg5[%get3A_36, %get3A_37] : memref<128x2xf32, #tpu.memory_space<vmem>>, vector<128x2xf32>
    %dot_general3A_39 = arith.constant dense<0.000000e+00> : vector<64x2xf32>
    %dot_general3A_40 = tpu.matmul %div3A_35, %get3A_38, %dot_general3A_39 {dimension_numbers = #tpu.dot_dimension_numbers<[1], [0], [0], [1], [0, 0, 1, 1], [], []>, transpose_lhs_hint = false} : vector<64x128xf32>, vector<128x2xf32>, vector<64x2xf32> -> vector<64x2xf32>
    %get3A_41 = arith.constant 0 : index
    %get3A_42 = arith.constant 0 : index
    %get3A_43 = vector.load %arg6[%get3A_41, %get3A_42] : memref<1x2xf32, #tpu.memory_space<vmem>>, vector<1x2xf32>
    %add3A_44 = vector.broadcast %get3A_43 : vector<1x2xf32> to vector<64x2xf32>
    %add3A_45 = arith.addf %dot_general3A_40, %add3A_44 : vector<64x2xf32>
    %reduce_max3A = arith.constant dense<0xFF800000> : vector<64xf32>
    %reduce_max3A_46 = vector.multi_reduction <maximumf>, %add3A_45, %reduce_max3A [1] : vector<64x2xf32> to vector<64xf32>
    %broadcast_in_dim3A = vector.shape_cast %reduce_max3A_46 : vector<64xf32> to vector<64x1xf32>
    %sub3A = vector.broadcast %broadcast_in_dim3A : vector<64x1xf32> to vector<64x2xf32>
    %sub3A_47 = arith.subf %add3A_45, %sub3A : vector<64x2xf32>
    %exp3A = math.exp %sub3A_47 : vector<64x2xf32>
    %reduce_sum3A_48 = arith.constant dense<0.000000e+00> : vector<64xf32>
    %reduce_sum3A_49 = vector.multi_reduction <add>, %exp3A, %reduce_sum3A_48 [1] : vector<64x2xf32> to vector<64xf32>
    %broadcast_in_dim3A_50 = vector.shape_cast %reduce_sum3A_49 : vector<64xf32> to vector<64x1xf32>
    %div3A_51 = vector.broadcast %broadcast_in_dim3A_50 : vector<64x1xf32> to vector<64x2xf32>
    %div3A_52 = arith.divf %exp3A, %div3A_51 : vector<64x2xf32>
    %swap3A = arith.constant 0 : index
    %swap3A_53 = arith.constant 0 : index
    %swap3A_54 = vector.load %arg7[%swap3A, %swap3A_53] : memref<64x2xf32, #tpu.memory_space<vmem>>, vector<64x2xf32>
    tpu.vector_store %arg7[%swap3A, %swap3A_53], %add3A_45 {strides = array<i32>} : memref<64x2xf32, #tpu.memory_space<vmem>>, vector<64x2xf32>,
    %swap3A_55 = arith.constant 0 : index
    %swap3A_56 = arith.constant 0 : index
    %swap3A_57 = vector.load %arg8[%swap3A_55, %swap3A_56] : memref<64x2xf32, #tpu.memory_space<vmem>>, vector<64x2xf32>
    tpu.vector_store %arg8[%swap3A_55, %swap3A_56], %div3A_52 {strides = array<i32>} : memref<64x2xf32, #tpu.memory_space<vmem>>, vector<64x2xf32>,
    %slice3A = vector.extract_strided_slice %add3A_45 {offsets = [0, 1], sizes = [64, 1], strides = [1, 1]} : vector<64x2xf32> to vector<64x1xf32>
    %slice3A_58 = vector.extract_strided_slice %add3A_45 {offsets = [0, 0], sizes = [64, 1], strides = [1, 1]} : vector<64x2xf32> to vector<64x1xf32>
    %gt3A = arith.cmpf ogt, %slice3A, %slice3A_58 : vector<64x1xf32>
    %convert_element_type3A_59 = arith.extui %gt3A : vector<64x1xi1> to vector<64x1xi32>
    %swap3A_60 = arith.constant 0 : index
    %swap3A_61 = arith.constant 0 : index
    %swap3A_62 = vector.load %arg9[%swap3A_60, %swap3A_61] : memref<64x1xi32, #tpu.memory_space<vmem>>, vector<64x1xi32>
    tpu.vector_store %arg9[%swap3A_60, %swap3A_61], %convert_element_type3A_59 {strides = array<i32>} : memref<64x1xi32, #tpu.memory_space<vmem>>, vector<64x1xi32>,
    return
  }
}

</mosaic_0001>

<sc_bundles>
// kernel: kernel.10.cloned.1.call-start
scs
__scs_entry_jumppad:
0x0: {  	(pc) =	sbr.rel $0x88, $3  }
0x1: {  	(tag) =	ssettag $0x0;
	lr =	simm.s32 $0x1  }
0x2: {  	[smem:$0x3F92] =	sst lr;
	_ =	strace $0xD0000000  }
0x3: {  	_ = 	snop  }
0x4: {  	_ = 	snop  }
0x5: {  	_ = 	snop  }
0x6: {  	_ = 	snop  }
0x7: {  	_ = 	snop  }
__scs_overlays_trampoline_lowered:
0x8: {  	[smem:$0x3FA1] =	sst s0  }
0x9: {  	[smem:$0x3FA2] =	sst s1  }
0xa: {  	[smem:$0x3FA3] =	sst s2  }
0xb: {  	[smem:$0x3FA4] =	sst s3  }
0xc: {  	[smem:$0x3FA5] =	sst s4  }
0xd: {  	[smem:$0x3FA6] =	sst s5  }
0xe: {  	[smem:$0x3FA7] =	sst s6  }
0xf: {  	[smem:$0x3FA8] =	sst s7  }
0x10: {  	[smem:$0x3FA9] =	sst s8  }
0x11: {  	[smem:$0x3FAA] =	sst s9;
	s0 =	simm.s32 @!p0 $0x0  }
0x12: {  	s1 =	sld [smem:$0x3F90];
	s0 =	simm.s32 @p0 $0x1  }
0x13: {  	[smem:$0x3FAB] =	sst s0;
	s0 =	simm.s32 @!p1 $0x0  }
0x14: {  	s2 =	sld [smem:$0x3F8F];
	s0 =	simm.s32 @p1 $0x1  }
0x15: {  	[smem:$0x3FAC] =	sst s0;
	s0 =	simm.s32 @!p2 $0x0  }
0x16: {  	s3 =	sld [smem:$0x3FDB];
	s0 =	simm.s32 @p2 $0x1  }
0x17: {  	s4 =	simm.s32 $0x1BF5;
	[smem:$0x3FAE] =	sst s0  }
0x18: {  	s0 =	sld [smem:$0x3F91];
	_ =	swait.ge [sflag:s4], $0x0  }
0x19: {  	s7 =	sld [smem:$0x3F92]  }
0x1a: {  	s8 =	sadd.s32 $0xFFFFE003, lr  }
0x1b: {  	s9 =	sadd.s32 $0xFFFFFEF7, lr;
	s5 =	simm.s32 $0xFFFFFFFF;
	p2 =	slt.u32 s8, $0xFFFFF086  }
0x1c: {  	p1 =	slt.u32 s9, $0xF7A;
	s5 =	simm.s32 @!p2 $0x0  }
0x1d: {  	s5 =	simm.s32 @p1 $0x1;
	p0 =	seq.s32 s7, s2  }
0x1e: {  	s7 =	smul.u32 @!p0 $0xF7A, s2;
	p2 =	seq.s32 @!p0 s5, $0x0  }
0x1f: {  	s9 =	smul.u32 $0xF7A, s1;
	s8 =	simm.s32 @!p0 $0x1BF5;
	p2 =	por !p2, p0  }
0x20: {  	[sflag:s8] =	ssyncset.s32 @!p0 $0xFFFFF086;
	s6 =	sadd.s32 @!p0 s3, s7;
	s7 =	simm.s32 @!p0 $0x108  }
0x21: {  	s3 =	sadd.s32 s3, s9;
	s6 =	sadd.s32 @!p0 $0x88, s6;
	s7 =	simm.s32 @p2 $0x1082  }
0x22: {  	[simem:s7], [sflag:s8] =	dma.local @!p0 [hbm:s6], $0xF7A  }
0x23: {  	s9 =	sor.u32 $0xD0000000, s2;
	s6 =	simm.s32 $0x108;
	_ =	swait.ge @!p0 [sflag:s8], $0x0  }
0x24: {  	s3 =	sadd.s32 $0x88, s3;
	s6 =	simm.s32 @!p1 $0x1082;
	[sflag:s4] =	ssyncset.s32 $0xFFFFF086  }
0x25: {  	[simem:s6], [sflag:s4] =	dma.local [hbm:s3], $0xF7A  }
0x26: {  	[smem:$0x3F92] =	sst s1;
	(tag) =	ssettag s2;
	_ =	strace s9  }
0x27: {  	s1 =	sld [smem:$0x3FA2]  }
0x28: {  	s2 =	sld [smem:$0x3FA3]  }
0x29: {  	s4 =	sld [smem:$0x3FA5]  }
0x2a: {  	p0 =	seq.s32 s5, $0x0;
	s5 =	sld [smem:$0x3FA6]  }
0x2b: {  	s6 =	sld [smem:$0x3FA7]  }
0x2c: {  	s7 =	sld [smem:$0x3FA8]  }
0x2d: {  	s3 =	simm.s32 $0x108;
	s8 =	sld [smem:$0x3FA9]  }
0x2e: {  	s3 =	simm.s32 @!p0 $0x1082;
	s9 =	sld [smem:$0x3FAA]  }
0x2f: {  	lr =	sadd.s32 s0, s3;
	s0 =	sld [smem:$0x3FA1]  }
0x30: {  	s3 =	sld [smem:$0x3FA4]  }
0x31: {  	[smem:$0x3FAD] =	sst s10  }
0x32: {  	s10 =	sld [smem:$0x3FAB];
	_ =	sdelay $0x3  }
0x33: {  	p0 =	seq.s32 s10, $0x1;
	s10 =	sld [smem:$0x3FAD];
	_ =	sdelay $0x3  }
0x34: {  	[smem:$0x3FAD] =	sst s10  }
0x35: {  	s10 =	sld [smem:$0x3FAC];
	_ =	sdelay $0x3  }
0x36: {  	p1 =	seq.s32 s10, $0x1;
	s10 =	sld [smem:$0x3FAD];
	_ =	sdelay $0x3  }
0x37: {  	[smem:$0x3FAD] =	sst s10  }
0x38: {  	s10 =	sld [smem:$0x3FAE]  }
0x39: {  	_ = 	snop;
	(pc) =	sbr.ind lr, $3  }
0x3a: {  	_ = 	snop  }
0x3b: {  	_ = 	snop  }
0x3c: {  	p2 =	seq.s32 s10, $0x1;
	s10 =	sld [smem:$0x3FAD]  }
0x3d: {  	_ =	shalt  }
0x3e: {  	_ =	shalt  }
0x3f: {  	_ =	shalt  }
0x40: {  	_ =	shalt  }
0x41: {  	_ =	shalt  }
0x42: {  	_ =	shalt  }
0x43: {  	_ =	shalt  }
0x44: {  	_ =	shalt  }
0x45: {  	_ =	shalt  }
0x46: {  	_ =	shalt  }
0x47: {  	_ =	shalt  }
0x48: {  	_ =	shalt  }
0x49: {  	_ =	shalt  }
0x4a: {  	_ =	shalt  }
0x4b: {  	_ =	shalt  }
0x4c: {  	_ =	shalt  }
0x4d: {  	_ =	shalt  }
0x4e: {  	_ =	shalt  }
0x4f: {  	_ =	shalt  }
0x50: {  	_ =	shalt  }
0x51: {  	_ =	shalt  }
0x52: {  	_ =	shalt  }
0x53: {  	_ =	shalt  }
0x54: {  	_ =	shalt  }
0x55: {  	_ =	shalt  }
0x56: {  	_ =	shalt  }
0x57: {  	_ =	shalt  }
0x58: {  	_ =	shalt  }
0x59: {  	_ =	shalt  }
0x5a: {  	_ =	shalt  }
0x5b: {  	_ =	shalt  }
0x5c: {  	_ =	shalt  }
0x5d: {  	_ =	shalt  }
0x5e: {  	_ =	shalt  }
0x5f: {  	_ =	shalt  }
0x60: {  	_ =	shalt  }
0x61: {  	_ =	shalt  }
0x62: {  	_ =	shalt  }
0x63: {  	_ =	shalt  }
0x64: {  	_ =	shalt  }
0x65: {  	_ =	shalt  }
0x66: {  	_ =	shalt  }
0x67: {  	_ =	shalt  }
0x68: {  	_ =	shalt  }
0x69: {  	_ =	shalt  }
0x6a: {  	_ =	shalt  }
0x6b: {  	_ =	shalt  }
0x6c: {  	_ =	shalt  }
0x6d: {  	_ =	shalt  }
0x6e: {  	_ =	shalt  }
0x6f: {  	_ =	shalt  }
0x70: {  	_ =	shalt  }
0x71: {  	_ =	shalt  }
0x72: {  	_ =	shalt  }
0x73: {  	_ =	shalt  }
0x74: {  	_ =	shalt  }
0x75: {  	_ =	shalt  }
0x76: {  	_ =	shalt  }
0x77: {  	_ =	shalt  }
0x78: {  	_ =	shalt  }
0x79: {  	_ =	shalt  }
0x7a: {  	_ =	shalt  }
0x7b: {  	_ =	shalt  }
0x7c: {  	_ =	shalt  }
0x7d: {  	_ =	shalt  }
0x7e: {  	_ =	shalt  }
0x7f: {  	_ =	shalt  }
0x80: {  	_ =	shalt  }
0x81: {  	_ =	shalt  }
0x82: {  	_ =	shalt  }
0x83: {  	_ =	shalt  }
0x84: {  	_ =	shalt  }
0x85: {  	_ =	shalt  }
0x86: {  	_ =	shalt  }
0x87: {  	_ =	shalt  }
.Lfunc_end0:
.L_simem_size_0:
called_computation_lowered:
.L_overlay_start_0:
0x88: {  	s2 =	sld [smem:$0x3FD9]  }
0x89: {  	s3 =	sld [smem:$0x3FFE];
	_ =	sdelay $0x1  }
0x8a: {  	s1 =	srdreg.scid  }
0x8b: {  	s0 =	sand.u32 $0x1, s1  }
0x8c: {  	s16 =	sshll.u32 s0, $0xA;
	s2 =	sadd.s32 s3, s2  }
0x8d: {  	s2 =	sadd.s32 s2, s16  }
0x8e: {  	[smem:$0x3FB9] =	sst s2  }
0x8f: {  	_ = 	snop  }
0x90: {  	(tm) =	ssettm $0x1  }
0x91: {  	s17 =	sld [smem:$0x3FFB];
	_ =	sdelay $0x3  }
0x92: {  	_ =	strace s17  }
0x93: {  	s2 =	sld [smem:$0x3FFC];
	_ =	sdelay $0x3  }
0x94: {  	_ =	strace s2  }
0x95: {  	s2 =	sld [smem:$0x3FFD];
	_ =	sdelay $0x3  }
0x96: {  	_ =	strace s2  }
0x97: {  	_ =	strace $0x8FFFFFFF  }
0x98: {  	s18 =	sld [smem:$0x3FDB];
	_ =	sdelay $0x1  }
0x99: {  	s19 =	simm.s32 $_scs_section_size  }
0x9a: {  	s4 =	simm.s32 $_size__tile_overlayer_lowered;
	s5 =	simm.s32 $_tile_overlayer_lowered  }
0x9b: {  	s22 =	simm.s32 $0x1BFF;
	s21 =	sshll.u32 s5, $0x1;
	s2 =	sadd.s32 s19, s18  }
0x9c: {  	s6 =	simm.s32 $0x0;
	s20 =	sshll.u32 s4, $0x1;
	s4 =	sadd.s32 s21, s2  }
0x9d: {  	[timem:s6], [sflag:s22] =	dma.local [hbm:s4], s20  }
0x9e: {  	_ =	swait.ge [sflag:s22], s20  }
0x9f: {  	s3 =	ssub.s32 $0x0, s20;
	[sflag:s22] =	ssyncset.done $0x0  }
0xa0: {  	[sflag:s22] =	ssyncadd.s32 s3;
	_ =	sdelay $0x1  }
0xa1: {  	s23 =	simm.s32 $0x1B8B  }
0xa2: {  	_ =	swait.ge [sflag:s23], $0x1  }
0xa3: {  	[sflag:s23] =	ssyncset.done $0x0  }
0xa4: {  	s25 =	simm.s32 $0x1B8E;
	s24 =	sld [smem:$0x3FFE];
	[sflag:s23] =	ssyncadd.s32 $0xFFFFFFFF  }
0xa5: {  	s26 =	simm.s32 $execute0_lowered;
	[smem:$0x3FD2] =	sst s25  }
0xa6: {  	s4 =	sshll.u32 s26, $0x1;
	_ =	strace $0x80000046;
	[dreg:$0x1] =	wrdreg $0xFFFFFFFF  }
0xa7: {  	s28 =	simm.s32 $_size_execute0_lowered;
	s2 =	sadd.s32 s2, s4;
	[dreg:$0x0] =	wrdreg $0x0  }
0xa8: {  	s4 =	sshll.u32 s28, $0x1;
	[dreg:$0x2] =	wrdreg s2  }
0xa9: {  	[dreg:$0x3] =	wrdreg s4  }
0xaa: {  	[dreg:$0x4] =	wrdreg $0xC0  }
0xab: {  	_ =	task [dreg:s6], $0x5FFFF  }
0xac: {  	[dreg:$0x1] =	wrdreg $0xFFFFFFFF  }
0xad: {  	[dreg:$0x0] =	wrdreg $0x60  }
0xae: {  	[dreg:$0x2] =	wrdreg s24  }
0xaf: {  	[dreg:$0x3] =	wrdreg $0x9  }
0xb0: {  	_ =	task.clear_ibuf [dreg:s6], $0x4FFFF;
	_ =	strace $0x90000046  }
0xb1: {  	s29 =	simm.s32 $0x9;
	_ =	strace $0x80000048  }
0xb2: {  	_ =	swait.ge [sflag:s29], $0x1  }
0xb3: {  	[sflag:s29] =	ssyncadd.s32 $0xFFFFFFFF  }
0xb4: {  	_ =	strace $0x90000048  }
0xb5: {  	_ =	sfence  }
0xb6: {  	s30 =	sld [smem:$0x0];
	_ =	sdelay $0x2  }
0xb7: {  	s31 =	sshll.u32 s1, $0xD;
	s1 =	sshrl.u32 s1, $0x2  }
0xb8: {  	s3 =	sand.u32 $0x4000, s31;
	s1 =	sadd.s32 s1, s30  }
0xb9: {  	s0 =	sor.u32 s3, s0;
	s1 =	sshll.u32 s1, $0x11  }
0xba: {  	s0 =	sor.u32 s1, s0  }
0xbb: {  	s0 =	sadd.s32 $0x8F2B, s0  }
0xbc: {  	[sflag:s0] =	ssyncadd.remote.s32 $0x1  }
0xbd: {  	_ =	sfence.sel $0xFFFF  }
0xbe: {  	[dreg:$0x0] =	wrdreg $0xFFFFFFFF;
	(pc) =	sbr.abs _section_cstart, $3  }
0xbf: {  	[dreg:$0x1] =	wrdreg $0xFFFFFFFF  }
0xc0: {  	_ =	task.clear_ibuf [dreg:s6], $0x2FFFF;
	_ =	strace $0x9FFFFFFF  }
0xc1: {  	(tm) =	ssettm $0x7FFFFFFF  }
tec
execute0_lowered:
.L_overlay_start_1:
0x0: {  	(tag) =	ssettag $0x1  }
0x1: {  	s3 =	rddreg [dreg:$0x0]  }
0x2: {  	s0 =	rddreg [dreg:$0x1]  }
0x3: {  	s1 =	stileid.u32;
	s2 =	simm.s32 $0x0;
	s4 =	srdreg.scid  }
0x4: {  	s9 =	simm.s32 $0x2800;
	s10 =	simm.s32 $0x0;
	s5 =	sshrl.u32 s1, $0x2  }
0x5: {  	s4 =	sand.u32 $0x1, s4;
	s6 =	sshll.u32 s1, $0x8;
	[smem:$0x7FF] =	sst s2  }
0x6: {  	s7 =	smul.u32 $0x14000, s5;
	s8 =	sshll.u32 s4, $0x7;
	s6 =	sand.u32 $0x300, s6  }
0x7: {  	s5 =	smul.u32 $0x13C00, s5;
	s4 =	ssub.s32 $0x2, s4;
	s6 =	sor.u32 s8, s6  }
0x8: {  	_ =	strace $0x80000047;
	s30 =	sshrl.u32 s4, $0x1;
	s7 =	sor.u32 s7, s6  }
0x9: {  	s8 =	simm.s32 $0x1;
	s5 =	sor.u32 s5, s6;
	s29 =	sshrl.u32 s7, $0x3  }
0xa: {  	s31 =	ssub.s32 s4, s30;
	s5 =	sshrl.u32 s5, $0x3;
	s6 =	sadd.s32 s29, s3  }
0xb: {  	s7 =	simm.s32 $0x400;
	s5 =	sadd.s32 s5, s3;
	s3 =	sadd.s32 $0xDC00, s6  }
0xc: {  	v0 =	vimm.f32 $0.0e+00;
	v1 =	vimm.f32 $1.000000000e+00;
	s4 =	sadd.s32 $0x17C00, s5;
	s5 =	smax.u32 s31, $0x1;
	s6 =	simm.s32 $0x80  }
.LBB2_1:
0xd: {  	[tilespmem:s2], [sflag:$0x1] =	stream.strided.gather [hbm4b:s3+s6], $0x2800, s7, s6, $0x38;
	[tilespmem:$0x4F80] =	vst v63  }
0xe: {  	_ =	swait.ge [sflag:s8], $0x2800  }
0xf: {  	[sflag:s8] =	ssyncset.done $0x0  }
0x10: {  	s11 =	simm.s32 $0x0;
	[sflag:s8] =	ssyncadd.s32 $0xFFFFD800  }
.LBB2_2:
0x11: {  	p0 =	sne.s32 s11, $0x9DC0  }
.Ltmp0:
0x12: {  	_ = 	snop;
	(pc) =	sbr.rel @p0 .LBB2_2-.Ltmp0, $3  }
0x13: {  	_ =	sdelay $0x1  }
0x14: {  	s12 =	sshra.s32 s11, $0x2  }
0x15: {  	s11 =	sadd.s32 $0x40, s11;
	[tilespmem:s12+$0x2800] =	vst v0  }
0x16: {  	s12 =	simm.s32 $0x0;
	s11 =	simm.s32 $0x40  }
.LBB2_4:
0x17: {  	p0 =	sne.s32 s11, $0x9FC0;
	v2 =	vld [tilespmem:s12+$0x0];
	_ =	sdelay $0x3  }
.Ltmp1:
0x18: {  	(pc) =	sbr.rel @p0 .LBB2_4-.Ltmp1, $2  }
0x19: {  	_ =	sdelay $0x2  }
0x1a: {  	s12 =	sshra.s32 s11, $0x2;
	s11 =	sadd.s32 $0x40, s11;
	[tilespmem:v2+s9+$0x0] =	vst.idx.add.f32.msk $0xffff, v1  }
0x1b: {  	v2 =	vld [tilespmem:s12+$0x0];
	_ =	sdelay $0x5  }
0x1c: {  	s10 =	sadd.s32 $0x1, s10  }
0x1d: {  	p0 =	sne.s32 s10, s5  }
.Ltmp2:
0x1e: {  	[tilespmem:v2+s9+$0x0] =	vst.idx.add.f32.msk $0xffff, v1;
	(pc) =	sbr.rel @p0 .LBB2_1-.Ltmp2, $4  }
0x1f: {  	[hbm4b:s4+s6] =	stream.strided.scatter [tilespmem:s9], [sflag:$0x1], $0x2780, s7, s6, $0x38;
	[tilespmem:$0x4F80] =	vst v63  }
0x20: {  	_ =	swait.ge [sflag:s8], $0x2780  }
0x21: {  	[sflag:s8] =	ssyncset.done $0x0  }
0x22: {  	[sflag:s8] =	ssyncadd.s32 $0xFFFFD880  }
0x23: {  	_ =	sfence.sel $0x180000  }
0x24: {  	[bflag:$0x0] =	sbarrier.arrive $0xFFFF  }
0x25: {  	p0 =	sne.s32 s1, $0x0;
	_ =	strace $0x90000047  }
0x26: {  	s0 =	sadd.s32 @!p0 $0x100000, s0;
	[bflag:$0x2] =	sbarrier.arrive $0xFFFF  }
0x27: {  	[sflag:s0] =	ssyncadd.tile.s32 @!p0 $0x1;
	_ =	shalt  }
.Lfunc_end2:
_tile_overlayer_lowered:
.L_overlay_start_2:
0x28: {  	(tag) =	ssettag $0x2  }
0x29: {  	s0 =	rddreg [dreg:$0x0];
	s2 =	stileid.u32  }
0x2a: {  	s1 =	rddreg [dreg:$0x1];
	p0 =	sne.s32 s2, $0x0  }
0x2b: {  	s3 =	rddreg [dreg:$0x2];
	[bflag:$0x3] =	sbarrier.arrive $0xFFFF;
	s2 =	simm.s32 @!p0 $0x1C01  }
0x2c: {  	[timem:s3], [sflag:s2] =	dma.local @!p0 [hbm:s0], s1  }
0x2d: {  	s0 =	simm.s32 @!p0 $0x1  }
0x2e: {  	_ =	swait.ge @!p0 [sflag:s0], s1  }
0x2f: {  	s1 =	ssub.s32 @!p0 $0x0, s1;
	[sflag:s0] =	ssyncset.done @!p0 $0x0  }
0x30: {  	[sflag:s0] =	ssyncadd.s32 @!p0 s1  }
0x31: {  	[bflag:$0x3] =	sbarrier.arrive $0xFFFF  }
0x32: {  	_ =	shalt  }

// kernel: kernel.13.cloned.1.call-start
scs
__scs_entry_jumppad:
0x0: {  	(pc) =	sbr.rel $0x88, $3  }
0x1: {  	(tag) =	ssettag $0x0;
	lr =	simm.s32 $0x1  }
0x2: {  	[smem:$0x3F92] =	sst lr;
	_ =	strace $0xD0000000  }
0x3: {  	_ = 	snop  }
0x4: {  	_ = 	snop  }
0x5: {  	_ = 	snop  }
0x6: {  	_ = 	snop  }
0x7: {  	_ = 	snop  }
__scs_overlays_trampoline_lowered:
0x8: {  	[smem:$0x3FA1] =	sst s0  }
0x9: {  	[smem:$0x3FA2] =	sst s1  }
0xa: {  	[smem:$0x3FA3] =	sst s2  }
0xb: {  	[smem:$0x3FA4] =	sst s3  }
0xc: {  	[smem:$0x3FA5] =	sst s4  }
0xd: {  	[smem:$0x3FA6] =	sst s5  }
0xe: {  	[smem:$0x3FA7] =	sst s6  }
0xf: {  	[smem:$0x3FA8] =	sst s7  }
0x10: {  	[smem:$0x3FA9] =	sst s8  }
0x11: {  	[smem:$0x3FAA] =	sst s9;
	s0 =	simm.s32 @!p0 $0x0  }
0x12: {  	s1 =	sld [smem:$0x3F90];
	s0 =	simm.s32 @p0 $0x1  }
0x13: {  	[smem:$0x3FAB] =	sst s0;
	s0 =	simm.s32 @!p1 $0x0  }
0x14: {  	s2 =	sld [smem:$0x3F8F];
	s0 =	simm.s32 @p1 $0x1  }
0x15: {  	[smem:$0x3FAC] =	sst s0;
	s0 =	simm.s32 @!p2 $0x0  }
0x16: {  	s3 =	sld [smem:$0x3FDB];
	s0 =	simm.s32 @p2 $0x1  }
0x17: {  	s4 =	simm.s32 $0x1BF5;
	[smem:$0x3FAE] =	sst s0  }
0x18: {  	s0 =	sld [smem:$0x3F91];
	_ =	swait.ge [sflag:s4], $0x0  }
0x19: {  	s7 =	sld [smem:$0x3F92]  }
0x1a: {  	s8 =	sadd.s32 $0xFFFFE003, lr  }
0x1b: {  	s9 =	sadd.s32 $0xFFFFFEF7, lr;
	s5 =	simm.s32 $0xFFFFFFFF;
	p2 =	slt.u32 s8, $0xFFFFF086  }
0x1c: {  	p1 =	slt.u32 s9, $0xF7A;
	s5 =	simm.s32 @!p2 $0x0  }
0x1d: {  	s5 =	simm.s32 @p1 $0x1;
	p0 =	seq.s32 s7, s2  }
0x1e: {  	s7 =	smul.u32 @!p0 $0xF7A, s2;
	p2 =	seq.s32 @!p0 s5, $0x0  }
0x1f: {  	s9 =	smul.u32 $0xF7A, s1;
	s8 =	simm.s32 @!p0 $0x1BF5;
	p2 =	por !p2, p0  }
0x20: {  	[sflag:s8] =	ssyncset.s32 @!p0 $0xFFFFF086;
	s6 =	sadd.s32 @!p0 s3, s7;
	s7 =	simm.s32 @!p0 $0x108  }
0x21: {  	s3 =	sadd.s32 s3, s9;
	s6 =	sadd.s32 @!p0 $0x88, s6;
	s7 =	simm.s32 @p2 $0x1082  }
0x22: {  	[simem:s7], [sflag:s8] =	dma.local @!p0 [hbm:s6], $0xF7A  }
0x23: {  	s9 =	sor.u32 $0xD0000000, s2;
	s6 =	simm.s32 $0x108;
	_ =	swait.ge @!p0 [sflag:s8], $0x0  }
0x24: {  	s3 =	sadd.s32 $0x88, s3;
	s6 =	simm.s32 @!p1 $0x1082;
	[sflag:s4] =	ssyncset.s32 $0xFFFFF086  }
0x25: {  	[simem:s6], [sflag:s4] =	dma.local [hbm:s3], $0xF7A  }
0x26: {  	[smem:$0x3F92] =	sst s1;
	(tag) =	ssettag s2;
	_ =	strace s9  }
0x27: {  	s1 =	sld [smem:$0x3FA2]  }
0x28: {  	s2 =	sld [smem:$0x3FA3]  }
0x29: {  	s4 =	sld [smem:$0x3FA5]  }
0x2a: {  	p0 =	seq.s32 s5, $0x0;
	s5 =	sld [smem:$0x3FA6]  }
0x2b: {  	s6 =	sld [smem:$0x3FA7]  }
0x2c: {  	s7 =	sld [smem:$0x3FA8]  }
0x2d: {  	s3 =	simm.s32 $0x108;
	s8 =	sld [smem:$0x3FA9]  }
0x2e: {  	s3 =	simm.s32 @!p0 $0x1082;
	s9 =	sld [smem:$0x3FAA]  }
0x2f: {  	lr =	sadd.s32 s0, s3;
	s0 =	sld [smem:$0x3FA1]  }
0x30: {  	s3 =	sld [smem:$0x3FA4]  }
0x31: {  	[smem:$0x3FAD] =	sst s10  }
0x32: {  	s10 =	sld [smem:$0x3FAB];
	_ =	sdelay $0x3  }
0x33: {  	p0 =	seq.s32 s10, $0x1;
	s10 =	sld [smem:$0x3FAD];
	_ =	sdelay $0x3  }
0x34: {  	[smem:$0x3FAD] =	sst s10  }
0x35: {  	s10 =	sld [smem:$0x3FAC];
	_ =	sdelay $0x3  }
0x36: {  	p1 =	seq.s32 s10, $0x1;
	s10 =	sld [smem:$0x3FAD];
	_ =	sdelay $0x3  }
0x37: {  	[smem:$0x3FAD] =	sst s10  }
0x38: {  	s10 =	sld [smem:$0x3FAE]  }
0x39: {  	_ = 	snop;
	(pc) =	sbr.ind lr, $3  }
0x3a: {  	_ = 	snop  }
0x3b: {  	_ = 	snop  }
0x3c: {  	p2 =	seq.s32 s10, $0x1;
	s10 =	sld [smem:$0x3FAD]  }
0x3d: {  	_ =	shalt  }
0x3e: {  	_ =	shalt  }
0x3f: {  	_ =	shalt  }
0x40: {  	_ =	shalt  }
0x41: {  	_ =	shalt  }
0x42: {  	_ =	shalt  }
0x43: {  	_ =	shalt  }
0x44: {  	_ =	shalt  }
0x45: {  	_ =	shalt  }
0x46: {  	_ =	shalt  }
0x47: {  	_ =	shalt  }
0x48: {  	_ =	shalt  }
0x49: {  	_ =	shalt  }
0x4a: {  	_ =	shalt  }
0x4b: {  	_ =	shalt  }
0x4c: {  	_ =	shalt  }
0x4d: {  	_ =	shalt  }
0x4e: {  	_ =	shalt  }
0x4f: {  	_ =	shalt  }
0x50: {  	_ =	shalt  }
0x51: {  	_ =	shalt  }
0x52: {  	_ =	shalt  }
0x53: {  	_ =	shalt  }
0x54: {  	_ =	shalt  }
0x55: {  	_ =	shalt  }
0x56: {  	_ =	shalt  }
0x57: {  	_ =	shalt  }
0x58: {  	_ =	shalt  }
0x59: {  	_ =	shalt  }
0x5a: {  	_ =	shalt  }
0x5b: {  	_ =	shalt  }
0x5c: {  	_ =	shalt  }
0x5d: {  	_ =	shalt  }
0x5e: {  	_ =	shalt  }
0x5f: {  	_ =	shalt  }
0x60: {  	_ =	shalt  }
0x61: {  	_ =	shalt  }
0x62: {  	_ =	shalt  }
0x63: {  	_ =	shalt  }
0x64: {  	_ =	shalt  }
0x65: {  	_ =	shalt  }
0x66: {  	_ =	shalt  }
0x67: {  	_ =	shalt  }
0x68: {  	_ =	shalt  }
0x69: {  	_ =	shalt  }
0x6a: {  	_ =	shalt  }
0x6b: {  	_ =	shalt  }
0x6c: {  	_ =	shalt  }
0x6d: {  	_ =	shalt  }
0x6e: {  	_ =	shalt  }
0x6f: {  	_ =	shalt  }
0x70: {  	_ =	shalt  }
0x71: {  	_ =	shalt  }
0x72: {  	_ =	shalt  }
0x73: {  	_ =	shalt  }
0x74: {  	_ =	shalt  }
0x75: {  	_ =	shalt  }
0x76: {  	_ =	shalt  }
0x77: {  	_ =	shalt  }
0x78: {  	_ =	shalt  }
0x79: {  	_ =	shalt  }
0x7a: {  	_ =	shalt  }
0x7b: {  	_ =	shalt  }
0x7c: {  	_ =	shalt  }
0x7d: {  	_ =	shalt  }
0x7e: {  	_ =	shalt  }
0x7f: {  	_ =	shalt  }
0x80: {  	_ =	shalt  }
0x81: {  	_ =	shalt  }
0x82: {  	_ =	shalt  }
0x83: {  	_ =	shalt  }
0x84: {  	_ =	shalt  }
0x85: {  	_ =	shalt  }
0x86: {  	_ =	shalt  }
0x87: {  	_ =	shalt  }
.Lfunc_end0:
.L_simem_size_0:
called_computation.1_lowered:
.L_overlay_start_0:
0x88: {  	s2 =	sld [smem:$0x3FD9]  }
0x89: {  	s3 =	sld [smem:$0x3FFE];
	_ =	sdelay $0x1  }
0x8a: {  	s1 =	srdreg.scid  }
0x8b: {  	s0 =	sand.u32 $0x1, s1  }
0x8c: {  	s16 =	sshll.u32 s0, $0xA;
	s2 =	sadd.s32 s3, s2  }
0x8d: {  	s2 =	sadd.s32 s2, s16  }
0x8e: {  	[smem:$0x3FB9] =	sst s2  }
0x8f: {  	_ = 	snop  }
0x90: {  	(tm) =	ssettm $0x1  }
0x91: {  	s17 =	sld [smem:$0x3FFB];
	_ =	sdelay $0x3  }
0x92: {  	_ =	strace s17  }
0x93: {  	s2 =	sld [smem:$0x3FFC];
	_ =	sdelay $0x3  }
0x94: {  	_ =	strace s2  }
0x95: {  	s2 =	sld [smem:$0x3FFD];
	_ =	sdelay $0x3  }
0x96: {  	_ =	strace s2  }
0x97: {  	_ =	strace $0x8FFFFFFF  }
0x98: {  	s18 =	sld [smem:$0x3FDB];
	_ =	sdelay $0x1  }
0x99: {  	s19 =	simm.s32 $_scs_section_size  }
0x9a: {  	s4 =	simm.s32 $_size__tile_overlayer_lowered;
	s5 =	simm.s32 $_tile_overlayer_lowered  }
0x9b: {  	s22 =	simm.s32 $0x1BFF;
	s21 =	sshll.u32 s5, $0x1;
	s2 =	sadd.s32 s19, s18  }
0x9c: {  	s6 =	simm.s32 $0x0;
	s20 =	sshll.u32 s4, $0x1;
	s4 =	sadd.s32 s21, s2  }
0x9d: {  	[timem:s6], [sflag:s22] =	dma.local [hbm:s4], s20  }
0x9e: {  	_ =	swait.ge [sflag:s22], s20  }
0x9f: {  	s3 =	ssub.s32 $0x0, s20;
	[sflag:s22] =	ssyncset.done $0x0  }
0xa0: {  	[sflag:s22] =	ssyncadd.s32 s3;
	_ =	sdelay $0x1  }
0xa1: {  	s23 =	simm.s32 $0x1B8B  }
0xa2: {  	_ =	swait.ge [sflag:s23], $0x1  }
0xa3: {  	[sflag:s23] =	ssyncset.done $0x0  }
0xa4: {  	s25 =	simm.s32 $0x1B8E;
	s24 =	sld [smem:$0x3FFE];
	[sflag:s23] =	ssyncadd.s32 $0xFFFFFFFF  }
0xa5: {  	s26 =	simm.s32 $execute0_lowered;
	[smem:$0x3FD2] =	sst s25  }
0xa6: {  	s4 =	sshll.u32 s26, $0x1;
	_ =	strace $0x80000049;
	[dreg:$0x1] =	wrdreg $0xFFFFFFFF  }
0xa7: {  	s28 =	simm.s32 $_size_execute0_lowered;
	s2 =	sadd.s32 s2, s4;
	[dreg:$0x0] =	wrdreg $0x0  }
0xa8: {  	s4 =	sshll.u32 s28, $0x1;
	[dreg:$0x2] =	wrdreg s2  }
0xa9: {  	[dreg:$0x3] =	wrdreg s4  }
0xaa: {  	[dreg:$0x4] =	wrdreg $0xC0  }
0xab: {  	_ =	task [dreg:s6], $0x5FFFF  }
0xac: {  	[dreg:$0x1] =	wrdreg $0xFFFFFFFF  }
0xad: {  	[dreg:$0x0] =	wrdreg $0x60  }
0xae: {  	[dreg:$0x2] =	wrdreg s24  }
0xaf: {  	[dreg:$0x3] =	wrdreg $0xA8000  }
0xb0: {  	[dreg:$0x4] =	wrdreg $0x9  }
0xb1: {  	_ =	task.clear_ibuf [dreg:s6], $0x5FFFF;
	_ =	strace $0x90000049  }
0xb2: {  	s29 =	simm.s32 $0x9;
	_ =	strace $0x8000004B  }
0xb3: {  	_ =	swait.ge [sflag:s29], $0x1  }
0xb4: {  	[sflag:s29] =	ssyncadd.s32 $0xFFFFFFFF  }
0xb5: {  	_ =	strace $0x9000004B  }
0xb6: {  	_ =	sfence  }
0xb7: {  	s30 =	sld [smem:$0x0];
	_ =	sdelay $0x2  }
0xb8: {  	s31 =	sshll.u32 s1, $0xD;
	s1 =	sshrl.u32 s1, $0x2  }
0xb9: {  	s3 =	sand.u32 $0x4000, s31;
	s1 =	sadd.s32 s1, s30  }
0xba: {  	s0 =	sor.u32 s3, s0;
	s1 =	sshll.u32 s1, $0x11  }
0xbb: {  	s0 =	sor.u32 s1, s0  }
0xbc: {  	s0 =	sadd.s32 $0x8F2B, s0  }
0xbd: {  	[sflag:s0] =	ssyncadd.remote.s32 $0x1  }
0xbe: {  	_ =	sfence.sel $0xFFFF  }
0xbf: {  	[dreg:$0x0] =	wrdreg $0xFFFFFFFF;
	(pc) =	sbr.abs _section_cstart, $3  }
0xc0: {  	[dreg:$0x1] =	wrdreg $0xFFFFFFFF  }
0xc1: {  	_ =	task.clear_ibuf [dreg:s6], $0x2FFFF;
	_ =	strace $0x9FFFFFFF  }
0xc2: {  	(tm) =	ssettm $0x7FFFFFFF  }
0xc3: {  	_ =	shalt  }
tec
execute0_lowered:
.L_overlay_start_1:
0x0: {  	(tag) =	ssettag $0x1  }
0x1: {  	s6 =	rddreg [dreg:$0x0]  }
0x2: {  	s1 =	rddreg [dreg:$0x1]  }
0x3: {  	s0 =	rddreg [dreg:$0x2];
	s3 =	simm.s32 $0x0;
	s2 =	srdreg.scid  }
0x4: {  	s16 =	simm.s32 $0x80;
	s17 =	simm.s32 $0x2800;
	s18 =	simm.s32 $0x6800  }
0x5: {  	s19 =	simm.s32 $0x1;
	s20 =	simm.s32 $0x2;
	s21 =	simm.s32 $0x3  }
0x6: {  	s22 =	simm.s32 $0x4;
	s23 =	simm.s32 $0x2700;
	s24 =	simm.s32 $0x2780  }
0x7: {  	[smem:$0x7FF] =	sst s3;
	s7 =	sand.u32 $0x1, s2;
	s2 =	stileid.u32  }
0x8: {  	s4 =	sadd.s32 $0x2BA00, s6;
	s10 =	sadd.s32 $0x21A00, s6;
	s11 =	sadd.s32 $0x3C00, s6  }
0x9: {  	s5 =	sadd.s32 $0xDC00, s6;
	s8 =	smul.u32 $0x13C000, s7;
	_ =	strace $0x8000004A  }
0xa: {  	s9 =	smul.u32 $0x13C00, s2;
	s25 =	sshll.u32 s2, $0x1;
	s12 =	ssub.s32 $0x2, s7  }
0xb: {  	s26 =	smul.u32 $0x4F000, s2;
	s30 =	sshll.u32 s2, $0x6;
	s7 =	sor.u32 s7, s25  }
0xc: {  	s13 =	sshrl.u32 s12, $0x1;
	s25 =	simm.s32 $0x0;
	s8 =	sadd.s32 s9, s8  }
0xd: {  	s7 =	smul.u32 $0x2800, s7;
	s12 =	ssub.s32 s12, s13;
	s28 =	sshrl.u32 s26, $0x2  }
0xe: {  	s8 =	sshrl.u32 s8, $0x3;
	s29 =	sadd.s32 s28, s1;
	s12 =	smax.u32 s12, $0x1  }
0xf: {  	s14 =	sadd.s32 s8, s6;
	s31 =	sshrl.u32 s7, $0x3;
	s6 =	sor.u32 $0x1C05, s30  }
0x10: {  	s13 =	sshrl.u32 s29, $0x3;
	s7 =	sadd.s32 s10, s31;
	s15 =	sadd.s32 $0x280, s31  }
0x11: {  	s8 =	sadd.s32 s11, s31;
	s9 =	sadd.s32 s10, s15;
	s10 =	sadd.s32 s11, s15  }
0x12: {  	s11 =	sadd.s32 $0x53200, s14;
	s14 =	simm.s32 $0x5;
	s15 =	simm.s32 $0x1400  }
.LBB2_1:
0x13: {  	[spmem:s13], [sflag:s6] =	dma.local [hbm:s5], $0x2780  }
0x14: {  	_ =	swait.ge [sflag:s14], $0x2780  }
0x15: {  	[sflag:s14] =	ssyncset.done $0x0  }
0x16: {  	[sflag:s14] =	ssyncadd.s32 $0xFFFFD880  }
0x17: {  	[bflag:$0x0] =	sbarrier.arrive $0xFFFF  }
0x18: {  	[tilespmem:s3], [sflag:$0x5] =	stream.linear.gather [hbm4b:s7+s3], $0x1400, $0x38;
	[tilespmem:$0x1E400] =	vst v63  }
0x19: {  	_ =	swait.ge [sflag:s14], $0x1400  }
0x1a: {  	[sflag:s14] =	ssyncset.done $0x0  }
0x1b: {  	[sflag:s14] =	ssyncadd.s32 $0xFFFFEC00  }
0x1c: {  	[tilespmem:s15], [sflag:$0x5] =	stream.linear.gather [hbm4b:s8+s3], $0x1400, $0x38;
	[tilespmem:$0x1E400] =	vst v63  }
0x1d: {  	_ =	swait.ge [sflag:s14], $0x1400  }
0x1e: {  	[sflag:s14] =	ssyncset.done $0x0  }
0x1f: {  	[sflag:s14] =	ssyncadd.s32 $0xFFFFEC00  }
0x20: {  	[tilespmem:s17], [sflag:$0x1] =	stream.indirect.gather [hbm4b:s4+s16], $0x80, s3, s16, $0xb8;
	[tilespmem:$0x1E400] =	vst v63  }
0x21: {  	_ = 	snop  }
0x22: {  	[tilespmem:s18], [sflag:$0x2] =	stream.indirect.gather [hbm4b:s4+s16], $0x80, s16, s16, $0xb8;
	[tilespmem:$0x1E400] =	vst v63  }
0x23: {  	_ =	swait.ge [sflag:s19], $0x4000  }
0x24: {  	[sflag:s19] =	ssyncset.done $0x0  }
0x25: {  	s26 =	simm.s32 $0x1400;
	[sflag:s19] =	ssyncadd.s32 $0xFFFFC000  }
0x26: {  	[spmem:s1] =	stream.indirect.scatter.add.f32 [tilespmem:s17], [sflag:$0x3], $0x80, s26, s16, $0xb8;
	[tilespmem:$0x1E400] =	vst v63  }
0x27: {  	_ =	swait.ge [sflag:s20], $0x4000  }
0x28: {  	[sflag:s20] =	ssyncset.done $0x0  }
0x29: {  	s30 =	simm.s32 $0x1480;
	[sflag:s20] =	ssyncadd.s32 $0xFFFFC000  }
0x2a: {  	[spmem:s1] =	stream.indirect.scatter.add.f32 [tilespmem:s18], [sflag:$0x4], $0x80, s30, s16, $0xb8;
	[tilespmem:$0x1E400] =	vst v63  }
0x2b: {  	_ =	swait.ge [sflag:s21], $0x4000  }
0x2c: {  	[sflag:s21] =	ssyncset.done $0x0  }
0x2d: {  	s31 =	simm.s32 $0x100;
	[sflag:s21] =	ssyncadd.s32 $0xFFFFC000  }
0x2e: {  	[tilespmem:s17], [sflag:$0x1] =	stream.indirect.gather [hbm4b:s4+s16], $0x80, s31, s16, $0xb8;
	[tilespmem:$0x1E400] =	vst v63  }
0x2f: {  	_ =	swait.ge [sflag:s22], $0x4000  }
0x30: {  	[sflag:s22] =	ssyncset.done $0x0  }
0x31: {  	s28 =	simm.s32 $0x180;
	s26 =	simm.s32 $0x400;
	[sflag:s22] =	ssyncadd.s32 $0xFFFFC000  }
.LBB2_2:
0x32: {  	[tilespmem:s18], [sflag:$0x2] =	stream.indirect.gather [hbm4b:s4+s16], $0x80, s28, s16, $0xb8;
	[tilespmem:$0x1E400] =	vst v63  }
0x33: {  	s28 =	smov.u32 s26  }
0x34: {  	p0 =	sne.s32 s26, $0x4800;
	s26 =	sadd.s32 $0x400, s26;
	_ =	swait.ge [sflag:s19], $0x4000  }
0x35: {  	s28 =	sshra.s32 s28, $0x2;
	[sflag:s19] =	ssyncset.done $0x0  }
0x36: {  	s29 =	sadd.s32 $0x1400, s28;
	[sflag:s19] =	ssyncadd.s32 $0xFFFFC000  }
0x37: {  	[spmem:s1] =	stream.indirect.scatter.add.f32 [tilespmem:s17], [sflag:$0x3], $0x80, s29, s16, $0xb8;
	[tilespmem:$0x1E400] =	vst v63  }
0x38: {  	_ =	swait.ge [sflag:s20], $0x4000  }
0x39: {  	[sflag:s20] =	ssyncset.done $0x0  }
0x3a: {  	s29 =	sadd.s32 $0x1480, s28;
	[sflag:s20] =	ssyncadd.s32 $0xFFFFC000  }
0x3b: {  	[spmem:s1] =	stream.indirect.scatter.add.f32 [tilespmem:s18], [sflag:$0x4], $0x80, s29, s16, $0xb8;
	[tilespmem:$0x1E400] =	vst v63  }
0x3c: {  	_ =	swait.ge [sflag:s21], $0x4000  }
0x3d: {  	[sflag:s21] =	ssyncset.done $0x0  }
.Ltmp0:
0x3e: {  	s29 =	sadd.s32 $0x100, s28;
	[sflag:s21] =	ssyncadd.s32 $0xFFFFC000;
	(pc) =	sbr.rel @p0 .LBB2_2-.Ltmp0, $4  }
0x3f: {  	[tilespmem:s17], [sflag:$0x1] =	stream.indirect.gather [hbm4b:s4+s16], $0x80, s29, s16, $0xb8;
	[tilespmem:$0x1E400] =	vst v63  }
0x40: {  	_ =	swait.ge [sflag:s22], $0x4000  }
0x41: {  	[sflag:s22] =	ssyncset.done $0x0  }
0x42: {  	s28 =	sadd.s32 $0x180, s28;
	[sflag:s22] =	ssyncadd.s32 $0xFFFFC000  }
0x43: {  	[tilespmem:s18], [sflag:$0x2] =	stream.indirect.gather [hbm4b:s4+s16], $0x80, s28, s16, $0xb8;
	[tilespmem:$0x1E400] =	vst v63  }
0x44: {  	_ =	swait.ge [sflag:s19], $0x4000  }
0x45: {  	[sflag:s19] =	ssyncset.done $0x0  }
0x46: {  	[sflag:s19] =	ssyncadd.s32 $0xFFFFC000  }
0x47: {  	[spmem:s1] =	stream.indirect.scatter.add.f32 [tilespmem:s17], [sflag:$0x3], $0x80, s23, s16, $0xb8;
	[tilespmem:$0x1E400] =	vst v63  }
0x48: {  	_ =	swait.ge [sflag:s20], $0x4000  }
0x49: {  	[sflag:s20] =	ssyncset.done $0x0  }
0x4a: {  	[sflag:s20] =	ssyncadd.s32 $0xFFFFC000  }
0x4b: {  	[spmem:s1] =	stream.indirect.scatter.add.f32 [tilespmem:s18], [sflag:$0x4], $0x80, s24, s16, $0xb8;
	[tilespmem:$0x1E400] =	vst v63  }
0x4c: {  	_ =	swait.ge [sflag:s21], $0x4000  }
0x4d: {  	[sflag:s21] =	ssyncset.done $0x0  }
0x4e: {  	[sflag:s21] =	ssyncadd.s32 $0xFFFFC000  }
0x4f: {  	_ =	swait.ge [sflag:s22], $0x4000  }
0x50: {  	[sflag:s22] =	ssyncset.done $0x0  }
0x51: {  	s26 =	simm.s32 $0x0;
	[sflag:s22] =	ssyncadd.s32 $0xFFFFC000  }
0x52: {  	[tilespmem:s26], [sflag:$0x5] =	stream.linear.gather [hbm4b:s9+s26], $0x1400, $0x38;
	[tilespmem:$0x1E400] =	vst v63  }
0x53: {  	_ =	swait.ge [sflag:s14], $0x1400  }
0x54: {  	[sflag:s14] =	ssyncset.done $0x0  }
0x55: {  	[sflag:s14] =	ssyncadd.s32 $0xFFFFEC00  }
0x56: {  	[tilespmem:s15], [sflag:$0x5] =	stream.linear.gather [hbm4b:s10+s26], $0x1400, $0x38;
	[tilespmem:$0x1E400] =	vst v63  }
0x57: {  	_ =	swait.ge [sflag:s14], $0x1400  }
0x58: {  	[sflag:s14] =	ssyncset.done $0x0  }
0x59: {  	[sflag:s14] =	ssyncadd.s32 $0xFFFFEC00  }
0x5a: {  	[tilespmem:s17], [sflag:$0x1] =	stream.indirect.gather [hbm4b:s4+s16], $0x80, s26, s16, $0xb8;
	[tilespmem:$0x1E400] =	vst v63  }
0x5b: {  	_ = 	snop  }
0x5c: {  	[tilespmem:s18], [sflag:$0x2] =	stream.indirect.gather [hbm4b:s4+s16], $0x80, s16, s16, $0xb8;
	[tilespmem:$0x1E400] =	vst v63  }
0x5d: {  	_ =	swait.ge [sflag:s19], $0x4000  }
0x5e: {  	[sflag:s19] =	ssyncset.done $0x0  }
0x5f: {  	s29 =	simm.s32 $0x1400;
	[sflag:s19] =	ssyncadd.s32 $0xFFFFC000  }
0x60: {  	[spmem:s1] =	stream.indirect.scatter.add.f32 [tilespmem:s17], [sflag:$0x3], $0x80, s29, s16, $0xb8;
	[tilespmem:$0x1E400] =	vst v63  }
0x61: {  	_ =	swait.ge [sflag:s20], $0x4000  }
0x62: {  	[sflag:s20] =	ssyncset.done $0x0  }
0x63: {  	s30 =	simm.s32 $0x1480;
	[sflag:s20] =	ssyncadd.s32 $0xFFFFC000  }
0x64: {  	[spmem:s1] =	stream.indirect.scatter.add.f32 [tilespmem:s18], [sflag:$0x4], $0x80, s30, s16, $0xb8;
	[tilespmem:$0x1E400] =	vst v63  }
0x65: {  	_ =	swait.ge [sflag:s21], $0x4000  }
0x66: {  	[sflag:s21] =	ssyncset.done $0x0  }
0x67: {  	s31 =	simm.s32 $0x100;
	[sflag:s21] =	ssyncadd.s32 $0xFFFFC000  }
0x68: {  	[tilespmem:s17], [sflag:$0x1] =	stream.indirect.gather [hbm4b:s4+s16], $0x80, s31, s16, $0xb8;
	[tilespmem:$0x1E400] =	vst v63  }
0x69: {  	_ =	swait.ge [sflag:s22], $0x4000  }
0x6a: {  	[sflag:s22] =	ssyncset.done $0x0  }
0x6b: {  	s28 =	simm.s32 $0x180;
	s26 =	simm.s32 $0x400;
	[sflag:s22] =	ssyncadd.s32 $0xFFFFC000  }
.LBB2_4:
0x6c: {  	[tilespmem:s18], [sflag:$0x2] =	stream.indirect.gather [hbm4b:s4+s16], $0x80, s28, s16, $0xb8;
	[tilespmem:$0x1E400] =	vst v63  }
0x6d: {  	s28 =	smov.u32 s26  }
0x6e: {  	p0 =	sne.s32 s26, $0x4800;
	s26 =	sadd.s32 $0x400, s26;
	_ =	swait.ge [sflag:s19], $0x4000  }
0x6f: {  	s28 =	sshra.s32 s28, $0x2;
	[sflag:s19] =	ssyncset.done $0x0  }
0x70: {  	s29 =	sadd.s32 $0x1400, s28;
	[sflag:s19] =	ssyncadd.s32 $0xFFFFC000  }
0x71: {  	[spmem:s1] =	stream.indirect.scatter.add.f32 [tilespmem:s17], [sflag:$0x3], $0x80, s29, s16, $0xb8;
	[tilespmem:$0x1E400] =	vst v63  }
0x72: {  	_ =	swait.ge [sflag:s20], $0x4000  }
0x73: {  	[sflag:s20] =	ssyncset.done $0x0  }
0x74: {  	s29 =	sadd.s32 $0x1480, s28;
	[sflag:s20] =	ssyncadd.s32 $0xFFFFC000  }
0x75: {  	[spmem:s1] =	stream.indirect.scatter.add.f32 [tilespmem:s18], [sflag:$0x4], $0x80, s29, s16, $0xb8;
	[tilespmem:$0x1E400] =	vst v63  }
0x76: {  	_ =	swait.ge [sflag:s21], $0x4000  }
0x77: {  	[sflag:s21] =	ssyncset.done $0x0  }
.Ltmp1:
0x78: {  	s29 =	sadd.s32 $0x100, s28;
	[sflag:s21] =	ssyncadd.s32 $0xFFFFC000;
	(pc) =	sbr.rel @p0 .LBB2_4-.Ltmp1, $4  }
0x79: {  	[tilespmem:s17], [sflag:$0x1] =	stream.indirect.gather [hbm4b:s4+s16], $0x80, s29, s16, $0xb8;
	[tilespmem:$0x1E400] =	vst v63  }
0x7a: {  	_ =	swait.ge [sflag:s22], $0x4000  }
0x7b: {  	[sflag:s22] =	ssyncset.done $0x0  }
0x7c: {  	s28 =	sadd.s32 $0x180, s28;
	[sflag:s22] =	ssyncadd.s32 $0xFFFFC000  }
0x7d: {  	[tilespmem:s18], [sflag:$0x2] =	stream.indirect.gather [hbm4b:s4+s16], $0x80, s28, s16, $0xb8;
	[tilespmem:$0x1E400] =	vst v63  }
0x7e: {  	_ =	swait.ge [sflag:s19], $0x4000  }
0x7f: {  	[sflag:s19] =	ssyncset.done $0x0  }
0x80: {  	[sflag:s19] =	ssyncadd.s32 $0xFFFFC000  }
0x81: {  	[spmem:s1] =	stream.indirect.scatter.add.f32 [tilespmem:s17], [sflag:$0x3], $0x80, s23, s16, $0xb8;
	[tilespmem:$0x1E400] =	vst v63  }
0x82: {  	_ =	swait.ge [sflag:s20], $0x4000  }
0x83: {  	[sflag:s20] =	ssyncset.done $0x0  }
0x84: {  	[sflag:s20] =	ssyncadd.s32 $0xFFFFC000  }
0x85: {  	[spmem:s1] =	stream.indirect.scatter.add.f32 [tilespmem:s18], [sflag:$0x4], $0x80, s24, s16, $0xb8;
	[tilespmem:$0x1E400] =	vst v63  }
0x86: {  	_ =	swait.ge [sflag:s21], $0x4000  }
0x87: {  	[sflag:s21] =	ssyncset.done $0x0  }
0x88: {  	[sflag:s21] =	ssyncadd.s32 $0xFFFFC000  }
0x89: {  	_ =	swait.ge [sflag:s22], $0x4000  }
0x8a: {  	s25 =	sadd.s32 $0x1, s25;
	[sflag:s22] =	ssyncset.done $0x0  }
0x8b: {  	p0 =	sne.s32 s25, s12;
	[sflag:s22] =	ssyncadd.s32 $0xFFFFC000  }
.Ltmp2:
0x8c: {  	[bflag:$0x0] =	sbarrier.arrive $0xFFFF;
	(pc) =	sbr.rel @p0 .LBB2_1-.Ltmp2, $4  }
0x8d: {  	[hbm:s11], [sflag:s6] =	dma.local [spmem:s13], $0x2780  }
0x8e: {  	_ =	swait.ge [sflag:s14], $0x2780  }
0x8f: {  	[sflag:s14] =	ssyncset.done $0x0  }
0x90: {  	[sflag:s14] =	ssyncadd.s32 $0xFFFFD880  }
0x91: {  	_ =	sfence.sel $0x180000  }
0x92: {  	[bflag:$0x0] =	sbarrier.arrive $0xFFFF  }
0x93: {  	p0 =	sne.s32 s2, $0x0;
	_ =	strace $0x9000004A  }
0x94: {  	s0 =	sadd.s32 @!p0 $0x100000, s0;
	[bflag:$0x2] =	sbarrier.arrive $0xFFFF  }
0x95: {  	[sflag:s0] =	ssyncadd.tile.s32 @!p0 $0x1;
	_ =	shalt  }
.Lfunc_end2:
_tile_overlayer_lowered:
.L_overlay_start_2:
0x96: {  	(tag) =	ssettag $0x2  }
0x97: {  	s0 =	rddreg [dreg:$0x0];
	s2 =	stileid.u32  }
0x98: {  	s1 =	rddreg [dreg:$0x1];
	p0 =	sne.s32 s2, $0x0  }
0x99: {  	s3 =	rddreg [dreg:$0x2];
	[bflag:$0x3] =	sbarrier.arrive $0xFFFF;
	s2 =	simm.s32 @!p0 $0x1C05  }
0x9a: {  	[timem:s3], [sflag:s2] =	dma.local @!p0 [hbm:s0], s1  }
0x9b: {  	s0 =	simm.s32 @!p0 $0x5  }
0x9c: {  	_ =	swait.ge @!p0 [sflag:s0], s1  }
0x9d: {  	s1 =	ssub.s32 @!p0 $0x0, s1;
	[sflag:s0] =	ssyncset.done @!p0 $0x0  }
0x9e: {  	[sflag:s0] =	ssyncadd.s32 @!p0 s1  }
0x9f: {  	[bflag:$0x3] =	sbarrier.arrive $0xFFFF  }
0xa0: {  	_ =	shalt  }

// kernel: kernel.16.cloned.1.call-start
scs
__scs_entry_jumppad:
0x0: {  	(pc) =	sbr.rel $0x88, $3  }
0x1: {  	(tag) =	ssettag $0x0;
	lr =	simm.s32 $0x1  }
0x2: {  	[smem:$0x3F92] =	sst lr;
	_ =	strace $0xD0000000  }
0x3: {  	_ = 	snop  }
0x4: {  	_ = 	snop  }
0x5: {  	_ = 	snop  }
0x6: {  	_ = 	snop  }
0x7: {  	_ = 	snop  }
__scs_overlays_trampoline_lowered:
0x8: {  	[smem:$0x3FA1] =	sst s0  }
0x9: {  	[smem:$0x3FA2] =	sst s1  }
0xa: {  	[smem:$0x3FA3] =	sst s2  }
0xb: {  	[smem:$0x3FA4] =	sst s3  }
0xc: {  	[smem:$0x3FA5] =	sst s4  }
0xd: {  	[smem:$0x3FA6] =	sst s5  }
0xe: {  	[smem:$0x3FA7] =	sst s6  }
0xf: {  	[smem:$0x3FA8] =	sst s7  }
0x10: {  	[smem:$0x3FA9] =	sst s8  }
0x11: {  	[smem:$0x3FAA] =	sst s9;
	s0 =	simm.s32 @!p0 $0x0  }
0x12: {  	s1 =	sld [smem:$0x3F90];
	s0 =	simm.s32 @p0 $0x1  }
0x13: {  	[smem:$0x3FAB] =	sst s0;
	s0 =	simm.s32 @!p1 $0x0  }
0x14: {  	s2 =	sld [smem:$0x3F8F];
	s0 =	simm.s32 @p1 $0x1  }
0x15: {  	[smem:$0x3FAC] =	sst s0;
	s0 =	simm.s32 @!p2 $0x0  }
0x16: {  	s3 =	sld [smem:$0x3FDB];
	s0 =	simm.s32 @p2 $0x1  }
0x17: {  	s4 =	simm.s32 $0x1BF5;
	[smem:$0x3FAE] =	sst s0  }
0x18: {  	s0 =	sld [smem:$0x3F91];
	_ =	swait.ge [sflag:s4], $0x0  }
0x19: {  	s7 =	sld [smem:$0x3F92]  }
0x1a: {  	s8 =	sadd.s32 $0xFFFFE003, lr  }
0x1b: {  	s9 =	sadd.s32 $0xFFFFFEF7, lr;
	s5 =	simm.s32 $0xFFFFFFFF;
	p2 =	slt.u32 s8, $0xFFFFF086  }
0x1c: {  	p1 =	slt.u32 s9, $0xF7A;
	s5 =	simm.s32 @!p2 $0x0  }
0x1d: {  	s5 =	simm.s32 @p1 $0x1;
	p0 =	seq.s32 s7, s2  }
0x1e: {  	s7 =	smul.u32 @!p0 $0xF7A, s2;
	p2 =	seq.s32 @!p0 s5, $0x0  }
0x1f: {  	s9 =	smul.u32 $0xF7A, s1;
	s8 =	simm.s32 @!p0 $0x1BF5;
	p2 =	por !p2, p0  }
0x20: {  	[sflag:s8] =	ssyncset.s32 @!p0 $0xFFFFF086;
	s6 =	sadd.s32 @!p0 s3, s7;
	s7 =	simm.s32 @!p0 $0x108  }
0x21: {  	s3 =	sadd.s32 s3, s9;
	s6 =	sadd.s32 @!p0 $0x88, s6;
	s7 =	simm.s32 @p2 $0x1082  }
0x22: {  	[simem:s7], [sflag:s8] =	dma.local @!p0 [hbm:s6], $0xF7A  }
0x23: {  	s9 =	sor.u32 $0xD0000000, s2;
	s6 =	simm.s32 $0x108;
	_ =	swait.ge @!p0 [sflag:s8], $0x0  }
0x24: {  	s3 =	sadd.s32 $0x88, s3;
	s6 =	simm.s32 @!p1 $0x1082;
	[sflag:s4] =	ssyncset.s32 $0xFFFFF086  }
0x25: {  	[simem:s6], [sflag:s4] =	dma.local [hbm:s3], $0xF7A  }
0x26: {  	[smem:$0x3F92] =	sst s1;
	(tag) =	ssettag s2;
	_ =	strace s9  }
0x27: {  	s1 =	sld [smem:$0x3FA2]  }
0x28: {  	s2 =	sld [smem:$0x3FA3]  }
0x29: {  	s4 =	sld [smem:$0x3FA5]  }
0x2a: {  	p0 =	seq.s32 s5, $0x0;
	s5 =	sld [smem:$0x3FA6]  }
0x2b: {  	s6 =	sld [smem:$0x3FA7]  }
0x2c: {  	s7 =	sld [smem:$0x3FA8]  }
0x2d: {  	s3 =	simm.s32 $0x108;
	s8 =	sld [smem:$0x3FA9]  }
0x2e: {  	s3 =	simm.s32 @!p0 $0x1082;
	s9 =	sld [smem:$0x3FAA]  }
0x2f: {  	lr =	sadd.s32 s0, s3;
	s0 =	sld [smem:$0x3FA1]  }
0x30: {  	s3 =	sld [smem:$0x3FA4]  }
0x31: {  	[smem:$0x3FAD] =	sst s10  }
0x32: {  	s10 =	sld [smem:$0x3FAB];
	_ =	sdelay $0x3  }
0x33: {  	p0 =	seq.s32 s10, $0x1;
	s10 =	sld [smem:$0x3FAD];
	_ =	sdelay $0x3  }
0x34: {  	[smem:$0x3FAD] =	sst s10  }
0x35: {  	s10 =	sld [smem:$0x3FAC];
	_ =	sdelay $0x3  }
0x36: {  	p1 =	seq.s32 s10, $0x1;
	s10 =	sld [smem:$0x3FAD];
	_ =	sdelay $0x3  }
0x37: {  	[smem:$0x3FAD] =	sst s10  }
0x38: {  	s10 =	sld [smem:$0x3FAE]  }
0x39: {  	_ = 	snop;
	(pc) =	sbr.ind lr, $3  }
0x3a: {  	_ = 	snop  }
0x3b: {  	_ = 	snop  }
0x3c: {  	p2 =	seq.s32 s10, $0x1;
	s10 =	sld [smem:$0x3FAD]  }
0x3d: {  	_ =	shalt  }
0x3e: {  	_ =	shalt  }
0x3f: {  	_ =	shalt  }
0x40: {  	_ =	shalt  }
0x41: {  	_ =	shalt  }
0x42: {  	_ =	shalt  }
0x43: {  	_ =	shalt  }
0x44: {  	_ =	shalt  }
0x45: {  	_ =	shalt  }
0x46: {  	_ =	shalt  }
0x47: {  	_ =	shalt  }
0x48: {  	_ =	shalt  }
0x49: {  	_ =	shalt  }
0x4a: {  	_ =	shalt  }
0x4b: {  	_ =	shalt  }
0x4c: {  	_ =	shalt  }
0x4d: {  	_ =	shalt  }
0x4e: {  	_ =	shalt  }
0x4f: {  	_ =	shalt  }
0x50: {  	_ =	shalt  }
0x51: {  	_ =	shalt  }
0x52: {  	_ =	shalt  }
0x53: {  	_ =	shalt  }
0x54: {  	_ =	shalt  }
0x55: {  	_ =	shalt  }
0x56: {  	_ =	shalt  }
0x57: {  	_ =	shalt  }
0x58: {  	_ =	shalt  }
0x59: {  	_ =	shalt  }
0x5a: {  	_ =	shalt  }
0x5b: {  	_ =	shalt  }
0x5c: {  	_ =	shalt  }
0x5d: {  	_ =	shalt  }
0x5e: {  	_ =	shalt  }
0x5f: {  	_ =	shalt  }
0x60: {  	_ =	shalt  }
0x61: {  	_ =	shalt  }
0x62: {  	_ =	shalt  }
0x63: {  	_ =	shalt  }
0x64: {  	_ =	shalt  }
0x65: {  	_ =	shalt  }
0x66: {  	_ =	shalt  }
0x67: {  	_ =	shalt  }
0x68: {  	_ =	shalt  }
0x69: {  	_ =	shalt  }
0x6a: {  	_ =	shalt  }
0x6b: {  	_ =	shalt  }
0x6c: {  	_ =	shalt  }
0x6d: {  	_ =	shalt  }
0x6e: {  	_ =	shalt  }
0x6f: {  	_ =	shalt  }
0x70: {  	_ =	shalt  }
0x71: {  	_ =	shalt  }
0x72: {  	_ =	shalt  }
0x73: {  	_ =	shalt  }
0x74: {  	_ =	shalt  }
0x75: {  	_ =	shalt  }
0x76: {  	_ =	shalt  }
0x77: {  	_ =	shalt  }
0x78: {  	_ =	shalt  }
0x79: {  	_ =	shalt  }
0x7a: {  	_ =	shalt  }
0x7b: {  	_ =	shalt  }
0x7c: {  	_ =	shalt  }
0x7d: {  	_ =	shalt  }
0x7e: {  	_ =	shalt  }
0x7f: {  	_ =	shalt  }
0x80: {  	_ =	shalt  }
0x81: {  	_ =	shalt  }
0x82: {  	_ =	shalt  }
0x83: {  	_ =	shalt  }
0x84: {  	_ =	shalt  }
0x85: {  	_ =	shalt  }
0x86: {  	_ =	shalt  }
0x87: {  	_ =	shalt  }
.Lfunc_end0:
.L_simem_size_0:
called_computation.2_lowered:
.L_overlay_start_0:
0x88: {  	s2 =	sld [smem:$0x3FD9]  }
0x89: {  	s3 =	sld [smem:$0x3FFE];
	_ =	sdelay $0x1  }
0x8a: {  	s1 =	srdreg.scid  }
0x8b: {  	s0 =	sand.u32 $0x1, s1  }
0x8c: {  	s16 =	sshll.u32 s0, $0xA;
	s2 =	sadd.s32 s3, s2  }
0x8d: {  	s2 =	sadd.s32 s2, s16  }
0x8e: {  	[smem:$0x3FB9] =	sst s2  }
0x8f: {  	_ = 	snop  }
0x90: {  	(tm) =	ssettm $0x1  }
0x91: {  	s17 =	sld [smem:$0x3FFB];
	_ =	sdelay $0x3  }
0x92: {  	_ =	strace s17  }
0x93: {  	s2 =	sld [smem:$0x3FFC];
	_ =	sdelay $0x3  }
0x94: {  	_ =	strace s2  }
0x95: {  	s2 =	sld [smem:$0x3FFD];
	_ =	sdelay $0x3  }
0x96: {  	_ =	strace s2  }
0x97: {  	_ =	strace $0x8FFFFFFF  }
0x98: {  	s18 =	sld [smem:$0x3FDB];
	_ =	sdelay $0x1  }
0x99: {  	s19 =	simm.s32 $_scs_section_size  }
0x9a: {  	s4 =	simm.s32 $_size__tile_overlayer_lowered;
	s5 =	simm.s32 $_tile_overlayer_lowered  }
0x9b: {  	s22 =	simm.s32 $0x1BFF;
	s21 =	sshll.u32 s5, $0x1;
	s2 =	sadd.s32 s19, s18  }
0x9c: {  	s6 =	simm.s32 $0x0;
	s20 =	sshll.u32 s4, $0x1;
	s4 =	sadd.s32 s21, s2  }
0x9d: {  	[timem:s6], [sflag:s22] =	dma.local [hbm:s4], s20  }
0x9e: {  	_ =	swait.ge [sflag:s22], s20  }
0x9f: {  	s3 =	ssub.s32 $0x0, s20;
	[sflag:s22] =	ssyncset.done $0x0  }
0xa0: {  	[sflag:s22] =	ssyncadd.s32 s3;
	_ =	sdelay $0x1  }
0xa1: {  	s23 =	simm.s32 $0x1B8B  }
0xa2: {  	_ =	swait.ge [sflag:s23], $0x1  }
0xa3: {  	[sflag:s23] =	ssyncset.done $0x0  }
0xa4: {  	s25 =	simm.s32 $0x1B8E;
	s24 =	sld [smem:$0x3FFE];
	[sflag:s23] =	ssyncadd.s32 $0xFFFFFFFF  }
0xa5: {  	s26 =	simm.s32 $execute0_lowered;
	[smem:$0x3FD2] =	sst s25  }
0xa6: {  	s4 =	sshll.u32 s26, $0x1;
	_ =	strace $0x8000004C;
	[dreg:$0x1] =	wrdreg $0xFFFFFFFF  }
0xa7: {  	s28 =	simm.s32 $_size_execute0_lowered;
	s2 =	sadd.s32 s2, s4;
	[dreg:$0x0] =	wrdreg $0x0  }
0xa8: {  	s4 =	sshll.u32 s28, $0x1;
	[dreg:$0x2] =	wrdreg s2  }
0xa9: {  	[dreg:$0x3] =	wrdreg s4  }
0xaa: {  	[dreg:$0x4] =	wrdreg $0xC0  }
0xab: {  	_ =	task [dreg:s6], $0x5FFFF  }
0xac: {  	[dreg:$0x1] =	wrdreg $0xFFFFFFFF  }
0xad: {  	[dreg:$0x0] =	wrdreg $0x60  }
0xae: {  	[dreg:$0x2] =	wrdreg s24  }
0xaf: {  	[dreg:$0x3] =	wrdreg $0xA8000  }
0xb0: {  	[dreg:$0x4] =	wrdreg $0x9  }
0xb1: {  	_ =	task.clear_ibuf [dreg:s6], $0x5FFFF;
	_ =	strace $0x9000004C  }
0xb2: {  	s29 =	simm.s32 $0x9;
	_ =	strace $0x8000004E  }
0xb3: {  	_ =	swait.ge [sflag:s29], $0x1  }
0xb4: {  	[sflag:s29] =	ssyncadd.s32 $0xFFFFFFFF  }
0xb5: {  	_ =	strace $0x9000004E  }
0xb6: {  	_ =	sfence  }
0xb7: {  	s30 =	sld [smem:$0x0];
	_ =	sdelay $0x2  }
0xb8: {  	s31 =	sshll.u32 s1, $0xD;
	s1 =	sshrl.u32 s1, $0x2  }
0xb9: {  	s3 =	sand.u32 $0x4000, s31;
	s1 =	sadd.s32 s1, s30  }
0xba: {  	s0 =	sor.u32 s3, s0;
	s1 =	sshll.u32 s1, $0x11  }
0xbb: {  	s0 =	sor.u32 s1, s0  }
0xbc: {  	s0 =	sadd.s32 $0x8F2B, s0  }
0xbd: {  	[sflag:s0] =	ssyncadd.remote.s32 $0x1  }
0xbe: {  	_ =	sfence.sel $0xFFFF  }
0xbf: {  	[dreg:$0x0] =	wrdreg $0xFFFFFFFF;
	(pc) =	sbr.abs _section_cstart, $3  }
0xc0: {  	[dreg:$0x1] =	wrdreg $0xFFFFFFFF  }
0xc1: {  	_ =	task.clear_ibuf [dreg:s6], $0x2FFFF;
	_ =	strace $0x9FFFFFFF  }
0xc2: {  	(tm) =	ssettm $0x7FFFFFFF  }
0xc3: {  	_ =	shalt  }
tec
execute0_lowered:
.L_overlay_start_1:
0x0: {  	(tag) =	ssettag $0x1  }
0x1: {  	s6 =	rddreg [dreg:$0x0]  }
0x2: {  	s1 =	rddreg [dreg:$0x1]  }
0x3: {  	s0 =	rddreg [dreg:$0x2];
	s3 =	simm.s32 $0x0;
	s2 =	srdreg.scid  }
0x4: {  	s16 =	simm.s32 $0x80;
	s17 =	simm.s32 $0x2800;
	s18 =	simm.s32 $0x6800  }
0x5: {  	s19 =	simm.s32 $0x1;
	s20 =	simm.s32 $0x2;
	s21 =	simm.s32 $0x3  }
0x6: {  	s22 =	simm.s32 $0x4;
	s23 =	simm.s32 $0x2700;
	s24 =	simm.s32 $0x2780  }
0x7: {  	[smem:$0x7FF] =	sst s3;
	s7 =	sand.u32 $0x1, s2;
	s2 =	stileid.u32  }
0x8: {  	s4 =	sadd.s32 $0x2BA00, s6;
	s10 =	sadd.s32 $0x21A00, s6;
	s11 =	sadd.s32 $0x3C00, s6  }
0x9: {  	s5 =	sadd.s32 $0xDC00, s6;
	s8 =	smul.u32 $0x13C000, s7;
	_ =	strace $0x8000004D  }
0xa: {  	s9 =	smul.u32 $0x13C00, s2;
	s25 =	sshll.u32 s2, $0x1;
	s12 =	ssub.s32 $0x2, s7  }
0xb: {  	s26 =	smul.u32 $0x4F000, s2;
	s30 =	sshll.u32 s2, $0x6;
	s7 =	sor.u32 s7, s25  }
0xc: {  	s13 =	sshrl.u32 s12, $0x1;
	s25 =	simm.s32 $0x0;
	s8 =	sadd.s32 s9, s8  }
0xd: {  	s7 =	smul.u32 $0x2800, s7;
	s12 =	ssub.s32 s12, s13;
	s28 =	sshrl.u32 s26, $0x2  }
0xe: {  	s8 =	sshrl.u32 s8, $0x3;
	s29 =	sadd.s32 s28, s1;
	s12 =	smax.u32 s12, $0x1  }
0xf: {  	s14 =	sadd.s32 s8, s6;
	s31 =	sshrl.u32 s7, $0x3;
	s6 =	sor.u32 $0x1C05, s30  }
0x10: {  	s13 =	sshrl.u32 s29, $0x3;
	s7 =	sadd.s32 s10, s31;
	s15 =	sadd.s32 $0x280, s31  }
0x11: {  	s8 =	sadd.s32 s11, s31;
	s9 =	sadd.s32 s10, s15;
	s10 =	sadd.s32 s11, s15  }
0x12: {  	s11 =	sadd.s32 $0x53200, s14;
	s14 =	simm.s32 $0x5;
	s15 =	simm.s32 $0x1400  }
.LBB2_1:
0x13: {  	[spmem:s13], [sflag:s6] =	dma.local [hbm:s5], $0x2780  }
0x14: {  	_ =	swait.ge [sflag:s14], $0x2780  }
0x15: {  	[sflag:s14] =	ssyncset.done $0x0  }
0x16: {  	[sflag:s14] =	ssyncadd.s32 $0xFFFFD880  }
0x17: {  	[bflag:$0x0] =	sbarrier.arrive $0xFFFF  }
0x18: {  	[tilespmem:s3], [sflag:$0x5] =	stream.linear.gather [hbm4b:s7+s3], $0x1400, $0x38;
	[tilespmem:$0x1E400] =	vst v63  }
0x19: {  	_ =	swait.ge [sflag:s14], $0x1400  }
0x1a: {  	[sflag:s14] =	ssyncset.done $0x0  }
0x1b: {  	[sflag:s14] =	ssyncadd.s32 $0xFFFFEC00  }
0x1c: {  	[tilespmem:s15], [sflag:$0x5] =	stream.linear.gather [hbm4b:s8+s3], $0x1400, $0x38;
	[tilespmem:$0x1E400] =	vst v63  }
0x1d: {  	_ =	swait.ge [sflag:s14], $0x1400  }
0x1e: {  	[sflag:s14] =	ssyncset.done $0x0  }
0x1f: {  	[sflag:s14] =	ssyncadd.s32 $0xFFFFEC00  }
0x20: {  	[tilespmem:s17], [sflag:$0x1] =	stream.indirect.gather [hbm4b:s4+s16], $0x80, s3, s16, $0xb8;
	[tilespmem:$0x1E400] =	vst v63  }
0x21: {  	_ = 	snop  }
0x22: {  	[tilespmem:s18], [sflag:$0x2] =	stream.indirect.gather [hbm4b:s4+s16], $0x80, s16, s16, $0xb8;
	[tilespmem:$0x1E400] =	vst v63  }
0x23: {  	_ =	swait.ge [sflag:s19], $0x4000  }
0x24: {  	[sflag:s19] =	ssyncset.done $0x0  }
0x25: {  	s26 =	simm.s32 $0x1400;
	[sflag:s19] =	ssyncadd.s32 $0xFFFFC000  }
0x26: {  	[spmem:s1] =	stream.indirect.scatter.add.f32 [tilespmem:s17], [sflag:$0x3], $0x80, s26, s16, $0xb8;
	[tilespmem:$0x1E400] =	vst v63  }
0x27: {  	_ =	swait.ge [sflag:s20], $0x4000  }
0x28: {  	[sflag:s20] =	ssyncset.done $0x0  }
0x29: {  	s30 =	simm.s32 $0x1480;
	[sflag:s20] =	ssyncadd.s32 $0xFFFFC000  }
0x2a: {  	[spmem:s1] =	stream.indirect.scatter.add.f32 [tilespmem:s18], [sflag:$0x4], $0x80, s30, s16, $0xb8;
	[tilespmem:$0x1E400] =	vst v63  }
0x2b: {  	_ =	swait.ge [sflag:s21], $0x4000  }
0x2c: {  	[sflag:s21] =	ssyncset.done $0x0  }
0x2d: {  	s31 =	simm.s32 $0x100;
	[sflag:s21] =	ssyncadd.s32 $0xFFFFC000  }
0x2e: {  	[tilespmem:s17], [sflag:$0x1] =	stream.indirect.gather [hbm4b:s4+s16], $0x80, s31, s16, $0xb8;
	[tilespmem:$0x1E400] =	vst v63  }
0x2f: {  	_ =	swait.ge [sflag:s22], $0x4000  }
0x30: {  	[sflag:s22] =	ssyncset.done $0x0  }
0x31: {  	s28 =	simm.s32 $0x180;
	s26 =	simm.s32 $0x400;
	[sflag:s22] =	ssyncadd.s32 $0xFFFFC000  }
.LBB2_2:
0x32: {  	[tilespmem:s18], [sflag:$0x2] =	stream.indirect.gather [hbm4b:s4+s16], $0x80, s28, s16, $0xb8;
	[tilespmem:$0x1E400] =	vst v63  }
0x33: {  	s28 =	smov.u32 s26  }
0x34: {  	p0 =	sne.s32 s26, $0x4800;
	s26 =	sadd.s32 $0x400, s26;
	_ =	swait.ge [sflag:s19], $0x4000  }
0x35: {  	s28 =	sshra.s32 s28, $0x2;
	[sflag:s19] =	ssyncset.done $0x0  }
0x36: {  	s29 =	sadd.s32 $0x1400, s28;
	[sflag:s19] =	ssyncadd.s32 $0xFFFFC000  }
0x37: {  	[spmem:s1] =	stream.indirect.scatter.add.f32 [tilespmem:s17], [sflag:$0x3], $0x80, s29, s16, $0xb8;
	[tilespmem:$0x1E400] =	vst v63  }
0x38: {  	_ =	swait.ge [sflag:s20], $0x4000  }
0x39: {  	[sflag:s20] =	ssyncset.done $0x0  }
0x3a: {  	s29 =	sadd.s32 $0x1480, s28;
	[sflag:s20] =	ssyncadd.s32 $0xFFFFC000  }
0x3b: {  	[spmem:s1] =	stream.indirect.scatter.add.f32 [tilespmem:s18], [sflag:$0x4], $0x80, s29, s16, $0xb8;
	[tilespmem:$0x1E400] =	vst v63  }
0x3c: {  	_ =	swait.ge [sflag:s21], $0x4000  }
0x3d: {  	[sflag:s21] =	ssyncset.done $0x0  }
.Ltmp0:
0x3e: {  	s29 =	sadd.s32 $0x100, s28;
	[sflag:s21] =	ssyncadd.s32 $0xFFFFC000;
	(pc) =	sbr.rel @p0 .LBB2_2-.Ltmp0, $4  }
0x3f: {  	[tilespmem:s17], [sflag:$0x1] =	stream.indirect.gather [hbm4b:s4+s16], $0x80, s29, s16, $0xb8;
	[tilespmem:$0x1E400] =	vst v63  }
0x40: {  	_ =	swait.ge [sflag:s22], $0x4000  }
0x41: {  	[sflag:s22] =	ssyncset.done $0x0  }
0x42: {  	s28 =	sadd.s32 $0x180, s28;
	[sflag:s22] =	ssyncadd.s32 $0xFFFFC000  }
0x43: {  	[tilespmem:s18], [sflag:$0x2] =	stream.indirect.gather [hbm4b:s4+s16], $0x80, s28, s16, $0xb8;
	[tilespmem:$0x1E400] =	vst v63  }
0x44: {  	_ =	swait.ge [sflag:s19], $0x4000  }
0x45: {  	[sflag:s19] =	ssyncset.done $0x0  }
0x46: {  	[sflag:s19] =	ssyncadd.s32 $0xFFFFC000  }
0x47: {  	[spmem:s1] =	stream.indirect.scatter.add.f32 [tilespmem:s17], [sflag:$0x3], $0x80, s23, s16, $0xb8;
	[tilespmem:$0x1E400] =	vst v63  }
0x48: {  	_ =	swait.ge [sflag:s20], $0x4000  }
0x49: {  	[sflag:s20] =	ssyncset.done $0x0  }
0x4a: {  	[sflag:s20] =	ssyncadd.s32 $0xFFFFC000  }
0x4b: {  	[spmem:s1] =	stream.indirect.scatter.add.f32 [tilespmem:s18], [sflag:$0x4], $0x80, s24, s16, $0xb8;
	[tilespmem:$0x1E400] =	vst v63  }
0x4c: {  	_ =	swait.ge [sflag:s21], $0x4000  }
0x4d: {  	[sflag:s21] =	ssyncset.done $0x0  }
0x4e: {  	[sflag:s21] =	ssyncadd.s32 $0xFFFFC000  }
0x4f: {  	_ =	swait.ge [sflag:s22], $0x4000  }
0x50: {  	[sflag:s22] =	ssyncset.done $0x0  }
0x51: {  	s26 =	simm.s32 $0x0;
	[sflag:s22] =	ssyncadd.s32 $0xFFFFC000  }
0x52: {  	[tilespmem:s26], [sflag:$0x5] =	stream.linear.gather [hbm4b:s9+s26], $0x1400, $0x38;
	[tilespmem:$0x1E400] =	vst v63  }
0x53: {  	_ =	swait.ge [sflag:s14], $0x1400  }
0x54: {  	[sflag:s14] =	ssyncset.done $0x0  }
0x55: {  	[sflag:s14] =	ssyncadd.s32 $0xFFFFEC00  }
0x56: {  	[tilespmem:s15], [sflag:$0x5] =	stream.linear.gather [hbm4b:s10+s26], $0x1400, $0x38;
	[tilespmem:$0x1E400] =	vst v63  }
0x57: {  	_ =	swait.ge [sflag:s14], $0x1400  }
0x58: {  	[sflag:s14] =	ssyncset.done $0x0  }
0x59: {  	[sflag:s14] =	ssyncadd.s32 $0xFFFFEC00  }
0x5a: {  	[tilespmem:s17], [sflag:$0x1] =	stream.indirect.gather [hbm4b:s4+s16], $0x80, s26, s16, $0xb8;
	[tilespmem:$0x1E400] =	vst v63  }
0x5b: {  	_ = 	snop  }
0x5c: {  	[tilespmem:s18], [sflag:$0x2] =	stream.indirect.gather [hbm4b:s4+s16], $0x80, s16, s16, $0xb8;
	[tilespmem:$0x1E400] =	vst v63  }
0x5d: {  	_ =	swait.ge [sflag:s19], $0x4000  }
0x5e: {  	[sflag:s19] =	ssyncset.done $0x0  }
0x5f: {  	s29 =	simm.s32 $0x1400;
	[sflag:s19] =	ssyncadd.s32 $0xFFFFC000  }
0x60: {  	[spmem:s1] =	stream.indirect.scatter.add.f32 [tilespmem:s17], [sflag:$0x3], $0x80, s29, s16, $0xb8;
	[tilespmem:$0x1E400] =	vst v63  }
0x61: {  	_ =	swait.ge [sflag:s20], $0x4000  }
0x62: {  	[sflag:s20] =	ssyncset.done $0x0  }
0x63: {  	s30 =	simm.s32 $0x1480;
	[sflag:s20] =	ssyncadd.s32 $0xFFFFC000  }
0x64: {  	[spmem:s1] =	stream.indirect.scatter.add.f32 [tilespmem:s18], [sflag:$0x4], $0x80, s30, s16, $0xb8;
	[tilespmem:$0x1E400] =	vst v63  }
0x65: {  	_ =	swait.ge [sflag:s21], $0x4000  }
0x66: {  	[sflag:s21] =	ssyncset.done $0x0  }
0x67: {  	s31 =	simm.s32 $0x100;
	[sflag:s21] =	ssyncadd.s32 $0xFFFFC000  }
0x68: {  	[tilespmem:s17], [sflag:$0x1] =	stream.indirect.gather [hbm4b:s4+s16], $0x80, s31, s16, $0xb8;
	[tilespmem:$0x1E400] =	vst v63  }
0x69: {  	_ =	swait.ge [sflag:s22], $0x4000  }
0x6a: {  	[sflag:s22] =	ssyncset.done $0x0  }
0x6b: {  	s28 =	simm.s32 $0x180;
	s26 =	simm.s32 $0x400;
	[sflag:s22] =	ssyncadd.s32 $0xFFFFC000  }
.LBB2_4:
0x6c: {  	[tilespmem:s18], [sflag:$0x2] =	stream.indirect.gather [hbm4b:s4+s16], $0x80, s28, s16, $0xb8;
	[tilespmem:$0x1E400] =	vst v63  }
0x6d: {  	s28 =	smov.u32 s26  }
0x6e: {  	p0 =	sne.s32 s26, $0x4800;
	s26 =	sadd.s32 $0x400, s26;
	_ =	swait.ge [sflag:s19], $0x4000  }
0x6f: {  	s28 =	sshra.s32 s28, $0x2;
	[sflag:s19] =	ssyncset.done $0x0  }
0x70: {  	s29 =	sadd.s32 $0x1400, s28;
	[sflag:s19] =	ssyncadd.s32 $0xFFFFC000  }
0x71: {  	[spmem:s1] =	stream.indirect.scatter.add.f32 [tilespmem:s17], [sflag:$0x3], $0x80, s29, s16, $0xb8;
	[tilespmem:$0x1E400] =	vst v63  }
0x72: {  	_ =	swait.ge [sflag:s20], $0x4000  }
0x73: {  	[sflag:s20] =	ssyncset.done $0x0  }
0x74: {  	s29 =	sadd.s32 $0x1480, s28;
	[sflag:s20] =	ssyncadd.s32 $0xFFFFC000  }
0x75: {  	[spmem:s1] =	stream.indirect.scatter.add.f32 [tilespmem:s18], [sflag:$0x4], $0x80, s29, s16, $0xb8;
	[tilespmem:$0x1E400] =	vst v63  }
0x76: {  	_ =	swait.ge [sflag:s21], $0x4000  }
0x77: {  	[sflag:s21] =	ssyncset.done $0x0  }
.Ltmp1:
0x78: {  	s29 =	sadd.s32 $0x100, s28;
	[sflag:s21] =	ssyncadd.s32 $0xFFFFC000;
	(pc) =	sbr.rel @p0 .LBB2_4-.Ltmp1, $4  }
0x79: {  	[tilespmem:s17], [sflag:$0x1] =	stream.indirect.gather [hbm4b:s4+s16], $0x80, s29, s16, $0xb8;
	[tilespmem:$0x1E400] =	vst v63  }
0x7a: {  	_ =	swait.ge [sflag:s22], $0x4000  }
0x7b: {  	[sflag:s22] =	ssyncset.done $0x0  }
0x7c: {  	s28 =	sadd.s32 $0x180, s28;
	[sflag:s22] =	ssyncadd.s32 $0xFFFFC000  }
0x7d: {  	[tilespmem:s18], [sflag:$0x2] =	stream.indirect.gather [hbm4b:s4+s16], $0x80, s28, s16, $0xb8;
	[tilespmem:$0x1E400] =	vst v63  }
0x7e: {  	_ =	swait.ge [sflag:s19], $0x4000  }
0x7f: {  	[sflag:s19] =	ssyncset.done $0x0  }
0x80: {  	[sflag:s19] =	ssyncadd.s32 $0xFFFFC000  }
0x81: {  	[spmem:s1] =	stream.indirect.scatter.add.f32 [tilespmem:s17], [sflag:$0x3], $0x80, s23, s16, $0xb8;
	[tilespmem:$0x1E400] =	vst v63  }
0x82: {  	_ =	swait.ge [sflag:s20], $0x4000  }
0x83: {  	[sflag:s20] =	ssyncset.done $0x0  }
0x84: {  	[sflag:s20] =	ssyncadd.s32 $0xFFFFC000  }
0x85: {  	[spmem:s1] =	stream.indirect.scatter.add.f32 [tilespmem:s18], [sflag:$0x4], $0x80, s24, s16, $0xb8;
	[tilespmem:$0x1E400] =	vst v63  }
0x86: {  	_ =	swait.ge [sflag:s21], $0x4000  }
0x87: {  	[sflag:s21] =	ssyncset.done $0x0  }
0x88: {  	[sflag:s21] =	ssyncadd.s32 $0xFFFFC000  }
0x89: {  	_ =	swait.ge [sflag:s22], $0x4000  }
0x8a: {  	s25 =	sadd.s32 $0x1, s25;
	[sflag:s22] =	ssyncset.done $0x0  }
0x8b: {  	p0 =	sne.s32 s25, s12;
	[sflag:s22] =	ssyncadd.s32 $0xFFFFC000  }
.Ltmp2:
0x8c: {  	[bflag:$0x0] =	sbarrier.arrive $0xFFFF;
	(pc) =	sbr.rel @p0 .LBB2_1-.Ltmp2, $4  }
0x8d: {  	[hbm:s11], [sflag:s6] =	dma.local [spmem:s13], $0x2780  }
0x8e: {  	_ =	swait.ge [sflag:s14], $0x2780  }
0x8f: {  	[sflag:s14] =	ssyncset.done $0x0  }
0x90: {  	[sflag:s14] =	ssyncadd.s32 $0xFFFFD880  }
0x91: {  	_ =	sfence.sel $0x180000  }
0x92: {  	[bflag:$0x0] =	sbarrier.arrive $0xFFFF  }
0x93: {  	p0 =	sne.s32 s2, $0x0;
	_ =	strace $0x9000004D  }
0x94: {  	s0 =	sadd.s32 @!p0 $0x100000, s0;
	[bflag:$0x2] =	sbarrier.arrive $0xFFFF  }
0x95: {  	[sflag:s0] =	ssyncadd.tile.s32 @!p0 $0x1;
	_ =	shalt  }
.Lfunc_end2:
_tile_overlayer_lowered:
.L_overlay_start_2:
0x96: {  	(tag) =	ssettag $0x2  }
0x97: {  	s0 =	rddreg [dreg:$0x0];
	s2 =	stileid.u32  }
0x98: {  	s1 =	rddreg [dreg:$0x1];
	p0 =	sne.s32 s2, $0x0  }
0x99: {  	s3 =	rddreg [dreg:$0x2];
	[bflag:$0x3] =	sbarrier.arrive $0xFFFF;
	s2 =	simm.s32 @!p0 $0x1C05  }
0x9a: {  	[timem:s3], [sflag:s2] =	dma.local @!p0 [hbm:s0], s1  }
0x9b: {  	s0 =	simm.s32 @!p0 $0x5  }
0x9c: {  	_ =	swait.ge @!p0 [sflag:s0], s1  }
0x9d: {  	s1 =	ssub.s32 @!p0 $0x0, s1;
	[sflag:s0] =	ssyncset.done @!p0 $0x0  }
0x9e: {  	[sflag:s0] =	ssyncadd.s32 @!p0 s1  }
0x9f: {  	[bflag:$0x3] =	sbarrier.arrive $0xFFFF  }
0xa0: {  	_ =	shalt  }

// kernel: kernel.19.cloned.1.call-start
scs
__scs_entry_jumppad:
0x0: {  	(pc) =	sbr.rel $0x88, $3  }
0x1: {  	(tag) =	ssettag $0x0;
	lr =	simm.s32 $0x1  }
0x2: {  	[smem:$0x3F92] =	sst lr;
	_ =	strace $0xD0000000  }
0x3: {  	_ = 	snop  }
0x4: {  	_ = 	snop  }
0x5: {  	_ = 	snop  }
0x6: {  	_ = 	snop  }
0x7: {  	_ = 	snop  }
__scs_overlays_trampoline_lowered:
0x8: {  	[smem:$0x3FA1] =	sst s0  }
0x9: {  	[smem:$0x3FA2] =	sst s1  }
0xa: {  	[smem:$0x3FA3] =	sst s2  }
0xb: {  	[smem:$0x3FA4] =	sst s3  }
0xc: {  	[smem:$0x3FA5] =	sst s4  }
0xd: {  	[smem:$0x3FA6] =	sst s5  }
0xe: {  	[smem:$0x3FA7] =	sst s6  }
0xf: {  	[smem:$0x3FA8] =	sst s7  }
0x10: {  	[smem:$0x3FA9] =	sst s8  }
0x11: {  	[smem:$0x3FAA] =	sst s9;
	s0 =	simm.s32 @!p0 $0x0  }
0x12: {  	s1 =	sld [smem:$0x3F90];
	s0 =	simm.s32 @p0 $0x1  }
0x13: {  	[smem:$0x3FAB] =	sst s0;
	s0 =	simm.s32 @!p1 $0x0  }
0x14: {  	s2 =	sld [smem:$0x3F8F];
	s0 =	simm.s32 @p1 $0x1  }
0x15: {  	[smem:$0x3FAC] =	sst s0;
	s0 =	simm.s32 @!p2 $0x0  }
0x16: {  	s3 =	sld [smem:$0x3FDB];
	s0 =	simm.s32 @p2 $0x1  }
0x17: {  	s4 =	simm.s32 $0x1BF5;
	[smem:$0x3FAE] =	sst s0  }
0x18: {  	s0 =	sld [smem:$0x3F91];
	_ =	swait.ge [sflag:s4], $0x0  }
0x19: {  	s7 =	sld [smem:$0x3F92]  }
0x1a: {  	s8 =	sadd.s32 $0xFFFFE003, lr  }
0x1b: {  	s9 =	sadd.s32 $0xFFFFFEF7, lr;
	s5 =	simm.s32 $0xFFFFFFFF;
	p2 =	slt.u32 s8, $0xFFFFF086  }
0x1c: {  	p1 =	slt.u32 s9, $0xF7A;
	s5 =	simm.s32 @!p2 $0x0  }
0x1d: {  	s5 =	simm.s32 @p1 $0x1;
	p0 =	seq.s32 s7, s2  }
0x1e: {  	s7 =	smul.u32 @!p0 $0xF7A, s2;
	p2 =	seq.s32 @!p0 s5, $0x0  }
0x1f: {  	s9 =	smul.u32 $0xF7A, s1;
	s8 =	simm.s32 @!p0 $0x1BF5;
	p2 =	por !p2, p0  }
0x20: {  	[sflag:s8] =	ssyncset.s32 @!p0 $0xFFFFF086;
	s6 =	sadd.s32 @!p0 s3, s7;
	s7 =	simm.s32 @!p0 $0x108  }
0x21: {  	s3 =	sadd.s32 s3, s9;
	s6 =	sadd.s32 @!p0 $0x88, s6;
	s7 =	simm.s32 @p2 $0x1082  }
0x22: {  	[simem:s7], [sflag:s8] =	dma.local @!p0 [hbm:s6], $0xF7A  }
0x23: {  	s9 =	sor.u32 $0xD0000000, s2;
	s6 =	simm.s32 $0x108;
	_ =	swait.ge @!p0 [sflag:s8], $0x0  }
0x24: {  	s3 =	sadd.s32 $0x88, s3;
	s6 =	simm.s32 @!p1 $0x1082;
	[sflag:s4] =	ssyncset.s32 $0xFFFFF086  }
0x25: {  	[simem:s6], [sflag:s4] =	dma.local [hbm:s3], $0xF7A  }
0x26: {  	[smem:$0x3F92] =	sst s1;
	(tag) =	ssettag s2;
	_ =	strace s9  }
0x27: {  	s1 =	sld [smem:$0x3FA2]  }
0x28: {  	s2 =	sld [smem:$0x3FA3]  }
0x29: {  	s4 =	sld [smem:$0x3FA5]  }
0x2a: {  	p0 =	seq.s32 s5, $0x0;
	s5 =	sld [smem:$0x3FA6]  }
0x2b: {  	s6 =	sld [smem:$0x3FA7]  }
0x2c: {  	s7 =	sld [smem:$0x3FA8]  }
0x2d: {  	s3 =	simm.s32 $0x108;
	s8 =	sld [smem:$0x3FA9]  }
0x2e: {  	s3 =	simm.s32 @!p0 $0x1082;
	s9 =	sld [smem:$0x3FAA]  }
0x2f: {  	lr =	sadd.s32 s0, s3;
	s0 =	sld [smem:$0x3FA1]  }
0x30: {  	s3 =	sld [smem:$0x3FA4]  }
0x31: {  	[smem:$0x3FAD] =	sst s10  }
0x32: {  	s10 =	sld [smem:$0x3FAB];
	_ =	sdelay $0x3  }
0x33: {  	p0 =	seq.s32 s10, $0x1;
	s10 =	sld [smem:$0x3FAD];
	_ =	sdelay $0x3  }
0x34: {  	[smem:$0x3FAD] =	sst s10  }
0x35: {  	s10 =	sld [smem:$0x3FAC];
	_ =	sdelay $0x3  }
0x36: {  	p1 =	seq.s32 s10, $0x1;
	s10 =	sld [smem:$0x3FAD];
	_ =	sdelay $0x3  }
0x37: {  	[smem:$0x3FAD] =	sst s10  }
0x38: {  	s10 =	sld [smem:$0x3FAE]  }
0x39: {  	_ = 	snop;
	(pc) =	sbr.ind lr, $3  }
0x3a: {  	_ = 	snop  }
0x3b: {  	_ = 	snop  }
0x3c: {  	p2 =	seq.s32 s10, $0x1;
	s10 =	sld [smem:$0x3FAD]  }
0x3d: {  	_ =	shalt  }
0x3e: {  	_ =	shalt  }
0x3f: {  	_ =	shalt  }
0x40: {  	_ =	shalt  }
0x41: {  	_ =	shalt  }
0x42: {  	_ =	shalt  }
0x43: {  	_ =	shalt  }
0x44: {  	_ =	shalt  }
0x45: {  	_ =	shalt  }
0x46: {  	_ =	shalt  }
0x47: {  	_ =	shalt  }
0x48: {  	_ =	shalt  }
0x49: {  	_ =	shalt  }
0x4a: {  	_ =	shalt  }
0x4b: {  	_ =	shalt  }
0x4c: {  	_ =	shalt  }
0x4d: {  	_ =	shalt  }
0x4e: {  	_ =	shalt  }
0x4f: {  	_ =	shalt  }
0x50: {  	_ =	shalt  }
0x51: {  	_ =	shalt  }
0x52: {  	_ =	shalt  }
0x53: {  	_ =	shalt  }
0x54: {  	_ =	shalt  }
0x55: {  	_ =	shalt  }
0x56: {  	_ =	shalt  }
0x57: {  	_ =	shalt  }
0x58: {  	_ =	shalt  }
0x59: {  	_ =	shalt  }
0x5a: {  	_ =	shalt  }
0x5b: {  	_ =	shalt  }
0x5c: {  	_ =	shalt  }
0x5d: {  	_ =	shalt  }
0x5e: {  	_ =	shalt  }
0x5f: {  	_ =	shalt  }
0x60: {  	_ =	shalt  }
0x61: {  	_ =	shalt  }
0x62: {  	_ =	shalt  }
0x63: {  	_ =	shalt  }
0x64: {  	_ =	shalt  }
0x65: {  	_ =	shalt  }
0x66: {  	_ =	shalt  }
0x67: {  	_ =	shalt  }
0x68: {  	_ =	shalt  }
0x69: {  	_ =	shalt  }
0x6a: {  	_ =	shalt  }
0x6b: {  	_ =	shalt  }
0x6c: {  	_ =	shalt  }
0x6d: {  	_ =	shalt  }
0x6e: {  	_ =	shalt  }
0x6f: {  	_ =	shalt  }
0x70: {  	_ =	shalt  }
0x71: {  	_ =	shalt  }
0x72: {  	_ =	shalt  }
0x73: {  	_ =	shalt  }
0x74: {  	_ =	shalt  }
0x75: {  	_ =	shalt  }
0x76: {  	_ =	shalt  }
0x77: {  	_ =	shalt  }
0x78: {  	_ =	shalt  }
0x79: {  	_ =	shalt  }
0x7a: {  	_ =	shalt  }
0x7b: {  	_ =	shalt  }
0x7c: {  	_ =	shalt  }
0x7d: {  	_ =	shalt  }
0x7e: {  	_ =	shalt  }
0x7f: {  	_ =	shalt  }
0x80: {  	_ =	shalt  }
0x81: {  	_ =	shalt  }
0x82: {  	_ =	shalt  }
0x83: {  	_ =	shalt  }
0x84: {  	_ =	shalt  }
0x85: {  	_ =	shalt  }
0x86: {  	_ =	shalt  }
0x87: {  	_ =	shalt  }
.Lfunc_end0:
.L_simem_size_0:
called_computation.3_lowered:
.L_overlay_start_0:
0x88: {  	s2 =	sld [smem:$0x3FD9]  }
0x89: {  	s3 =	sld [smem:$0x3FFE];
	_ =	sdelay $0x1  }
0x8a: {  	s1 =	srdreg.scid  }
0x8b: {  	s0 =	sand.u32 $0x1, s1  }
0x8c: {  	s16 =	sshll.u32 s0, $0xA;
	s2 =	sadd.s32 s3, s2  }
0x8d: {  	s2 =	sadd.s32 s2, s16  }
0x8e: {  	[smem:$0x3FB9] =	sst s2  }
0x8f: {  	_ = 	snop  }
0x90: {  	(tm) =	ssettm $0x1  }
0x91: {  	s17 =	sld [smem:$0x3FFB];
	_ =	sdelay $0x3  }
0x92: {  	_ =	strace s17  }
0x93: {  	s2 =	sld [smem:$0x3FFC];
	_ =	sdelay $0x3  }
0x94: {  	_ =	strace s2  }
0x95: {  	s2 =	sld [smem:$0x3FFD];
	_ =	sdelay $0x3  }
0x96: {  	_ =	strace s2  }
0x97: {  	_ =	strace $0x8FFFFFFF  }
0x98: {  	s18 =	sld [smem:$0x3FDB];
	_ =	sdelay $0x1  }
0x99: {  	s19 =	simm.s32 $_scs_section_size  }
0x9a: {  	s4 =	simm.s32 $_size__tile_overlayer_lowered;
	s5 =	simm.s32 $_tile_overlayer_lowered  }
0x9b: {  	s22 =	simm.s32 $0x1BFF;
	s21 =	sshll.u32 s5, $0x1;
	s2 =	sadd.s32 s19, s18  }
0x9c: {  	s6 =	simm.s32 $0x0;
	s20 =	sshll.u32 s4, $0x1;
	s4 =	sadd.s32 s21, s2  }
0x9d: {  	[timem:s6], [sflag:s22] =	dma.local [hbm:s4], s20  }
0x9e: {  	_ =	swait.ge [sflag:s22], s20  }
0x9f: {  	s3 =	ssub.s32 $0x0, s20;
	[sflag:s22] =	ssyncset.done $0x0  }
0xa0: {  	[sflag:s22] =	ssyncadd.s32 s3;
	_ =	sdelay $0x1  }
0xa1: {  	s23 =	simm.s32 $0x1B8B  }
0xa2: {  	_ =	swait.ge [sflag:s23], $0x1  }
0xa3: {  	[sflag:s23] =	ssyncset.done $0x0  }
0xa4: {  	s25 =	simm.s32 $0x1B8E;
	s24 =	sld [smem:$0x3FFE];
	[sflag:s23] =	ssyncadd.s32 $0xFFFFFFFF  }
0xa5: {  	s26 =	simm.s32 $execute0_lowered;
	[smem:$0x3FD2] =	sst s25  }
0xa6: {  	s4 =	sshll.u32 s26, $0x1;
	_ =	strace $0x8000004F;
	[dreg:$0x1] =	wrdreg $0xFFFFFFFF  }
0xa7: {  	s28 =	simm.s32 $_size_execute0_lowered;
	s2 =	sadd.s32 s2, s4;
	[dreg:$0x0] =	wrdreg $0x0  }
0xa8: {  	s4 =	sshll.u32 s28, $0x1;
	[dreg:$0x2] =	wrdreg s2  }
0xa9: {  	[dreg:$0x3] =	wrdreg s4  }
0xaa: {  	[dreg:$0x4] =	wrdreg $0xC0  }
0xab: {  	_ =	task [dreg:s6], $0x5FFFF  }
0xac: {  	[dreg:$0x1] =	wrdreg $0xFFFFFFFF  }
0xad: {  	[dreg:$0x0] =	wrdreg $0x60  }
0xae: {  	[dreg:$0x2] =	wrdreg s24  }
0xaf: {  	[dreg:$0x3] =	wrdreg $0xA8000  }
0xb0: {  	[dreg:$0x4] =	wrdreg $0x9  }
0xb1: {  	_ =	task.clear_ibuf [dreg:s6], $0x5FFFF;
	_ =	strace $0x9000004F  }
0xb2: {  	s29 =	simm.s32 $0x9;
	_ =	strace $0x80000051  }
0xb3: {  	_ =	swait.ge [sflag:s29], $0x1  }
0xb4: {  	[sflag:s29] =	ssyncadd.s32 $0xFFFFFFFF  }
0xb5: {  	_ =	strace $0x90000051  }
0xb6: {  	_ =	sfence  }
0xb7: {  	s30 =	sld [smem:$0x0];
	_ =	sdelay $0x2  }
0xb8: {  	s31 =	sshll.u32 s1, $0xD;
	s1 =	sshrl.u32 s1, $0x2  }
0xb9: {  	s3 =	sand.u32 $0x4000, s31;
	s1 =	sadd.s32 s1, s30  }
0xba: {  	s0 =	sor.u32 s3, s0;
	s1 =	sshll.u32 s1, $0x11  }
0xbb: {  	s0 =	sor.u32 s1, s0  }
0xbc: {  	s0 =	sadd.s32 $0x8F2B, s0  }
0xbd: {  	[sflag:s0] =	ssyncadd.remote.s32 $0x1  }
0xbe: {  	_ =	sfence.sel $0xFFFF  }
0xbf: {  	[dreg:$0x0] =	wrdreg $0xFFFFFFFF;
	(pc) =	sbr.abs _section_cstart, $3  }
0xc0: {  	[dreg:$0x1] =	wrdreg $0xFFFFFFFF  }
0xc1: {  	_ =	task.clear_ibuf [dreg:s6], $0x2FFFF;
	_ =	strace $0x9FFFFFFF  }
0xc2: {  	(tm) =	ssettm $0x7FFFFFFF  }
0xc3: {  	_ =	shalt  }
tec
execute0_lowered:
.L_overlay_start_1:
0x0: {  	(tag) =	ssettag $0x1  }
0x1: {  	s6 =	rddreg [dreg:$0x0]  }
0x2: {  	s1 =	rddreg [dreg:$0x1]  }
0x3: {  	s0 =	rddreg [dreg:$0x2];
	s3 =	simm.s32 $0x0;
	s2 =	srdreg.scid  }
0x4: {  	s16 =	simm.s32 $0x80;
	s17 =	simm.s32 $0x2800;
	s18 =	simm.s32 $0x6800  }
0x5: {  	s19 =	simm.s32 $0x1;
	s20 =	simm.s32 $0x2;
	s21 =	simm.s32 $0x3  }
0x6: {  	s22 =	simm.s32 $0x4;
	s23 =	simm.s32 $0x2700;
	s24 =	simm.s32 $0x2780  }
0x7: {  	[smem:$0x7FF] =	sst s3;
	s7 =	sand.u32 $0x1, s2;
	s2 =	stileid.u32  }
0x8: {  	s4 =	sadd.s32 $0x2BA00, s6;
	s10 =	sadd.s32 $0x21A00, s6;
	s11 =	sadd.s32 $0x3C00, s6  }
0x9: {  	s5 =	sadd.s32 $0xDC00, s6;
	s8 =	smul.u32 $0x13C000, s7;
	_ =	strace $0x80000050  }
0xa: {  	s9 =	smul.u32 $0x13C00, s2;
	s25 =	sshll.u32 s2, $0x1;
	s12 =	ssub.s32 $0x2, s7  }
0xb: {  	s26 =	smul.u32 $0x4F000, s2;
	s30 =	sshll.u32 s2, $0x6;
	s7 =	sor.u32 s7, s25  }
0xc: {  	s13 =	sshrl.u32 s12, $0x1;
	s25 =	simm.s32 $0x0;
	s8 =	sadd.s32 s9, s8  }
0xd: {  	s7 =	smul.u32 $0x2800, s7;
	s12 =	ssub.s32 s12, s13;
	s28 =	sshrl.u32 s26, $0x2  }
0xe: {  	s8 =	sshrl.u32 s8, $0x3;
	s29 =	sadd.s32 s28, s1;
	s12 =	smax.u32 s12, $0x1  }
0xf: {  	s14 =	sadd.s32 s8, s6;
	s31 =	sshrl.u32 s7, $0x3;
	s6 =	sor.u32 $0x1C05, s30  }
0x10: {  	s13 =	sshrl.u32 s29, $0x3;
	s7 =	sadd.s32 s10, s31;
	s15 =	sadd.s32 $0x280, s31  }
0x11: {  	s8 =	sadd.s32 s11, s31;
	s9 =	sadd.s32 s10, s15;
	s10 =	sadd.s32 s11, s15  }
0x12: {  	s11 =	sadd.s32 $0x53200, s14;
	s14 =	simm.s32 $0x5;
	s15 =	simm.s32 $0x1400  }
.LBB2_1:
0x13: {  	[spmem:s13], [sflag:s6] =	dma.local [hbm:s5], $0x2780  }
0x14: {  	_ =	swait.ge [sflag:s14], $0x2780  }
0x15: {  	[sflag:s14] =	ssyncset.done $0x0  }
0x16: {  	[sflag:s14] =	ssyncadd.s32 $0xFFFFD880  }
0x17: {  	[bflag:$0x0] =	sbarrier.arrive $0xFFFF  }
0x18: {  	[tilespmem:s3], [sflag:$0x5] =	stream.linear.gather [hbm4b:s7+s3], $0x1400, $0x38;
	[tilespmem:$0x1E400] =	vst v63  }
0x19: {  	_ =	swait.ge [sflag:s14], $0x1400  }
0x1a: {  	[sflag:s14] =	ssyncset.done $0x0  }
0x1b: {  	[sflag:s14] =	ssyncadd.s32 $0xFFFFEC00  }
0x1c: {  	[tilespmem:s15], [sflag:$0x5] =	stream.linear.gather [hbm4b:s8+s3], $0x1400, $0x38;
	[tilespmem:$0x1E400] =	vst v63  }
0x1d: {  	_ =	swait.ge [sflag:s14], $0x1400  }
0x1e: {  	[sflag:s14] =	ssyncset.done $0x0  }
0x1f: {  	[sflag:s14] =	ssyncadd.s32 $0xFFFFEC00  }
0x20: {  	[tilespmem:s17], [sflag:$0x1] =	stream.indirect.gather [hbm4b:s4+s16], $0x80, s3, s16, $0xb8;
	[tilespmem:$0x1E400] =	vst v63  }
0x21: {  	_ = 	snop  }
0x22: {  	[tilespmem:s18], [sflag:$0x2] =	stream.indirect.gather [hbm4b:s4+s16], $0x80, s16, s16, $0xb8;
	[tilespmem:$0x1E400] =	vst v63  }
0x23: {  	_ =	swait.ge [sflag:s19], $0x4000  }
0x24: {  	[sflag:s19] =	ssyncset.done $0x0  }
0x25: {  	s26 =	simm.s32 $0x1400;
	[sflag:s19] =	ssyncadd.s32 $0xFFFFC000  }
0x26: {  	[spmem:s1] =	stream.indirect.scatter.add.f32 [tilespmem:s17], [sflag:$0x3], $0x80, s26, s16, $0xb8;
	[tilespmem:$0x1E400] =	vst v63  }
0x27: {  	_ =	swait.ge [sflag:s20], $0x4000  }
0x28: {  	[sflag:s20] =	ssyncset.done $0x0  }
0x29: {  	s30 =	simm.s32 $0x1480;
	[sflag:s20] =	ssyncadd.s32 $0xFFFFC000  }
0x2a: {  	[spmem:s1] =	stream.indirect.scatter.add.f32 [tilespmem:s18], [sflag:$0x4], $0x80, s30, s16, $0xb8;
	[tilespmem:$0x1E400] =	vst v63  }
0x2b: {  	_ =	swait.ge [sflag:s21], $0x4000  }
0x2c: {  	[sflag:s21] =	ssyncset.done $0x0  }
0x2d: {  	s31 =	simm.s32 $0x100;
	[sflag:s21] =	ssyncadd.s32 $0xFFFFC000  }
0x2e: {  	[tilespmem:s17], [sflag:$0x1] =	stream.indirect.gather [hbm4b:s4+s16], $0x80, s31, s16, $0xb8;
	[tilespmem:$0x1E400] =	vst v63  }
0x2f: {  	_ =	swait.ge [sflag:s22], $0x4000  }
0x30: {  	[sflag:s22] =	ssyncset.done $0x0  }
0x31: {  	s28 =	simm.s32 $0x180;
	s26 =	simm.s32 $0x400;
	[sflag:s22] =	ssyncadd.s32 $0xFFFFC000  }
.LBB2_2:
0x32: {  	[tilespmem:s18], [sflag:$0x2] =	stream.indirect.gather [hbm4b:s4+s16], $0x80, s28, s16, $0xb8;
	[tilespmem:$0x1E400] =	vst v63  }
0x33: {  	s28 =	smov.u32 s26  }
0x34: {  	p0 =	sne.s32 s26, $0x4800;
	s26 =	sadd.s32 $0x400, s26;
	_ =	swait.ge [sflag:s19], $0x4000  }
0x35: {  	s28 =	sshra.s32 s28, $0x2;
	[sflag:s19] =	ssyncset.done $0x0  }
0x36: {  	s29 =	sadd.s32 $0x1400, s28;
	[sflag:s19] =	ssyncadd.s32 $0xFFFFC000  }
0x37: {  	[spmem:s1] =	stream.indirect.scatter.add.f32 [tilespmem:s17], [sflag:$0x3], $0x80, s29, s16, $0xb8;
	[tilespmem:$0x1E400] =	vst v63  }
0x38: {  	_ =	swait.ge [sflag:s20], $0x4000  }
0x39: {  	[sflag:s20] =	ssyncset.done $0x0  }
0x3a: {  	s29 =	sadd.s32 $0x1480, s28;
	[sflag:s20] =	ssyncadd.s32 $0xFFFFC000  }
0x3b: {  	[spmem:s1] =	stream.indirect.scatter.add.f32 [tilespmem:s18], [sflag:$0x4], $0x80, s29, s16, $0xb8;
	[tilespmem:$0x1E400] =	vst v63  }
0x3c: {  	_ =	swait.ge [sflag:s21], $0x4000  }
0x3d: {  	[sflag:s21] =	ssyncset.done $0x0  }
.Ltmp0:
0x3e: {  	s29 =	sadd.s32 $0x100, s28;
	[sflag:s21] =	ssyncadd.s32 $0xFFFFC000;
	(pc) =	sbr.rel @p0 .LBB2_2-.Ltmp0, $4  }
0x3f: {  	[tilespmem:s17], [sflag:$0x1] =	stream.indirect.gather [hbm4b:s4+s16], $0x80, s29, s16, $0xb8;
	[tilespmem:$0x1E400] =	vst v63  }
0x40: {  	_ =	swait.ge [sflag:s22], $0x4000  }
0x41: {  	[sflag:s22] =	ssyncset.done $0x0  }
0x42: {  	s28 =	sadd.s32 $0x180, s28;
	[sflag:s22] =	ssyncadd.s32 $0xFFFFC000  }
0x43: {  	[tilespmem:s18], [sflag:$0x2] =	stream.indirect.gather [hbm4b:s4+s16], $0x80, s28, s16, $0xb8;
	[tilespmem:$0x1E400] =	vst v63  }
0x44: {  	_ =	swait.ge [sflag:s19], $0x4000  }
0x45: {  	[sflag:s19] =	ssyncset.done $0x0  }
0x46: {  	[sflag:s19] =	ssyncadd.s32 $0xFFFFC000  }
0x47: {  	[spmem:s1] =	stream.indirect.scatter.add.f32 [tilespmem:s17], [sflag:$0x3], $0x80, s23, s16, $0xb8;
	[tilespmem:$0x1E400] =	vst v63  }
0x48: {  	_ =	swait.ge [sflag:s20], $0x4000  }
0x49: {  	[sflag:s20] =	ssyncset.done $0x0  }
0x4a: {  	[sflag:s20] =	ssyncadd.s32 $0xFFFFC000  }
0x4b: {  	[spmem:s1] =	stream.indirect.scatter.add.f32 [tilespmem:s18], [sflag:$0x4], $0x80, s24, s16, $0xb8;
	[tilespmem:$0x1E400] =	vst v63  }
0x4c: {  	_ =	swait.ge [sflag:s21], $0x4000  }
0x4d: {  	[sflag:s21] =	ssyncset.done $0x0  }
0x4e: {  	[sflag:s21] =	ssyncadd.s32 $0xFFFFC000  }
0x4f: {  	_ =	swait.ge [sflag:s22], $0x4000  }
0x50: {  	[sflag:s22] =	ssyncset.done $0x0  }
0x51: {  	s26 =	simm.s32 $0x0;
	[sflag:s22] =	ssyncadd.s32 $0xFFFFC000  }
0x52: {  	[tilespmem:s26], [sflag:$0x5] =	stream.linear.gather [hbm4b:s9+s26], $0x1400, $0x38;
	[tilespmem:$0x1E400] =	vst v63  }
0x53: {  	_ =	swait.ge [sflag:s14], $0x1400  }
0x54: {  	[sflag:s14] =	ssyncset.done $0x0  }
0x55: {  	[sflag:s14] =	ssyncadd.s32 $0xFFFFEC00  }
0x56: {  	[tilespmem:s15], [sflag:$0x5] =	stream.linear.gather [hbm4b:s10+s26], $0x1400, $0x38;
	[tilespmem:$0x1E400] =	vst v63  }
0x57: {  	_ =	swait.ge [sflag:s14], $0x1400  }
0x58: {  	[sflag:s14] =	ssyncset.done $0x0  }
0x59: {  	[sflag:s14] =	ssyncadd.s32 $0xFFFFEC00  }
0x5a: {  	[tilespmem:s17], [sflag:$0x1] =	stream.indirect.gather [hbm4b:s4+s16], $0x80, s26, s16, $0xb8;
	[tilespmem:$0x1E400] =	vst v63  }
0x5b: {  	_ = 	snop  }
0x5c: {  	[tilespmem:s18], [sflag:$0x2] =	stream.indirect.gather [hbm4b:s4+s16], $0x80, s16, s16, $0xb8;
	[tilespmem:$0x1E400] =	vst v63  }
0x5d: {  	_ =	swait.ge [sflag:s19], $0x4000  }
0x5e: {  	[sflag:s19] =	ssyncset.done $0x0  }
0x5f: {  	s29 =	simm.s32 $0x1400;
	[sflag:s19] =	ssyncadd.s32 $0xFFFFC000  }
0x60: {  	[spmem:s1] =	stream.indirect.scatter.add.f32 [tilespmem:s17], [sflag:$0x3], $0x80, s29, s16, $0xb8;
	[tilespmem:$0x1E400] =	vst v63  }
0x61: {  	_ =	swait.ge [sflag:s20], $0x4000  }
0x62: {  	[sflag:s20] =	ssyncset.done $0x0  }
0x63: {  	s30 =	simm.s32 $0x1480;
	[sflag:s20] =	ssyncadd.s32 $0xFFFFC000  }
0x64: {  	[spmem:s1] =	stream.indirect.scatter.add.f32 [tilespmem:s18], [sflag:$0x4], $0x80, s30, s16, $0xb8;
	[tilespmem:$0x1E400] =	vst v63  }
0x65: {  	_ =	swait.ge [sflag:s21], $0x4000  }
0x66: {  	[sflag:s21] =	ssyncset.done $0x0  }
0x67: {  	s31 =	simm.s32 $0x100;
	[sflag:s21] =	ssyncadd.s32 $0xFFFFC000  }
0x68: {  	[tilespmem:s17], [sflag:$0x1] =	stream.indirect.gather [hbm4b:s4+s16], $0x80, s31, s16, $0xb8;
	[tilespmem:$0x1E400] =	vst v63  }
0x69: {  	_ =	swait.ge [sflag:s22], $0x4000  }
0x6a: {  	[sflag:s22] =	ssyncset.done $0x0  }
0x6b: {  	s28 =	simm.s32 $0x180;
	s26 =	simm.s32 $0x400;
	[sflag:s22] =	ssyncadd.s32 $0xFFFFC000  }
.LBB2_4:
0x6c: {  	[tilespmem:s18], [sflag:$0x2] =	stream.indirect.gather [hbm4b:s4+s16], $0x80, s28, s16, $0xb8;
	[tilespmem:$0x1E400] =	vst v63  }
0x6d: {  	s28 =	smov.u32 s26  }
0x6e: {  	p0 =	sne.s32 s26, $0x4800;
	s26 =	sadd.s32 $0x400, s26;
	_ =	swait.ge [sflag:s19], $0x4000  }
0x6f: {  	s28 =	sshra.s32 s28, $0x2;
	[sflag:s19] =	ssyncset.done $0x0  }
0x70: {  	s29 =	sadd.s32 $0x1400, s28;
	[sflag:s19] =	ssyncadd.s32 $0xFFFFC000  }
0x71: {  	[spmem:s1] =	stream.indirect.scatter.add.f32 [tilespmem:s17], [sflag:$0x3], $0x80, s29, s16, $0xb8;
	[tilespmem:$0x1E400] =	vst v63  }
0x72: {  	_ =	swait.ge [sflag:s20], $0x4000  }
0x73: {  	[sflag:s20] =	ssyncset.done $0x0  }
0x74: {  	s29 =	sadd.s32 $0x1480, s28;
	[sflag:s20] =	ssyncadd.s32 $0xFFFFC000  }
0x75: {  	[spmem:s1] =	stream.indirect.scatter.add.f32 [tilespmem:s18], [sflag:$0x4], $0x80, s29, s16, $0xb8;
	[tilespmem:$0x1E400] =	vst v63  }
0x76: {  	_ =	swait.ge [sflag:s21], $0x4000  }
0x77: {  	[sflag:s21] =	ssyncset.done $0x0  }
.Ltmp1:
0x78: {  	s29 =	sadd.s32 $0x100, s28;
	[sflag:s21] =	ssyncadd.s32 $0xFFFFC000;
	(pc) =	sbr.rel @p0 .LBB2_4-.Ltmp1, $4  }
0x79: {  	[tilespmem:s17], [sflag:$0x1] =	stream.indirect.gather [hbm4b:s4+s16], $0x80, s29, s16, $0xb8;
	[tilespmem:$0x1E400] =	vst v63  }
0x7a: {  	_ =	swait.ge [sflag:s22], $0x4000  }
0x7b: {  	[sflag:s22] =	ssyncset.done $0x0  }
0x7c: {  	s28 =	sadd.s32 $0x180, s28;
	[sflag:s22] =	ssyncadd.s32 $0xFFFFC000  }
0x7d: {  	[tilespmem:s18], [sflag:$0x2] =	stream.indirect.gather [hbm4b:s4+s16], $0x80, s28, s16, $0xb8;
	[tilespmem:$0x1E400] =	vst v63  }
0x7e: {  	_ =	swait.ge [sflag:s19], $0x4000  }
0x7f: {  	[sflag:s19] =	ssyncset.done $0x0  }
0x80: {  	[sflag:s19] =	ssyncadd.s32 $0xFFFFC000  }
0x81: {  	[spmem:s1] =	stream.indirect.scatter.add.f32 [tilespmem:s17], [sflag:$0x3], $0x80, s23, s16, $0xb8;
	[tilespmem:$0x1E400] =	vst v63  }
0x82: {  	_ =	swait.ge [sflag:s20], $0x4000  }
0x83: {  	[sflag:s20] =	ssyncset.done $0x0  }
0x84: {  	[sflag:s20] =	ssyncadd.s32 $0xFFFFC000  }
0x85: {  	[spmem:s1] =	stream.indirect.scatter.add.f32 [tilespmem:s18], [sflag:$0x4], $0x80, s24, s16, $0xb8;
	[tilespmem:$0x1E400] =	vst v63  }
0x86: {  	_ =	swait.ge [sflag:s21], $0x4000  }
0x87: {  	[sflag:s21] =	ssyncset.done $0x0  }
0x88: {  	[sflag:s21] =	ssyncadd.s32 $0xFFFFC000  }
0x89: {  	_ =	swait.ge [sflag:s22], $0x4000  }
0x8a: {  	s25 =	sadd.s32 $0x1, s25;
	[sflag:s22] =	ssyncset.done $0x0  }
0x8b: {  	p0 =	sne.s32 s25, s12;
	[sflag:s22] =	ssyncadd.s32 $0xFFFFC000  }
.Ltmp2:
0x8c: {  	[bflag:$0x0] =	sbarrier.arrive $0xFFFF;
	(pc) =	sbr.rel @p0 .LBB2_1-.Ltmp2, $4  }
0x8d: {  	[hbm:s11], [sflag:s6] =	dma.local [spmem:s13], $0x2780  }
0x8e: {  	_ =	swait.ge [sflag:s14], $0x2780  }
0x8f: {  	[sflag:s14] =	ssyncset.done $0x0  }
0x90: {  	[sflag:s14] =	ssyncadd.s32 $0xFFFFD880  }
0x91: {  	_ =	sfence.sel $0x180000  }
0x92: {  	[bflag:$0x0] =	sbarrier.arrive $0xFFFF  }
0x93: {  	p0 =	sne.s32 s2, $0x0;
	_ =	strace $0x90000050  }
0x94: {  	s0 =	sadd.s32 @!p0 $0x100000, s0;
	[bflag:$0x2] =	sbarrier.arrive $0xFFFF  }
0x95: {  	[sflag:s0] =	ssyncadd.tile.s32 @!p0 $0x1;
	_ =	shalt  }
.Lfunc_end2:
_tile_overlayer_lowered:
.L_overlay_start_2:
0x96: {  	(tag) =	ssettag $0x2  }
0x97: {  	s0 =	rddreg [dreg:$0x0];
	s2 =	stileid.u32  }
0x98: {  	s1 =	rddreg [dreg:$0x1];
	p0 =	sne.s32 s2, $0x0  }
0x99: {  	s3 =	rddreg [dreg:$0x2];
	[bflag:$0x3] =	sbarrier.arrive $0xFFFF;
	s2 =	simm.s32 @!p0 $0x1C05  }
0x9a: {  	[timem:s3], [sflag:s2] =	dma.local @!p0 [hbm:s0], s1  }
0x9b: {  	s0 =	simm.s32 @!p0 $0x5  }
0x9c: {  	_ =	swait.ge @!p0 [sflag:s0], s1  }
0x9d: {  	s1 =	ssub.s32 @!p0 $0x0, s1;
	[sflag:s0] =	ssyncset.done @!p0 $0x0  }
0x9e: {  	[sflag:s0] =	ssyncadd.s32 @!p0 s1  }
0x9f: {  	[bflag:$0x3] =	sbarrier.arrive $0xFFFF  }
0xa0: {  	_ =	shalt  }

</sc_bundles>
